<compile_context>
chip_gen: v7x
topology: tpu7x:2x2x1
jax: 0.10.2.dev20260603
libtpu: 0.0.44.dev20260713+nightly
codegen_flags: <defaults>
</compile_context>

<pallas_src>
import functools

import jax
import jax.numpy as jnp
from jax import lax
from jax.experimental import pallas as pl
from jax.experimental.pallas import tpu as pltpu
from jax.experimental.pallas import tpu_sc as plsc

N = 10000
E = 320000
D = 128
MIN_NORM = 1e-15
EPS = 4e-3

NC = 2
NS = 16
NW = NC * NS
EC = E // NW
CH = 40
NCHUNK = EC // CH
NPAD = 10240
RPT = NPAD // NS
ZR = 32
BR3 = 1024


def _artanh(x):
    x = jnp.clip(x, -1.0 + 1e-7, 1.0 - 1e-7)
    return 0.5 * (jnp.log1p(x) - jnp.log1p(-x))


def _norm(x):
    return jnp.maximum(
        jnp.sqrt(jnp.sum(x * x, axis=-1, keepdims=True)), MIN_NORM)


def _proj(x, c):
    norm = _norm(x)
    maxnorm = (1.0 - EPS) / jnp.sqrt(c)
    return jnp.where(norm > maxnorm, x / norm * maxnorm, x)


def _expmap0(u, c):
    sc = jnp.sqrt(c)
    un = _norm(u)
    return jnp.tanh(sc * un) * u / (sc * un)


def _logmap0(p, c):
    sc = jnp.sqrt(c)
    pn = _norm(p)
    return _artanh(sc * pn) * p / (sc * pn)


def _mobius_add(x, y, c):
    x2 = jnp.sum(x * x, axis=-1, keepdims=True)
    y2 = jnp.sum(y * y, axis=-1, keepdims=True)
    xy = jnp.sum(x * y, axis=-1, keepdims=True)
    num = (1.0 + 2.0 * c * xy + c * y2) * x + (1.0 - c * x2) * y
    denom = 1.0 + 2.0 * c * xy + c * c * x2 * y2
    return num / jnp.maximum(denom, MIN_NORM)


def _stage1_body(x_ref, w_ref, b_ref, e_ref, xt_ref, src_ref, dst_ref):
    c = 1.0
    x = x_ref[...]
    w = w_ref[...]
    hb = _proj(_expmap0(b_ref[...], c), c)
    xn = _norm(x)
    mx = lax.dot_general(x, w, (((1,), (1,)), ((), ())),
                         preferred_element_type=jnp.float32)
    mxn = _norm(mx)
    res = jnp.tanh(mxn / xn * _artanh(xn)) * mx / mxn
    cond = jnp.all(mx == 0.0, axis=-1, keepdims=True)
    res = jnp.where(cond, jnp.zeros_like(res), res)
    res = _proj(res, c)
    h = _proj(_mobius_add(res, hb, c), c)
    xt_ref[...] = _logmap0(h, c)
    @pl.when(pl.program_id(0) == 0)
    def _():
        e2 = e_ref[...]
        src_ref[...] = e2[0]
        dst_ref[...] = e2[1]


NBUF = 5
NGROUP = NCHUNK // NBUF


def _agg_body(xt_hbm, src_hbm, dst_hbm, agg_hbm, deg_hbm,
              src_idx, dst_idx, rows, onesv, zrow,
              sem_i, g0, g1, g2, g3, g4, s0, s1, s2, s3, s4,
              agg_sh, deg_sh):
    gsem = [g0, g1, g2, g3, g4]
    ssem = [s0, s1, s2, s3, s4]
    cid = lax.axis_index("c")
    sid = lax.axis_index("s")
    wid = cid * NS + sid

    z16 = jnp.zeros((16,), jnp.float32)
    o16 = jnp.ones((16,), jnp.float32)

    def fill_zrow(i, _):
        r, q = i // (D // 16), i % (D // 16)
        zrow[r, pl.ds(q * 16, 16)] = z16
        return 0

    lax.fori_loop(0, ZR * (D // 16), fill_zrow, 0)

    for o in (0, 16, CH - 16):
        onesv[pl.ds(o, 16)] = o16

    base_r = sid * RPT
    for m in range(RPT // ZR):
        pltpu.async_copy(zrow, agg_sh.at[pl.ds(base_r + m * ZR, ZR)], g0)
    for m in range(RPT // D):
        pltpu.async_copy(zrow.at[0], deg_sh.at[pl.ds(base_r + m * D, D)], g0)

    ebase = wid * EC

    def idx_group(t, p):
        for b in range(NBUF):
            pltpu.async_copy(
                src_hbm.at[pl.ds(ebase + (t * NBUF + b) * CH, CH)],
                src_idx.at[p, b], sem_i)
            pltpu.async_copy(
                dst_hbm.at[pl.ds(ebase + (t * NBUF + b) * CH, CH)],
                dst_idx.at[p, b], sem_i)

    def drain_idx():
        for _ in range(2 * NBUF):
            pltpu.make_async_copy(src_hbm.at[pl.ds(0, CH)],
                                  dst_idx.at[0, 0], sem_i).wait()

    def wait_gather(b):
        pltpu.make_async_copy(xt_hbm.at[pl.ds(0, 24)],
                              rows.at[b, pl.ds(0, 24)], gsem[b]).wait()
        pltpu.make_async_copy(xt_hbm.at[pl.ds(0, 16)],
                              rows.at[b, pl.ds(24, 16)], gsem[b]).wait()

    def wait_scatter(b):
        pltpu.make_async_copy(xt_hbm.at[pl.ds(0, CH)], rows.at[b],
                              ssem[b]).wait()
        pltpu.make_async_copy(deg_hbm.at[pl.ds(0, CH)], onesv,
                              ssem[b]).wait()

    idx_group(0, 0)
    idx_group(1, 1)
    for m in range(RPT // ZR):
        pltpu.make_async_copy(zrow, agg_sh.at[pl.ds(base_r, ZR)], g0).wait()
    for m in range(RPT // D):
        pltpu.make_async_copy(zrow.at[0], deg_sh.at[pl.ds(base_r, D)],
                              g0).wait()
    plsc.subcore_barrier()

    def group(t, _):
        p = t % 3

        drain_idx()
        for b in range(NBUF):
            @pl.when(t > 0)
            def _(b=b):
                wait_scatter(b)

            pltpu.async_copy(xt_hbm.at[src_idx.at[p, b, pl.ds(0, 24)]],
                             rows.at[b, pl.ds(0, 24)], gsem[b])
            pltpu.async_copy(xt_hbm.at[src_idx.at[p, b, pl.ds(24, 16)]],
                             rows.at[b, pl.ds(24, 16)], gsem[b])

        @pl.when(t < NGROUP - 2)
        def _():
            idx_group(t + 2, (t + 2) % 3)

        for b in range(NBUF):
            wait_gather(b)
            pltpu.async_copy(rows.at[b], agg_sh.at[dst_idx.at[p, b]],
                             ssem[b], add=True)
            pltpu.async_copy(onesv, deg_sh.at[dst_idx.at[p, b]],
                             ssem[b], add=True)
        return 0

    lax.fori_loop(0, NGROUP, group, 0)
    for b in range(NBUF):
        wait_scatter(b)
    plsc.subcore_barrier()

    pltpu.sync_copy(agg_sh.at[pl.ds(base_r, RPT)],
                    agg_hbm.at[cid, pl.ds(base_r, RPT)])
    pltpu.sync_copy(deg_sh.at[pl.ds(base_r, RPT)],
                    deg_hbm.at[pl.ds(cid * NPAD + base_r, RPT)])


@functools.cache
def _agg_call():
    return pl.kernel(
        _agg_body,
        out_type=[
            jax.ShapeDtypeStruct((NC, NPAD, D), jnp.float32),
            jax.ShapeDtypeStruct((NC * NPAD,), jnp.float32),
        ],
        mesh=plsc.VectorSubcoreMesh(core_axis_name="c", subcore_axis_name="s",
                                    num_cores=NC, num_subcores=NS),
        scratch_types=[
            pltpu.VMEM((3, NBUF, CH), jnp.int32),
            pltpu.VMEM((3, NBUF, CH), jnp.int32),
            pltpu.VMEM((NBUF, CH, D), jnp.float32),
            pltpu.VMEM((CH,), jnp.float32),
            pltpu.VMEM((ZR, D), jnp.float32),
            pltpu.SemaphoreType.DMA,
            pltpu.SemaphoreType.DMA,
            pltpu.SemaphoreType.DMA,
            pltpu.SemaphoreType.DMA,
            pltpu.SemaphoreType.DMA,
            pltpu.SemaphoreType.DMA,
            pltpu.SemaphoreType.DMA,
            pltpu.SemaphoreType.DMA,
            pltpu.SemaphoreType.DMA,
            pltpu.SemaphoreType.DMA,
            pltpu.SemaphoreType.DMA,
            pltpu.VMEM_SHARED((NPAD, D), jnp.float32),
            pltpu.VMEM_SHARED((NPAD,), jnp.float32),
        ],
    )


def _stage3_body(agg_ref, deg_ref, x_ref, k_ref, out_ref):
    agg2 = agg_ref[...]
    agg = agg2[0] + agg2[1]
    degf = deg_ref[...]
    deg8 = degf[0] + degf[1]
    r8 = lax.broadcasted_iota(jnp.int32, (BR3, BR3 // 128), 0) // 128
    c8 = lax.broadcasted_iota(jnp.int32, (BR3, BR3 // 128), 1)
    sel = (r8 == c8).astype(jnp.float32)
    brows = lax.dot_general(sel, deg8, (((1,), (0,)), ((), ())),
                            preferred_element_type=jnp.float32)
    l2 = lax.broadcasted_iota(jnp.int32, (BR3, D), 1)
    r2 = lax.broadcasted_iota(jnp.int32, (BR3, D), 0) % 128
    deg = jnp.sum(jnp.where(l2 == r2, brows, 0.0), axis=-1, keepdims=True)
    x = x_ref[...]
    k = k_ref[0]
    agg = agg / jnp.maximum(deg, 1.0)
    h = _proj(_expmap0(agg, 1.0), 1.0)
    xt = jax.nn.relu(_logmap0(h, 1.0))
    out1 = _proj(_expmap0(xt, 1.0), 1.0)
    out_ref[...] = _mobius_add(out1, k * x, 1.0)


def kernel(x, edge_index, dist, W, b, k):
    BR = 1000
    nblk = N // BR

    x_t, src, dst = pl.pallas_call(
        _stage1_body,
        grid=(nblk,),
        in_specs=[
            pl.BlockSpec((BR, D), lambda i: (i, 0)),
            pl.BlockSpec((D, D), lambda i: (0, 0)),
            pl.BlockSpec((1, D), lambda i: (0, 0)),
            pl.BlockSpec((2, E), lambda i: (0, 0)),
        ],
        out_specs=[
            pl.BlockSpec((BR, D), lambda i: (i, 0)),
            pl.BlockSpec((E,), lambda i: (0,)),
            pl.BlockSpec((E,), lambda i: (0,)),
        ],
        out_shape=[
            jax.ShapeDtypeStruct((N, D), jnp.float32),
            jax.ShapeDtypeStruct((E,), jnp.int32),
            jax.ShapeDtypeStruct((E,), jnp.int32),
        ],
    )(x, W, b.reshape(1, -1), edge_index)

    agg_parts, deg_flat = _agg_call()(x_t, src, dst)
    deg_parts = deg_flat.reshape(NC, NPAD // 128, 128)

    out = pl.pallas_call(
        _stage3_body,
        grid=(NPAD // BR3,),
        in_specs=[
            pl.BlockSpec((NC, BR3, D), lambda i: (0, i, 0)),
            pl.BlockSpec((NC, BR3 // 128, 128), lambda i: (0, i, 0)),
            pl.BlockSpec((BR3, D), lambda i: (i, 0)),
            pl.BlockSpec(memory_space=pltpu.SMEM),
        ],
        out_specs=pl.BlockSpec((BR3, D), lambda i: (i, 0)),
        out_shape=jax.ShapeDtypeStruct((N, D), jnp.float32),
    )(agg_parts, deg_parts, x, k)

    return (out, edge_index, dist)

# --- scband reference (transcript-rebuilt; emitter-appended) ---
"""Pipeline reference for scband-res-net-block-49246095016351 (READ-ONLY COPY).

The authoritative reference and input builder live on the scoring server;
editing this copy changes nothing except your own understanding.
"""

import jax, jax.numpy as jnp
import numpy as np

N = 10000
E = 320000
D = 128
C_IN = 1.0
C_OUT = 1.0
MIN_NORM = 1e-15
EPS = 4e-3


def _artanh(x):
    x = jnp.clip(x, -1.0 + 1e-7, 1.0 - 1e-7)
    return 0.5 * (jnp.log1p(x) - jnp.log1p(-x))


def _norm(x):
    return jnp.maximum(jnp.linalg.norm(x, axis=-1, keepdims=True), MIN_NORM)


def _proj(x, c):
    norm = _norm(x)
    maxnorm = (1.0 - EPS) / jnp.sqrt(c)
    return jnp.where(norm > maxnorm, x / norm * maxnorm, x)


def _expmap0(u, c):
    sc = jnp.sqrt(c)
    un = _norm(u)
    return jnp.tanh(sc * un) * u / (sc * un)


def _logmap0(p, c):
    sc = jnp.sqrt(c)
    pn = _norm(p)
    return _artanh(sc * pn) * p / (sc * pn)


def _mobius_add(x, y, c):
    x2 = jnp.sum(x * x, axis=-1, keepdims=True)
    y2 = jnp.sum(y * y, axis=-1, keepdims=True)
    xy = jnp.sum(x * y, axis=-1, keepdims=True)
    num = (1.0 + 2.0 * c * xy + c * y2) * x + (1.0 - c * x2) * y
    denom = 1.0 + 2.0 * c * xy + c * c * x2 * y2
    return num / jnp.maximum(denom, MIN_NORM)


def _mobius_matvec(m, x, c):
    sc = jnp.sqrt(c)
    xn = _norm(x)
    mx = x @ m.T
    mxn = _norm(mx)
    res = jnp.tanh(mxn / xn * _artanh(sc * xn)) * mx / (mxn * sc)
    cond = jnp.all(mx == 0.0, axis=-1, keepdims=True)
    return jnp.where(cond, jnp.zeros_like(res), res)


def setup_inputs(seed: int = 0):
    key = jax.random.key(seed)
    k1, k2, k3 = jax.random.split(key, 3)
    x = jax.random.normal(k1, (N, D), dtype=jnp.float32) * 0.01
    x = _proj(x, C_IN)
    edge_index = jax.random.randint(k2, (2, E), 0, N, dtype=jnp.int32)
    dist = jnp.zeros((E,), dtype=jnp.float32)
    W = jax.random.normal(k3, (D, D), dtype=jnp.float32) * (1.0 / np.sqrt(D))
    b = jnp.zeros((D,), dtype=jnp.float32)
    k = jnp.ones((1,), dtype=jnp.float32)
    return {"x": x, "edge_index": edge_index, "dist": dist, "W": W, "b": b, "k": k}


def _forward(x, edge_index, W, b, k):
    c = C_IN
    # HypLinear (dropout disabled in eval mode)
    mv = _mobius_matvec(W, x, c)
    res = _proj(mv, c)
    hyp_bias = _proj(_expmap0(b.reshape(1, -1), c), c)
    h = _proj(_mobius_add(res, hyp_bias, c), c)
    # HypAgg: log-map to tangent space, neighborhood aggregation (row-normalized adj spmm), exp-map back
    src = edge_index[0]
    dst = edge_index[1]
    x_t = _logmap0(h, c)
    msg = jnp.take(x_t, src, axis=0)
    agg = jax.ops.segment_sum(msg, dst, num_segments=N)
    deg = jax.ops.segment_sum(jnp.ones((E,), jnp.float32), dst, num_segments=N)
    agg = agg / jnp.maximum(deg, 1.0)[:, None]
    h = _proj(_expmap0(agg, c), c)
    # HypAct: relu in tangent space, curvature c_in -> c_out
    xt = jax.nn.relu(_logmap0(h, C_IN))
    out1 = _proj(_expmap0(xt, C_OUT), C_OUT)
    # Residual (use_res=True, in_dim == out_dim so shortcut is identity):
    # mobius_add_matrix(out1, k * shortcut(x), c_in)
    out = _mobius_add(out1, k * x, C_IN)
    return out


def reference(x, edge_index, dist, W, b, k):
    out = _forward(x, edge_index, W, b, k)
    return (out, edge_index, dist)

if __name__ == "__main__":
    import jax
    _d = setup_inputs()
    print(jax.jit(kernel)(*tuple(_d.values())))

</pallas_src>

<mosaic_0001>
#map = affine_map<(d0, d1) -> (0, 0)>
#map1 = affine_map<(d0, d1) -> (0)>
#map2 = affine_map<(d0, d1) -> (0, 0, 0)>
module attributes {stable_mosaic.version = 14 : i64} {
  func.func @_agg_body(%arg0: i32, %arg1: i32, %arg2: memref<10000x128xf32, #tpu.memory_space<hbm>>, %arg3: memref<320000xi32, #tpu.memory_space<hbm>>, %arg4: memref<320000xi32, #tpu.memory_space<hbm>>, %arg5: memref<2x10240x128xf32, #tpu.memory_space<hbm>>, %arg6: memref<20480xf32, #tpu.memory_space<hbm>>, %arg7: memref<3x5x40xi32, #tpu.memory_space<vmem>>, %arg8: memref<3x5x40xi32, #tpu.memory_space<vmem>>, %arg9: memref<5x40x128xf32, #tpu.memory_space<vmem>>, %arg10: memref<40xf32, #tpu.memory_space<vmem>>, %arg11: memref<32x128xf32, #tpu.memory_space<vmem>>, %arg12: memref<!tpu.dma_semaphore, #tpu.memory_space<semaphore_mem>>, %arg13: memref<!tpu.dma_semaphore, #tpu.memory_space<semaphore_mem>>, %arg14: memref<!tpu.dma_semaphore, #tpu.memory_space<semaphore_mem>>, %arg15: memref<!tpu.dma_semaphore, #tpu.memory_space<semaphore_mem>>, %arg16: memref<!tpu.dma_semaphore, #tpu.memory_space<semaphore_mem>>, %arg17: memref<!tpu.dma_semaphore, #tpu.memory_space<semaphore_mem>>, %arg18: memref<!tpu.dma_semaphore, #tpu.memory_space<semaphore_mem>>, %arg19: memref<!tpu.dma_semaphore, #tpu.memory_space<semaphore_mem>>, %arg20: memref<!tpu.dma_semaphore, #tpu.memory_space<semaphore_mem>>, %arg21: memref<!tpu.dma_semaphore, #tpu.memory_space<semaphore_mem>>, %arg22: memref<!tpu.dma_semaphore, #tpu.memory_space<semaphore_mem>>, %arg23: memref<10240x128xf32, #tpu.memory_space<vmem_shared>>, %arg24: memref<10240xf32, #tpu.memory_space<vmem_shared>>) attributes {dimension_semantics = [#tpu.dimension_semantics<core_parallel>, #tpu.dimension_semantics<subcore_parallel>], iteration_bounds = array<i64: 2, 16>, scalar_prefetch = 0 : i64, scratch_operands = 18 : i64, tpu.core_type = #tpu.core_type<sc_vector_subcore>, window_params = [{transform_indices = #map}, {transform_indices = #map1}, {transform_indices = #map1}, {transform_indices = #map2}, {transform_indices = #map1}]} {
    %mul3A = arith.constant 16 : i32
    %mul3A_0 = arith.muli %arg0, %mul3A : i32
    %add3A = arith.addi %mul3A_0, %arg1 : i32
    %broadcast_in_dim3A = arith.constant 0.000000e+00 : f32
    %broadcast_in_dim3A_1 = vector.broadcast %broadcast_in_dim3A : f32 to vector<16xf32>
    %broadcast_in_dim3A_2 = arith.constant 1.000000e+00 : f32
    %broadcast_in_dim3A_3 = vector.broadcast %broadcast_in_dim3A_2 : f32 to vector<16xf32>
    %scan3A = arith.constant 0 : i32
    %scan3A_4 = arith.constant 0 : i32
    %scan3A_5 = arith.constant 256 : i32
    %scan3A_6 = arith.addi %scan3A_4, %scan3A_5 : i32
    %scan3A_7 = arith.constant 1 : i32
    %scan3A_8 = scf.for %scan3A_669 = %scan3A_4 to %scan3A_6 step %scan3A_7 iter_args(%scan3A_670 = %scan3A) -> (i32)  : i32 {
      %jit3A = arith.constant 8 : i32
      %div3A = arith.divsi %scan3A_669, %jit3A : i32
      %sign3A = arith.constant 0 : i32
      %sign3A_671 = arith.cmpi sgt, %scan3A_669, %sign3A : i32
      %sign3A_672 = arith.extui %sign3A_671 : i1 to i32
      %sign3A_673 = arith.constant 0 : i32
      %sign3A_674 = arith.cmpi slt, %scan3A_669, %sign3A_673 : i32
      %sign3A_675 = arith.extui %sign3A_674 : i1 to i32
      %sign3A_676 = arith.subi %sign3A_672, %sign3A_675 : i32
      %sign3A_677 = arith.constant 0 : i32
      %sign3A_678 = arith.cmpi sgt, %jit3A, %sign3A_677 : i32
      %sign3A_679 = arith.extui %sign3A_678 : i1 to i32
      %sign3A_680 = arith.constant 0 : i32
      %sign3A_681 = arith.cmpi slt, %jit3A, %sign3A_680 : i32
      %sign3A_682 = arith.extui %sign3A_681 : i1 to i32
      %sign3A_683 = arith.subi %sign3A_679, %sign3A_682 : i32
      %ne3A = arith.cmpi ne, %sign3A_676, %sign3A_683 : i32
      %rem3A = arith.remsi %scan3A_669, %jit3A : i32
      %ne3A_684 = arith.constant 0 : i32
      %ne3A_685 = arith.cmpi ne, %rem3A, %ne3A_684 : i32
      %and3A = arith.andi %ne3A, %ne3A_685 : i1
      %sub3A = arith.constant 1 : i32
      %sub3A_686 = arith.subi %div3A, %sub3A : i32
      %select_n3A = arith.select %and3A, %sub3A_686, %div3A : i32
      %jit3A_687 = arith.constant 8 : i32
      %eq3A = arith.constant 0 : i32
      %eq3A_688 = arith.cmpi eq, %jit3A_687, %eq3A : i32
      %jit3A_689 = arith.constant 1 : i32
      %select_n3A_690 = arith.select %eq3A_688, %jit3A_689, %jit3A_687 : i32
      %rem3A_691 = arith.remsi %scan3A_669, %select_n3A_690 : i32
      %ne3A_692 = arith.constant 0 : i32
      %ne3A_693 = arith.cmpi ne, %rem3A_691, %ne3A_692 : i32
      %lt3A = arith.constant 0 : i32
      %lt3A_694 = arith.cmpi slt, %rem3A_691, %lt3A : i32
      %lt3A_695 = arith.constant 0 : i32
      %lt3A_696 = arith.cmpi slt, %select_n3A_690, %lt3A_695 : i32
      %ne3A_697 = arith.xori %lt3A_694, %lt3A_696 : i1
      %and3A_698 = arith.andi %ne3A_697, %ne3A_693 : i1
      %add3A_699 = arith.addi %rem3A_691, %select_n3A_690 : i32
      %select_n3A_700 = arith.select %and3A_698, %add3A_699, %rem3A_691 : i32
      %mul3A_701 = arith.constant 16 : i32
      %mul3A_702 = arith.muli %select_n3A_700, %mul3A_701 : i32
      %swap3A_703 = arith.index_cast %select_n3A : i32 to index
      %swap3A_704 = arith.index_cast %mul3A_702 : i32 to index
      %swap3A_705 = tpu.vector_load %arg11[%swap3A_703, %swap3A_704] {strides = array<i32>} : memref<32x128xf32, #tpu.memory_space<vmem>>, vector<1x16xf32>,
      %swap3A_706 = vector.shape_cast %swap3A_705 : vector<1x16xf32> to vector<16xf32>
      %swap3A_707 = vector.shape_cast %broadcast_in_dim3A_1 : vector<16xf32> to vector<1x16xf32>
      tpu.vector_store %arg11[%swap3A_703, %swap3A_704], %swap3A_707 {strides = array<i32>} : memref<32x128xf32, #tpu.memory_space<vmem>>, vector<1x16xf32>,
      %scan3A_708 = arith.constant 0 : i32
      scf.yield %scan3A_708 : i32
    }
    %scan3A_9 = arith.constant 256 : i32
    %swap3A = arith.constant 0 : index
    %swap3A_10 = tpu.vector_load %arg10[%swap3A] {strides = array<i32>} : memref<40xf32, #tpu.memory_space<vmem>>, vector<16xf32>,
    %swap3A_11 = vector.shape_cast %swap3A_10 : vector<16xf32> to vector<16xf32>
    %swap3A_12 = vector.shape_cast %broadcast_in_dim3A_3 : vector<16xf32> to vector<16xf32>
    tpu.vector_store %arg10[%swap3A], %swap3A_12 {strides = array<i32>} : memref<40xf32, #tpu.memory_space<vmem>>, vector<16xf32>,
    %swap3A_13 = arith.constant 16 : index
    %swap3A_14 = tpu.vector_load %arg10[%swap3A_13] {strides = array<i32>} : memref<40xf32, #tpu.memory_space<vmem>>, vector<16xf32>,
    %swap3A_15 = vector.shape_cast %swap3A_14 : vector<16xf32> to vector<16xf32>
    %swap3A_16 = vector.shape_cast %broadcast_in_dim3A_3 : vector<16xf32> to vector<16xf32>
    tpu.vector_store %arg10[%swap3A_13], %swap3A_16 {strides = array<i32>} : memref<40xf32, #tpu.memory_space<vmem>>, vector<16xf32>,
    %swap3A_17 = arith.constant 24 : index
    %swap3A_18 = tpu.vector_load %arg10[%swap3A_17] {strides = array<i32>} : memref<40xf32, #tpu.memory_space<vmem>>, vector<16xf32>,
    %swap3A_19 = vector.shape_cast %swap3A_18 : vector<16xf32> to vector<16xf32>
    %swap3A_20 = vector.shape_cast %broadcast_in_dim3A_3 : vector<16xf32> to vector<16xf32>
    tpu.vector_store %arg10[%swap3A_17], %swap3A_20 {strides = array<i32>} : memref<40xf32, #tpu.memory_space<vmem>>, vector<16xf32>,
    %mul3A_21 = arith.constant 640 : i32
    %mul3A_22 = arith.muli %arg1, %mul3A_21 : i32
    %add3A_23 = arith.constant 0 : i32
    %add3A_24 = arith.addi %mul3A_22, %add3A_23 : i32
    %dma_start3A = arith.constant 0 : i32
    %dma_start3A_25 = tpu.memref_slice %arg23[%add3A_24, %dma_start3A] : memref<10240x128xf32, #tpu.memory_space<vmem_shared>> -> memref<32x128xf32, #tpu.memory_space<vmem_shared>>
    %dma_start3A_26 = arith.constant 0 : i32
    %dma_start3A_27 = tpu.memref_slice %arg23[%add3A_24, %dma_start3A_26] : memref<10240x128xf32, #tpu.memory_space<vmem_shared>> -> memref<32x128xf32, #tpu.memory_space<vmem_shared>>
    tpu.enqueue_dma source(%arg11 : memref<32x128xf32, #tpu.memory_space<vmem>>) target(%dma_start3A_27 : memref<32x128xf32, #tpu.memory_space<vmem_shared>>) target_semaphore(%arg13 : memref<!tpu.dma_semaphore, #tpu.memory_space<semaphore_mem>>)
    %add3A_28 = arith.constant 32 : i32
    %add3A_29 = arith.addi %mul3A_22, %add3A_28 : i32
    %dma_start3A_30 = arith.constant 0 : i32
    %dma_start3A_31 = tpu.memref_slice %arg23[%add3A_29, %dma_start3A_30] : memref<10240x128xf32, #tpu.memory_space<vmem_shared>> -> memref<32x128xf32, #tpu.memory_space<vmem_shared>>
    %dma_start3A_32 = arith.constant 0 : i32
    %dma_start3A_33 = tpu.memref_slice %arg23[%add3A_29, %dma_start3A_32] : memref<10240x128xf32, #tpu.memory_space<vmem_shared>> -> memref<32x128xf32, #tpu.memory_space<vmem_shared>>
    tpu.enqueue_dma source(%arg11 : memref<32x128xf32, #tpu.memory_space<vmem>>) target(%dma_start3A_33 : memref<32x128xf32, #tpu.memory_space<vmem_shared>>) target_semaphore(%arg13 : memref<!tpu.dma_semaphore, #tpu.memory_space<semaphore_mem>>)
    %add3A_34 = arith.constant 64 : i32
    %add3A_35 = arith.addi %mul3A_22, %add3A_34 : i32
    %dma_start3A_36 = arith.constant 0 : i32
    %dma_start3A_37 = tpu.memref_slice %arg23[%add3A_35, %dma_start3A_36] : memref<10240x128xf32, #tpu.memory_space<vmem_shared>> -> memref<32x128xf32, #tpu.memory_space<vmem_shared>>
    %dma_start3A_38 = arith.constant 0 : i32
    %dma_start3A_39 = tpu.memref_slice %arg23[%add3A_35, %dma_start3A_38] : memref<10240x128xf32, #tpu.memory_space<vmem_shared>> -> memref<32x128xf32, #tpu.memory_space<vmem_shared>>
    tpu.enqueue_dma source(%arg11 : memref<32x128xf32, #tpu.memory_space<vmem>>) target(%dma_start3A_39 : memref<32x128xf32, #tpu.memory_space<vmem_shared>>) target_semaphore(%arg13 : memref<!tpu.dma_semaphore, #tpu.memory_space<semaphore_mem>>)
    %add3A_40 = arith.constant 96 : i32
    %add3A_41 = arith.addi %mul3A_22, %add3A_40 : i32
    %dma_start3A_42 = arith.constant 0 : i32
    %dma_start3A_43 = tpu.memref_slice %arg23[%add3A_41, %dma_start3A_42] : memref<10240x128xf32, #tpu.memory_space<vmem_shared>> -> memref<32x128xf32, #tpu.memory_space<vmem_shared>>
    %dma_start3A_44 = arith.constant 0 : i32
    %dma_start3A_45 = tpu.memref_slice %arg23[%add3A_41, %dma_start3A_44] : memref<10240x128xf32, #tpu.memory_space<vmem_shared>> -> memref<32x128xf32, #tpu.memory_space<vmem_shared>>
    tpu.enqueue_dma source(%arg11 : memref<32x128xf32, #tpu.memory_space<vmem>>) target(%dma_start3A_45 : memref<32x128xf32, #tpu.memory_space<vmem_shared>>) target_semaphore(%arg13 : memref<!tpu.dma_semaphore, #tpu.memory_space<semaphore_mem>>)
    %add3A_46 = arith.constant 128 : i32
    %add3A_47 = arith.addi %mul3A_22, %add3A_46 : i32
    %dma_start3A_48 = arith.constant 0 : i32
    %dma_start3A_49 = tpu.memref_slice %arg23[%add3A_47, %dma_start3A_48] : memref<10240x128xf32, #tpu.memory_space<vmem_shared>> -> memref<32x128xf32, #tpu.memory_space<vmem_shared>>
    %dma_start3A_50 = arith.constant 0 : i32
    %dma_start3A_51 = tpu.memref_slice %arg23[%add3A_47, %dma_start3A_50] : memref<10240x128xf32, #tpu.memory_space<vmem_shared>> -> memref<32x128xf32, #tpu.memory_space<vmem_shared>>
    tpu.enqueue_dma source(%arg11 : memref<32x128xf32, #tpu.memory_space<vmem>>) target(%dma_start3A_51 : memref<32x128xf32, #tpu.memory_space<vmem_shared>>) target_semaphore(%arg13 : memref<!tpu.dma_semaphore, #tpu.memory_space<semaphore_mem>>)
    %add3A_52 = arith.constant 160 : i32
    %add3A_53 = arith.addi %mul3A_22, %add3A_52 : i32
    %dma_start3A_54 = arith.constant 0 : i32
    %dma_start3A_55 = tpu.memref_slice %arg23[%add3A_53, %dma_start3A_54] : memref<10240x128xf32, #tpu.memory_space<vmem_shared>> -> memref<32x128xf32, #tpu.memory_space<vmem_shared>>
    %dma_start3A_56 = arith.constant 0 : i32
    %dma_start3A_57 = tpu.memref_slice %arg23[%add3A_53, %dma_start3A_56] : memref<10240x128xf32, #tpu.memory_space<vmem_shared>> -> memref<32x128xf32, #tpu.memory_space<vmem_shared>>
    tpu.enqueue_dma source(%arg11 : memref<32x128xf32, #tpu.memory_space<vmem>>) target(%dma_start3A_57 : memref<32x128xf32, #tpu.memory_space<vmem_shared>>) target_semaphore(%arg13 : memref<!tpu.dma_semaphore, #tpu.memory_space<semaphore_mem>>)
    %add3A_58 = arith.constant 192 : i32
    %add3A_59 = arith.addi %mul3A_22, %add3A_58 : i32
    %dma_start3A_60 = arith.constant 0 : i32
    %dma_start3A_61 = tpu.memref_slice %arg23[%add3A_59, %dma_start3A_60] : memref<10240x128xf32, #tpu.memory_space<vmem_shared>> -> memref<32x128xf32, #tpu.memory_space<vmem_shared>>
    %dma_start3A_62 = arith.constant 0 : i32
    %dma_start3A_63 = tpu.memref_slice %arg23[%add3A_59, %dma_start3A_62] : memref<10240x128xf32, #tpu.memory_space<vmem_shared>> -> memref<32x128xf32, #tpu.memory_space<vmem_shared>>
    tpu.enqueue_dma source(%arg11 : memref<32x128xf32, #tpu.memory_space<vmem>>) target(%dma_start3A_63 : memref<32x128xf32, #tpu.memory_space<vmem_shared>>) target_semaphore(%arg13 : memref<!tpu.dma_semaphore, #tpu.memory_space<semaphore_mem>>)
    %add3A_64 = arith.constant 224 : i32
    %add3A_65 = arith.addi %mul3A_22, %add3A_64 : i32
    %dma_start3A_66 = arith.constant 0 : i32
    %dma_start3A_67 = tpu.memref_slice %arg23[%add3A_65, %dma_start3A_66] : memref<10240x128xf32, #tpu.memory_space<vmem_shared>> -> memref<32x128xf32, #tpu.memory_space<vmem_shared>>
    %dma_start3A_68 = arith.constant 0 : i32
    %dma_start3A_69 = tpu.memref_slice %arg23[%add3A_65, %dma_start3A_68] : memref<10240x128xf32, #tpu.memory_space<vmem_shared>> -> memref<32x128xf32, #tpu.memory_space<vmem_shared>>
    tpu.enqueue_dma source(%arg11 : memref<32x128xf32, #tpu.memory_space<vmem>>) target(%dma_start3A_69 : memref<32x128xf32, #tpu.memory_space<vmem_shared>>) target_semaphore(%arg13 : memref<!tpu.dma_semaphore, #tpu.memory_space<semaphore_mem>>)
    %add3A_70 = arith.constant 256 : i32
    %add3A_71 = arith.addi %mul3A_22, %add3A_70 : i32
    %dma_start3A_72 = arith.constant 0 : i32
    %dma_start3A_73 = tpu.memref_slice %arg23[%add3A_71, %dma_start3A_72] : memref<10240x128xf32, #tpu.memory_space<vmem_shared>> -> memref<32x128xf32, #tpu.memory_space<vmem_shared>>
    %dma_start3A_74 = arith.constant 0 : i32
    %dma_start3A_75 = tpu.memref_slice %arg23[%add3A_71, %dma_start3A_74] : memref<10240x128xf32, #tpu.memory_space<vmem_shared>> -> memref<32x128xf32, #tpu.memory_space<vmem_shared>>
    tpu.enqueue_dma source(%arg11 : memref<32x128xf32, #tpu.memory_space<vmem>>) target(%dma_start3A_75 : memref<32x128xf32, #tpu.memory_space<vmem_shared>>) target_semaphore(%arg13 : memref<!tpu.dma_semaphore, #tpu.memory_space<semaphore_mem>>)
    %add3A_76 = arith.constant 288 : i32
    %add3A_77 = arith.addi %mul3A_22, %add3A_76 : i32
    %dma_start3A_78 = arith.constant 0 : i32
    %dma_start3A_79 = tpu.memref_slice %arg23[%add3A_77, %dma_start3A_78] : memref<10240x128xf32, #tpu.memory_space<vmem_shared>> -> memref<32x128xf32, #tpu.memory_space<vmem_shared>>
    %dma_start3A_80 = arith.constant 0 : i32
    %dma_start3A_81 = tpu.memref_slice %arg23[%add3A_77, %dma_start3A_80] : memref<10240x128xf32, #tpu.memory_space<vmem_shared>> -> memref<32x128xf32, #tpu.memory_space<vmem_shared>>
    tpu.enqueue_dma source(%arg11 : memref<32x128xf32, #tpu.memory_space<vmem>>) target(%dma_start3A_81 : memref<32x128xf32, #tpu.memory_space<vmem_shared>>) target_semaphore(%arg13 : memref<!tpu.dma_semaphore, #tpu.memory_space<semaphore_mem>>)
    %add3A_82 = arith.constant 320 : i32
    %add3A_83 = arith.addi %mul3A_22, %add3A_82 : i32
    %dma_start3A_84 = arith.constant 0 : i32
    %dma_start3A_85 = tpu.memref_slice %arg23[%add3A_83, %dma_start3A_84] : memref<10240x128xf32, #tpu.memory_space<vmem_shared>> -> memref<32x128xf32, #tpu.memory_space<vmem_shared>>
    %dma_start3A_86 = arith.constant 0 : i32
    %dma_start3A_87 = tpu.memref_slice %arg23[%add3A_83, %dma_start3A_86] : memref<10240x128xf32, #tpu.memory_space<vmem_shared>> -> memref<32x128xf32, #tpu.memory_space<vmem_shared>>
    tpu.enqueue_dma source(%arg11 : memref<32x128xf32, #tpu.memory_space<vmem>>) target(%dma_start3A_87 : memref<32x128xf32, #tpu.memory_space<vmem_shared>>) target_semaphore(%arg13 : memref<!tpu.dma_semaphore, #tpu.memory_space<semaphore_mem>>)
    %add3A_88 = arith.constant 352 : i32
    %add3A_89 = arith.addi %mul3A_22, %add3A_88 : i32
    %dma_start3A_90 = arith.constant 0 : i32
    %dma_start3A_91 = tpu.memref_slice %arg23[%add3A_89, %dma_start3A_90] : memref<10240x128xf32, #tpu.memory_space<vmem_shared>> -> memref<32x128xf32, #tpu.memory_space<vmem_shared>>
    %dma_start3A_92 = arith.constant 0 : i32
    %dma_start3A_93 = tpu.memref_slice %arg23[%add3A_89, %dma_start3A_92] : memref<10240x128xf32, #tpu.memory_space<vmem_shared>> -> memref<32x128xf32, #tpu.memory_space<vmem_shared>>
    tpu.enqueue_dma source(%arg11 : memref<32x128xf32, #tpu.memory_space<vmem>>) target(%dma_start3A_93 : memref<32x128xf32, #tpu.memory_space<vmem_shared>>) target_semaphore(%arg13 : memref<!tpu.dma_semaphore, #tpu.memory_space<semaphore_mem>>)
    %add3A_94 = arith.constant 384 : i32
    %add3A_95 = arith.addi %mul3A_22, %add3A_94 : i32
    %dma_start3A_96 = arith.constant 0 : i32
    %dma_start3A_97 = tpu.memref_slice %arg23[%add3A_95, %dma_start3A_96] : memref<10240x128xf32, #tpu.memory_space<vmem_shared>> -> memref<32x128xf32, #tpu.memory_space<vmem_shared>>
    %dma_start3A_98 = arith.constant 0 : i32
    %dma_start3A_99 = tpu.memref_slice %arg23[%add3A_95, %dma_start3A_98] : memref<10240x128xf32, #tpu.memory_space<vmem_shared>> -> memref<32x128xf32, #tpu.memory_space<vmem_shared>>
    tpu.enqueue_dma source(%arg11 : memref<32x128xf32, #tpu.memory_space<vmem>>) target(%dma_start3A_99 : memref<32x128xf32, #tpu.memory_space<vmem_shared>>) target_semaphore(%arg13 : memref<!tpu.dma_semaphore, #tpu.memory_space<semaphore_mem>>)
    %add3A_100 = arith.constant 416 : i32
    %add3A_101 = arith.addi %mul3A_22, %add3A_100 : i32
    %dma_start3A_102 = arith.constant 0 : i32
    %dma_start3A_103 = tpu.memref_slice %arg23[%add3A_101, %dma_start3A_102] : memref<10240x128xf32, #tpu.memory_space<vmem_shared>> -> memref<32x128xf32, #tpu.memory_space<vmem_shared>>
    %dma_start3A_104 = arith.constant 0 : i32
    %dma_start3A_105 = tpu.memref_slice %arg23[%add3A_101, %dma_start3A_104] : memref<10240x128xf32, #tpu.memory_space<vmem_shared>> -> memref<32x128xf32, #tpu.memory_space<vmem_shared>>
    tpu.enqueue_dma source(%arg11 : memref<32x128xf32, #tpu.memory_space<vmem>>) target(%dma_start3A_105 : memref<32x128xf32, #tpu.memory_space<vmem_shared>>) target_semaphore(%arg13 : memref<!tpu.dma_semaphore, #tpu.memory_space<semaphore_mem>>)
    %add3A_106 = arith.constant 448 : i32
    %add3A_107 = arith.addi %mul3A_22, %add3A_106 : i32
    %dma_start3A_108 = arith.constant 0 : i32
    %dma_start3A_109 = tpu.memref_slice %arg23[%add3A_107, %dma_start3A_108] : memref<10240x128xf32, #tpu.memory_space<vmem_shared>> -> memref<32x128xf32, #tpu.memory_space<vmem_shared>>
    %dma_start3A_110 = arith.constant 0 : i32
    %dma_start3A_111 = tpu.memref_slice %arg23[%add3A_107, %dma_start3A_110] : memref<10240x128xf32, #tpu.memory_space<vmem_shared>> -> memref<32x128xf32, #tpu.memory_space<vmem_shared>>
    tpu.enqueue_dma source(%arg11 : memref<32x128xf32, #tpu.memory_space<vmem>>) target(%dma_start3A_111 : memref<32x128xf32, #tpu.memory_space<vmem_shared>>) target_semaphore(%arg13 : memref<!tpu.dma_semaphore, #tpu.memory_space<semaphore_mem>>)
    %add3A_112 = arith.constant 480 : i32
    %add3A_113 = arith.addi %mul3A_22, %add3A_112 : i32
    %dma_start3A_114 = arith.constant 0 : i32
    %dma_start3A_115 = tpu.memref_slice %arg23[%add3A_113, %dma_start3A_114] : memref<10240x128xf32, #tpu.memory_space<vmem_shared>> -> memref<32x128xf32, #tpu.memory_space<vmem_shared>>
    %dma_start3A_116 = arith.constant 0 : i32
    %dma_start3A_117 = tpu.memref_slice %arg23[%add3A_113, %dma_start3A_116] : memref<10240x128xf32, #tpu.memory_space<vmem_shared>> -> memref<32x128xf32, #tpu.memory_space<vmem_shared>>
    tpu.enqueue_dma source(%arg11 : memref<32x128xf32, #tpu.memory_space<vmem>>) target(%dma_start3A_117 : memref<32x128xf32, #tpu.memory_space<vmem_shared>>) target_semaphore(%arg13 : memref<!tpu.dma_semaphore, #tpu.memory_space<semaphore_mem>>)
    %add3A_118 = arith.constant 512 : i32
    %add3A_119 = arith.addi %mul3A_22, %add3A_118 : i32
    %dma_start3A_120 = arith.constant 0 : i32
    %dma_start3A_121 = tpu.memref_slice %arg23[%add3A_119, %dma_start3A_120] : memref<10240x128xf32, #tpu.memory_space<vmem_shared>> -> memref<32x128xf32, #tpu.memory_space<vmem_shared>>
    %dma_start3A_122 = arith.constant 0 : i32
    %dma_start3A_123 = tpu.memref_slice %arg23[%add3A_119, %dma_start3A_122] : memref<10240x128xf32, #tpu.memory_space<vmem_shared>> -> memref<32x128xf32, #tpu.memory_space<vmem_shared>>
    tpu.enqueue_dma source(%arg11 : memref<32x128xf32, #tpu.memory_space<vmem>>) target(%dma_start3A_123 : memref<32x128xf32, #tpu.memory_space<vmem_shared>>) target_semaphore(%arg13 : memref<!tpu.dma_semaphore, #tpu.memory_space<semaphore_mem>>)
    %add3A_124 = arith.constant 544 : i32
    %add3A_125 = arith.addi %mul3A_22, %add3A_124 : i32
    %dma_start3A_126 = arith.constant 0 : i32
    %dma_start3A_127 = tpu.memref_slice %arg23[%add3A_125, %dma_start3A_126] : memref<10240x128xf32, #tpu.memory_space<vmem_shared>> -> memref<32x128xf32, #tpu.memory_space<vmem_shared>>
    %dma_start3A_128 = arith.constant 0 : i32
    %dma_start3A_129 = tpu.memref_slice %arg23[%add3A_125, %dma_start3A_128] : memref<10240x128xf32, #tpu.memory_space<vmem_shared>> -> memref<32x128xf32, #tpu.memory_space<vmem_shared>>
    tpu.enqueue_dma source(%arg11 : memref<32x128xf32, #tpu.memory_space<vmem>>) target(%dma_start3A_129 : memref<32x128xf32, #tpu.memory_space<vmem_shared>>) target_semaphore(%arg13 : memref<!tpu.dma_semaphore, #tpu.memory_space<semaphore_mem>>)
    %add3A_130 = arith.constant 576 : i32
    %add3A_131 = arith.addi %mul3A_22, %add3A_130 : i32
    %dma_start3A_132 = arith.constant 0 : i32
    %dma_start3A_133 = tpu.memref_slice %arg23[%add3A_131, %dma_start3A_132] : memref<10240x128xf32, #tpu.memory_space<vmem_shared>> -> memref<32x128xf32, #tpu.memory_space<vmem_shared>>
    %dma_start3A_134 = arith.constant 0 : i32
    %dma_start3A_135 = tpu.memref_slice %arg23[%add3A_131, %dma_start3A_134] : memref<10240x128xf32, #tpu.memory_space<vmem_shared>> -> memref<32x128xf32, #tpu.memory_space<vmem_shared>>
    tpu.enqueue_dma source(%arg11 : memref<32x128xf32, #tpu.memory_space<vmem>>) target(%dma_start3A_135 : memref<32x128xf32, #tpu.memory_space<vmem_shared>>) target_semaphore(%arg13 : memref<!tpu.dma_semaphore, #tpu.memory_space<semaphore_mem>>)
    %add3A_136 = arith.constant 608 : i32
    %add3A_137 = arith.addi %mul3A_22, %add3A_136 : i32
    %dma_start3A_138 = arith.constant 0 : i32
    %dma_start3A_139 = tpu.memref_slice %arg23[%add3A_137, %dma_start3A_138] : memref<10240x128xf32, #tpu.memory_space<vmem_shared>> -> memref<32x128xf32, #tpu.memory_space<vmem_shared>>
    %dma_start3A_140 = arith.constant 0 : i32
    %dma_start3A_141 = tpu.memref_slice %arg23[%add3A_137, %dma_start3A_140] : memref<10240x128xf32, #tpu.memory_space<vmem_shared>> -> memref<32x128xf32, #tpu.memory_space<vmem_shared>>
    tpu.enqueue_dma source(%arg11 : memref<32x128xf32, #tpu.memory_space<vmem>>) target(%dma_start3A_141 : memref<32x128xf32, #tpu.memory_space<vmem_shared>>) target_semaphore(%arg13 : memref<!tpu.dma_semaphore, #tpu.memory_space<semaphore_mem>>)
    %add3A_142 = arith.constant 0 : i32
    %add3A_143 = arith.addi %mul3A_22, %add3A_142 : i32
    %dma_start3A_144 = arith.constant 0 : i32
    %dma_start3A_145 = arith.constant 0 : i32
    %dma_start3A_146 = tpu.memref_slice %arg11[%dma_start3A_144, %dma_start3A_145] : memref<32x128xf32, #tpu.memory_space<vmem>> -> memref<1x128xf32, #tpu.memory_space<vmem>>
    %dma_start3A_147 = tpu.memref_squeeze %dma_start3A_146 : memref<1x128xf32, #tpu.memory_space<vmem>> -> memref<128xf32, #tpu.memory_space<vmem>>
    %dma_start3A_148 = tpu.memref_slice %arg24[%add3A_143] : memref<10240xf32, #tpu.memory_space<vmem_shared>> -> memref<128xf32, #tpu.memory_space<vmem_shared>>
    %dma_start3A_149 = tpu.memref_slice %arg24[%add3A_143] : memref<10240xf32, #tpu.memory_space<vmem_shared>> -> memref<128xf32, #tpu.memory_space<vmem_shared>>
    %dma_start3A_150 = arith.constant 0 : i32
    %dma_start3A_151 = tpu.memref_slice %arg11[%dma_start3A_144, %dma_start3A_150] : memref<32x128xf32, #tpu.memory_space<vmem>> -> memref<1x128xf32, #tpu.memory_space<vmem>>
    %dma_start3A_152 = tpu.memref_squeeze %dma_start3A_151 : memref<1x128xf32, #tpu.memory_space<vmem>> -> memref<128xf32, #tpu.memory_space<vmem>>
    tpu.enqueue_dma source(%dma_start3A_152 : memref<128xf32, #tpu.memory_space<vmem>>) target(%dma_start3A_149 : memref<128xf32, #tpu.memory_space<vmem_shared>>) target_semaphore(%arg13 : memref<!tpu.dma_semaphore, #tpu.memory_space<semaphore_mem>>)
    %add3A_153 = arith.constant 128 : i32
    %add3A_154 = arith.addi %mul3A_22, %add3A_153 : i32
    %dma_start3A_155 = arith.constant 0 : i32
    %dma_start3A_156 = arith.constant 0 : i32
    %dma_start3A_157 = tpu.memref_slice %arg11[%dma_start3A_155, %dma_start3A_156] : memref<32x128xf32, #tpu.memory_space<vmem>> -> memref<1x128xf32, #tpu.memory_space<vmem>>
    %dma_start3A_158 = tpu.memref_squeeze %dma_start3A_157 : memref<1x128xf32, #tpu.memory_space<vmem>> -> memref<128xf32, #tpu.memory_space<vmem>>
    %dma_start3A_159 = tpu.memref_slice %arg24[%add3A_154] : memref<10240xf32, #tpu.memory_space<vmem_shared>> -> memref<128xf32, #tpu.memory_space<vmem_shared>>
    %dma_start3A_160 = tpu.memref_slice %arg24[%add3A_154] : memref<10240xf32, #tpu.memory_space<vmem_shared>> -> memref<128xf32, #tpu.memory_space<vmem_shared>>
    %dma_start3A_161 = arith.constant 0 : i32
    %dma_start3A_162 = tpu.memref_slice %arg11[%dma_start3A_155, %dma_start3A_161] : memref<32x128xf32, #tpu.memory_space<vmem>> -> memref<1x128xf32, #tpu.memory_space<vmem>>
    %dma_start3A_163 = tpu.memref_squeeze %dma_start3A_162 : memref<1x128xf32, #tpu.memory_space<vmem>> -> memref<128xf32, #tpu.memory_space<vmem>>
    tpu.enqueue_dma source(%dma_start3A_163 : memref<128xf32, #tpu.memory_space<vmem>>) target(%dma_start3A_160 : memref<128xf32, #tpu.memory_space<vmem_shared>>) target_semaphore(%arg13 : memref<!tpu.dma_semaphore, #tpu.memory_space<semaphore_mem>>)
    %add3A_164 = arith.constant 256 : i32
    %add3A_165 = arith.addi %mul3A_22, %add3A_164 : i32
    %dma_start3A_166 = arith.constant 0 : i32
    %dma_start3A_167 = arith.constant 0 : i32
    %dma_start3A_168 = tpu.memref_slice %arg11[%dma_start3A_166, %dma_start3A_167] : memref<32x128xf32, #tpu.memory_space<vmem>> -> memref<1x128xf32, #tpu.memory_space<vmem>>
    %dma_start3A_169 = tpu.memref_squeeze %dma_start3A_168 : memref<1x128xf32, #tpu.memory_space<vmem>> -> memref<128xf32, #tpu.memory_space<vmem>>
    %dma_start3A_170 = tpu.memref_slice %arg24[%add3A_165] : memref<10240xf32, #tpu.memory_space<vmem_shared>> -> memref<128xf32, #tpu.memory_space<vmem_shared>>
    %dma_start3A_171 = tpu.memref_slice %arg24[%add3A_165] : memref<10240xf32, #tpu.memory_space<vmem_shared>> -> memref<128xf32, #tpu.memory_space<vmem_shared>>
    %dma_start3A_172 = arith.constant 0 : i32
    %dma_start3A_173 = tpu.memref_slice %arg11[%dma_start3A_166, %dma_start3A_172] : memref<32x128xf32, #tpu.memory_space<vmem>> -> memref<1x128xf32, #tpu.memory_space<vmem>>
    %dma_start3A_174 = tpu.memref_squeeze %dma_start3A_173 : memref<1x128xf32, #tpu.memory_space<vmem>> -> memref<128xf32, #tpu.memory_space<vmem>>
    tpu.enqueue_dma source(%dma_start3A_174 : memref<128xf32, #tpu.memory_space<vmem>>) target(%dma_start3A_171 : memref<128xf32, #tpu.memory_space<vmem_shared>>) target_semaphore(%arg13 : memref<!tpu.dma_semaphore, #tpu.memory_space<semaphore_mem>>)
    %add3A_175 = arith.constant 384 : i32
    %add3A_176 = arith.addi %mul3A_22, %add3A_175 : i32
    %dma_start3A_177 = arith.constant 0 : i32
    %dma_start3A_178 = arith.constant 0 : i32
    %dma_start3A_179 = tpu.memref_slice %arg11[%dma_start3A_177, %dma_start3A_178] : memref<32x128xf32, #tpu.memory_space<vmem>> -> memref<1x128xf32, #tpu.memory_space<vmem>>
    %dma_start3A_180 = tpu.memref_squeeze %dma_start3A_179 : memref<1x128xf32, #tpu.memory_space<vmem>> -> memref<128xf32, #tpu.memory_space<vmem>>
    %dma_start3A_181 = tpu.memref_slice %arg24[%add3A_176] : memref<10240xf32, #tpu.memory_space<vmem_shared>> -> memref<128xf32, #tpu.memory_space<vmem_shared>>
    %dma_start3A_182 = tpu.memref_slice %arg24[%add3A_176] : memref<10240xf32, #tpu.memory_space<vmem_shared>> -> memref<128xf32, #tpu.memory_space<vmem_shared>>
    %dma_start3A_183 = arith.constant 0 : i32
    %dma_start3A_184 = tpu.memref_slice %arg11[%dma_start3A_177, %dma_start3A_183] : memref<32x128xf32, #tpu.memory_space<vmem>> -> memref<1x128xf32, #tpu.memory_space<vmem>>
    %dma_start3A_185 = tpu.memref_squeeze %dma_start3A_184 : memref<1x128xf32, #tpu.memory_space<vmem>> -> memref<128xf32, #tpu.memory_space<vmem>>
    tpu.enqueue_dma source(%dma_start3A_185 : memref<128xf32, #tpu.memory_space<vmem>>) target(%dma_start3A_182 : memref<128xf32, #tpu.memory_space<vmem_shared>>) target_semaphore(%arg13 : memref<!tpu.dma_semaphore, #tpu.memory_space<semaphore_mem>>)
    %add3A_186 = arith.constant 512 : i32
    %add3A_187 = arith.addi %mul3A_22, %add3A_186 : i32
    %dma_start3A_188 = arith.constant 0 : i32
    %dma_start3A_189 = arith.constant 0 : i32
    %dma_start3A_190 = tpu.memref_slice %arg11[%dma_start3A_188, %dma_start3A_189] : memref<32x128xf32, #tpu.memory_space<vmem>> -> memref<1x128xf32, #tpu.memory_space<vmem>>
    %dma_start3A_191 = tpu.memref_squeeze %dma_start3A_190 : memref<1x128xf32, #tpu.memory_space<vmem>> -> memref<128xf32, #tpu.memory_space<vmem>>
    %dma_start3A_192 = tpu.memref_slice %arg24[%add3A_187] : memref<10240xf32, #tpu.memory_space<vmem_shared>> -> memref<128xf32, #tpu.memory_space<vmem_shared>>
    %dma_start3A_193 = tpu.memref_slice %arg24[%add3A_187] : memref<10240xf32, #tpu.memory_space<vmem_shared>> -> memref<128xf32, #tpu.memory_space<vmem_shared>>
    %dma_start3A_194 = arith.constant 0 : i32
    %dma_start3A_195 = tpu.memref_slice %arg11[%dma_start3A_188, %dma_start3A_194] : memref<32x128xf32, #tpu.memory_space<vmem>> -> memref<1x128xf32, #tpu.memory_space<vmem>>
    %dma_start3A_196 = tpu.memref_squeeze %dma_start3A_195 : memref<1x128xf32, #tpu.memory_space<vmem>> -> memref<128xf32, #tpu.memory_space<vmem>>
    tpu.enqueue_dma source(%dma_start3A_196 : memref<128xf32, #tpu.memory_space<vmem>>) target(%dma_start3A_193 : memref<128xf32, #tpu.memory_space<vmem_shared>>) target_semaphore(%arg13 : memref<!tpu.dma_semaphore, #tpu.memory_space<semaphore_mem>>)
    %mul3A_197 = arith.constant 10000 : i32
    %mul3A_198 = arith.muli %add3A, %mul3A_197 : i32
    %add3A_199 = arith.constant 0 : i32
    %add3A_200 = arith.addi %mul3A_198, %add3A_199 : i32
    %dma_start3A_201 = arith.constant 0 : i32
    %dma_start3A_202 = arith.constant 0 : i32
    %dma_start3A_203 = arith.constant 0 : i32
    %dma_start3A_204 = tpu.memref_slice %arg7[%dma_start3A_201, %dma_start3A_202, %dma_start3A_203] : memref<3x5x40xi32, #tpu.memory_space<vmem>> -> memref<1x1x40xi32, #tpu.memory_space<vmem>>
    %dma_start3A_205 = tpu.memref_squeeze %dma_start3A_204 : memref<1x1x40xi32, #tpu.memory_space<vmem>> -> memref<40xi32, #tpu.memory_space<vmem>>
    %dma_start3A_206 = tpu.memref_slice %arg3[%add3A_200] : memref<320000xi32, #tpu.memory_space<hbm>> -> memref<40xi32, #tpu.memory_space<hbm>>
    %dma_start3A_207 = arith.constant 0 : i32
    %dma_start3A_208 = tpu.memref_slice %arg7[%dma_start3A_201, %dma_start3A_202, %dma_start3A_207] : memref<3x5x40xi32, #tpu.memory_space<vmem>> -> memref<1x1x40xi32, #tpu.memory_space<vmem>>
    %dma_start3A_209 = tpu.memref_squeeze %dma_start3A_208 : memref<1x1x40xi32, #tpu.memory_space<vmem>> -> memref<40xi32, #tpu.memory_space<vmem>>
    %dma_start3A_210 = tpu.memref_slice %arg3[%add3A_200] : memref<320000xi32, #tpu.memory_space<hbm>> -> memref<40xi32, #tpu.memory_space<hbm>>
    tpu.enqueue_dma source(%dma_start3A_210 : memref<40xi32, #tpu.memory_space<hbm>>) target(%dma_start3A_209 : memref<40xi32, #tpu.memory_space<vmem>>) target_semaphore(%arg12 : memref<!tpu.dma_semaphore, #tpu.memory_space<semaphore_mem>>)
    %add3A_211 = arith.constant 0 : i32
    %add3A_212 = arith.addi %mul3A_198, %add3A_211 : i32
    %dma_start3A_213 = arith.constant 0 : i32
    %dma_start3A_214 = arith.constant 0 : i32
    %dma_start3A_215 = arith.constant 0 : i32
    %dma_start3A_216 = tpu.memref_slice %arg8[%dma_start3A_213, %dma_start3A_214, %dma_start3A_215] : memref<3x5x40xi32, #tpu.memory_space<vmem>> -> memref<1x1x40xi32, #tpu.memory_space<vmem>>
    %dma_start3A_217 = tpu.memref_squeeze %dma_start3A_216 : memref<1x1x40xi32, #tpu.memory_space<vmem>> -> memref<40xi32, #tpu.memory_space<vmem>>
    %dma_start3A_218 = tpu.memref_slice %arg4[%add3A_212] : memref<320000xi32, #tpu.memory_space<hbm>> -> memref<40xi32, #tpu.memory_space<hbm>>
    %dma_start3A_219 = arith.constant 0 : i32
    %dma_start3A_220 = tpu.memref_slice %arg8[%dma_start3A_213, %dma_start3A_214, %dma_start3A_219] : memref<3x5x40xi32, #tpu.memory_space<vmem>> -> memref<1x1x40xi32, #tpu.memory_space<vmem>>
    %dma_start3A_221 = tpu.memref_squeeze %dma_start3A_220 : memref<1x1x40xi32, #tpu.memory_space<vmem>> -> memref<40xi32, #tpu.memory_space<vmem>>
    %dma_start3A_222 = tpu.memref_slice %arg4[%add3A_212] : memref<320000xi32, #tpu.memory_space<hbm>> -> memref<40xi32, #tpu.memory_space<hbm>>
    tpu.enqueue_dma source(%dma_start3A_222 : memref<40xi32, #tpu.memory_space<hbm>>) target(%dma_start3A_221 : memref<40xi32, #tpu.memory_space<vmem>>) target_semaphore(%arg12 : memref<!tpu.dma_semaphore, #tpu.memory_space<semaphore_mem>>)
    %add3A_223 = arith.constant 40 : i32
    %add3A_224 = arith.addi %mul3A_198, %add3A_223 : i32
    %dma_start3A_225 = arith.constant 0 : i32
    %dma_start3A_226 = arith.constant 1 : i32
    %dma_start3A_227 = arith.constant 0 : i32
    %dma_start3A_228 = tpu.memref_slice %arg7[%dma_start3A_225, %dma_start3A_226, %dma_start3A_227] : memref<3x5x40xi32, #tpu.memory_space<vmem>> -> memref<1x1x40xi32, #tpu.memory_space<vmem>>
    %dma_start3A_229 = tpu.memref_squeeze %dma_start3A_228 : memref<1x1x40xi32, #tpu.memory_space<vmem>> -> memref<40xi32, #tpu.memory_space<vmem>>
    %dma_start3A_230 = tpu.memref_slice %arg3[%add3A_224] : memref<320000xi32, #tpu.memory_space<hbm>> -> memref<40xi32, #tpu.memory_space<hbm>>
    %dma_start3A_231 = arith.constant 0 : i32
    %dma_start3A_232 = tpu.memref_slice %arg7[%dma_start3A_225, %dma_start3A_226, %dma_start3A_231] : memref<3x5x40xi32, #tpu.memory_space<vmem>> -> memref<1x1x40xi32, #tpu.memory_space<vmem>>
    %dma_start3A_233 = tpu.memref_squeeze %dma_start3A_232 : memref<1x1x40xi32, #tpu.memory_space<vmem>> -> memref<40xi32, #tpu.memory_space<vmem>>
    %dma_start3A_234 = tpu.memref_slice %arg3[%add3A_224] : memref<320000xi32, #tpu.memory_space<hbm>> -> memref<40xi32, #tpu.memory_space<hbm>>
    tpu.enqueue_dma source(%dma_start3A_234 : memref<40xi32, #tpu.memory_space<hbm>>) target(%dma_start3A_233 : memref<40xi32, #tpu.memory_space<vmem>>) target_semaphore(%arg12 : memref<!tpu.dma_semaphore, #tpu.memory_space<semaphore_mem>>)
    %add3A_235 = arith.constant 40 : i32
    %add3A_236 = arith.addi %mul3A_198, %add3A_235 : i32
    %dma_start3A_237 = arith.constant 0 : i32
    %dma_start3A_238 = arith.constant 1 : i32
    %dma_start3A_239 = arith.constant 0 : i32
    %dma_start3A_240 = tpu.memref_slice %arg8[%dma_start3A_237, %dma_start3A_238, %dma_start3A_239] : memref<3x5x40xi32, #tpu.memory_space<vmem>> -> memref<1x1x40xi32, #tpu.memory_space<vmem>>
    %dma_start3A_241 = tpu.memref_squeeze %dma_start3A_240 : memref<1x1x40xi32, #tpu.memory_space<vmem>> -> memref<40xi32, #tpu.memory_space<vmem>>
    %dma_start3A_242 = tpu.memref_slice %arg4[%add3A_236] : memref<320000xi32, #tpu.memory_space<hbm>> -> memref<40xi32, #tpu.memory_space<hbm>>
    %dma_start3A_243 = arith.constant 0 : i32
    %dma_start3A_244 = tpu.memref_slice %arg8[%dma_start3A_237, %dma_start3A_238, %dma_start3A_243] : memref<3x5x40xi32, #tpu.memory_space<vmem>> -> memref<1x1x40xi32, #tpu.memory_space<vmem>>
    %dma_start3A_245 = tpu.memref_squeeze %dma_start3A_244 : memref<1x1x40xi32, #tpu.memory_space<vmem>> -> memref<40xi32, #tpu.memory_space<vmem>>
    %dma_start3A_246 = tpu.memref_slice %arg4[%add3A_236] : memref<320000xi32, #tpu.memory_space<hbm>> -> memref<40xi32, #tpu.memory_space<hbm>>
    tpu.enqueue_dma source(%dma_start3A_246 : memref<40xi32, #tpu.memory_space<hbm>>) target(%dma_start3A_245 : memref<40xi32, #tpu.memory_space<vmem>>) target_semaphore(%arg12 : memref<!tpu.dma_semaphore, #tpu.memory_space<semaphore_mem>>)
    %add3A_247 = arith.constant 80 : i32
    %add3A_248 = arith.addi %mul3A_198, %add3A_247 : i32
    %dma_start3A_249 = arith.constant 0 : i32
    %dma_start3A_250 = arith.constant 2 : i32
    %dma_start3A_251 = arith.constant 0 : i32
    %dma_start3A_252 = tpu.memref_slice %arg7[%dma_start3A_249, %dma_start3A_250, %dma_start3A_251] : memref<3x5x40xi32, #tpu.memory_space<vmem>> -> memref<1x1x40xi32, #tpu.memory_space<vmem>>
    %dma_start3A_253 = tpu.memref_squeeze %dma_start3A_252 : memref<1x1x40xi32, #tpu.memory_space<vmem>> -> memref<40xi32, #tpu.memory_space<vmem>>
    %dma_start3A_254 = tpu.memref_slice %arg3[%add3A_248] : memref<320000xi32, #tpu.memory_space<hbm>> -> memref<40xi32, #tpu.memory_space<hbm>>
    %dma_start3A_255 = arith.constant 0 : i32
    %dma_start3A_256 = tpu.memref_slice %arg7[%dma_start3A_249, %dma_start3A_250, %dma_start3A_255] : memref<3x5x40xi32, #tpu.memory_space<vmem>> -> memref<1x1x40xi32, #tpu.memory_space<vmem>>
    %dma_start3A_257 = tpu.memref_squeeze %dma_start3A_256 : memref<1x1x40xi32, #tpu.memory_space<vmem>> -> memref<40xi32, #tpu.memory_space<vmem>>
    %dma_start3A_258 = tpu.memref_slice %arg3[%add3A_248] : memref<320000xi32, #tpu.memory_space<hbm>> -> memref<40xi32, #tpu.memory_space<hbm>>
    tpu.enqueue_dma source(%dma_start3A_258 : memref<40xi32, #tpu.memory_space<hbm>>) target(%dma_start3A_257 : memref<40xi32, #tpu.memory_space<vmem>>) target_semaphore(%arg12 : memref<!tpu.dma_semaphore, #tpu.memory_space<semaphore_mem>>)
    %add3A_259 = arith.constant 80 : i32
    %add3A_260 = arith.addi %mul3A_198, %add3A_259 : i32
    %dma_start3A_261 = arith.constant 0 : i32
    %dma_start3A_262 = arith.constant 2 : i32
    %dma_start3A_263 = arith.constant 0 : i32
    %dma_start3A_264 = tpu.memref_slice %arg8[%dma_start3A_261, %dma_start3A_262, %dma_start3A_263] : memref<3x5x40xi32, #tpu.memory_space<vmem>> -> memref<1x1x40xi32, #tpu.memory_space<vmem>>
    %dma_start3A_265 = tpu.memref_squeeze %dma_start3A_264 : memref<1x1x40xi32, #tpu.memory_space<vmem>> -> memref<40xi32, #tpu.memory_space<vmem>>
    %dma_start3A_266 = tpu.memref_slice %arg4[%add3A_260] : memref<320000xi32, #tpu.memory_space<hbm>> -> memref<40xi32, #tpu.memory_space<hbm>>
    %dma_start3A_267 = arith.constant 0 : i32
    %dma_start3A_268 = tpu.memref_slice %arg8[%dma_start3A_261, %dma_start3A_262, %dma_start3A_267] : memref<3x5x40xi32, #tpu.memory_space<vmem>> -> memref<1x1x40xi32, #tpu.memory_space<vmem>>
    %dma_start3A_269 = tpu.memref_squeeze %dma_start3A_268 : memref<1x1x40xi32, #tpu.memory_space<vmem>> -> memref<40xi32, #tpu.memory_space<vmem>>
    %dma_start3A_270 = tpu.memref_slice %arg4[%add3A_260] : memref<320000xi32, #tpu.memory_space<hbm>> -> memref<40xi32, #tpu.memory_space<hbm>>
    tpu.enqueue_dma source(%dma_start3A_270 : memref<40xi32, #tpu.memory_space<hbm>>) target(%dma_start3A_269 : memref<40xi32, #tpu.memory_space<vmem>>) target_semaphore(%arg12 : memref<!tpu.dma_semaphore, #tpu.memory_space<semaphore_mem>>)
    %add3A_271 = arith.constant 120 : i32
    %add3A_272 = arith.addi %mul3A_198, %add3A_271 : i32
    %dma_start3A_273 = arith.constant 0 : i32
    %dma_start3A_274 = arith.constant 3 : i32
    %dma_start3A_275 = arith.constant 0 : i32
    %dma_start3A_276 = tpu.memref_slice %arg7[%dma_start3A_273, %dma_start3A_274, %dma_start3A_275] : memref<3x5x40xi32, #tpu.memory_space<vmem>> -> memref<1x1x40xi32, #tpu.memory_space<vmem>>
    %dma_start3A_277 = tpu.memref_squeeze %dma_start3A_276 : memref<1x1x40xi32, #tpu.memory_space<vmem>> -> memref<40xi32, #tpu.memory_space<vmem>>
    %dma_start3A_278 = tpu.memref_slice %arg3[%add3A_272] : memref<320000xi32, #tpu.memory_space<hbm>> -> memref<40xi32, #tpu.memory_space<hbm>>
    %dma_start3A_279 = arith.constant 0 : i32
    %dma_start3A_280 = tpu.memref_slice %arg7[%dma_start3A_273, %dma_start3A_274, %dma_start3A_279] : memref<3x5x40xi32, #tpu.memory_space<vmem>> -> memref<1x1x40xi32, #tpu.memory_space<vmem>>
    %dma_start3A_281 = tpu.memref_squeeze %dma_start3A_280 : memref<1x1x40xi32, #tpu.memory_space<vmem>> -> memref<40xi32, #tpu.memory_space<vmem>>
    %dma_start3A_282 = tpu.memref_slice %arg3[%add3A_272] : memref<320000xi32, #tpu.memory_space<hbm>> -> memref<40xi32, #tpu.memory_space<hbm>>
    tpu.enqueue_dma source(%dma_start3A_282 : memref<40xi32, #tpu.memory_space<hbm>>) target(%dma_start3A_281 : memref<40xi32, #tpu.memory_space<vmem>>) target_semaphore(%arg12 : memref<!tpu.dma_semaphore, #tpu.memory_space<semaphore_mem>>)
    %add3A_283 = arith.constant 120 : i32
    %add3A_284 = arith.addi %mul3A_198, %add3A_283 : i32
    %dma_start3A_285 = arith.constant 0 : i32
    %dma_start3A_286 = arith.constant 3 : i32
    %dma_start3A_287 = arith.constant 0 : i32
    %dma_start3A_288 = tpu.memref_slice %arg8[%dma_start3A_285, %dma_start3A_286, %dma_start3A_287] : memref<3x5x40xi32, #tpu.memory_space<vmem>> -> memref<1x1x40xi32, #tpu.memory_space<vmem>>
    %dma_start3A_289 = tpu.memref_squeeze %dma_start3A_288 : memref<1x1x40xi32, #tpu.memory_space<vmem>> -> memref<40xi32, #tpu.memory_space<vmem>>
    %dma_start3A_290 = tpu.memref_slice %arg4[%add3A_284] : memref<320000xi32, #tpu.memory_space<hbm>> -> memref<40xi32, #tpu.memory_space<hbm>>
    %dma_start3A_291 = arith.constant 0 : i32
    %dma_start3A_292 = tpu.memref_slice %arg8[%dma_start3A_285, %dma_start3A_286, %dma_start3A_291] : memref<3x5x40xi32, #tpu.memory_space<vmem>> -> memref<1x1x40xi32, #tpu.memory_space<vmem>>
    %dma_start3A_293 = tpu.memref_squeeze %dma_start3A_292 : memref<1x1x40xi32, #tpu.memory_space<vmem>> -> memref<40xi32, #tpu.memory_space<vmem>>
    %dma_start3A_294 = tpu.memref_slice %arg4[%add3A_284] : memref<320000xi32, #tpu.memory_space<hbm>> -> memref<40xi32, #tpu.memory_space<hbm>>
    tpu.enqueue_dma source(%dma_start3A_294 : memref<40xi32, #tpu.memory_space<hbm>>) target(%dma_start3A_293 : memref<40xi32, #tpu.memory_space<vmem>>) target_semaphore(%arg12 : memref<!tpu.dma_semaphore, #tpu.memory_space<semaphore_mem>>)
    %add3A_295 = arith.constant 160 : i32
    %add3A_296 = arith.addi %mul3A_198, %add3A_295 : i32
    %dma_start3A_297 = arith.constant 0 : i32
    %dma_start3A_298 = arith.constant 4 : i32
    %dma_start3A_299 = arith.constant 0 : i32
    %dma_start3A_300 = tpu.memref_slice %arg7[%dma_start3A_297, %dma_start3A_298, %dma_start3A_299] : memref<3x5x40xi32, #tpu.memory_space<vmem>> -> memref<1x1x40xi32, #tpu.memory_space<vmem>>
    %dma_start3A_301 = tpu.memref_squeeze %dma_start3A_300 : memref<1x1x40xi32, #tpu.memory_space<vmem>> -> memref<40xi32, #tpu.memory_space<vmem>>
    %dma_start3A_302 = tpu.memref_slice %arg3[%add3A_296] : memref<320000xi32, #tpu.memory_space<hbm>> -> memref<40xi32, #tpu.memory_space<hbm>>
    %dma_start3A_303 = arith.constant 0 : i32
    %dma_start3A_304 = tpu.memref_slice %arg7[%dma_start3A_297, %dma_start3A_298, %dma_start3A_303] : memref<3x5x40xi32, #tpu.memory_space<vmem>> -> memref<1x1x40xi32, #tpu.memory_space<vmem>>
    %dma_start3A_305 = tpu.memref_squeeze %dma_start3A_304 : memref<1x1x40xi32, #tpu.memory_space<vmem>> -> memref<40xi32, #tpu.memory_space<vmem>>
    %dma_start3A_306 = tpu.memref_slice %arg3[%add3A_296] : memref<320000xi32, #tpu.memory_space<hbm>> -> memref<40xi32, #tpu.memory_space<hbm>>
    tpu.enqueue_dma source(%dma_start3A_306 : memref<40xi32, #tpu.memory_space<hbm>>) target(%dma_start3A_305 : memref<40xi32, #tpu.memory_space<vmem>>) target_semaphore(%arg12 : memref<!tpu.dma_semaphore, #tpu.memory_space<semaphore_mem>>)
    %add3A_307 = arith.constant 160 : i32
    %add3A_308 = arith.addi %mul3A_198, %add3A_307 : i32
    %dma_start3A_309 = arith.constant 0 : i32
    %dma_start3A_310 = arith.constant 4 : i32
    %dma_start3A_311 = arith.constant 0 : i32
    %dma_start3A_312 = tpu.memref_slice %arg8[%dma_start3A_309, %dma_start3A_310, %dma_start3A_311] : memref<3x5x40xi32, #tpu.memory_space<vmem>> -> memref<1x1x40xi32, #tpu.memory_space<vmem>>
    %dma_start3A_313 = tpu.memref_squeeze %dma_start3A_312 : memref<1x1x40xi32, #tpu.memory_space<vmem>> -> memref<40xi32, #tpu.memory_space<vmem>>
    %dma_start3A_314 = tpu.memref_slice %arg4[%add3A_308] : memref<320000xi32, #tpu.memory_space<hbm>> -> memref<40xi32, #tpu.memory_space<hbm>>
    %dma_start3A_315 = arith.constant 0 : i32
    %dma_start3A_316 = tpu.memref_slice %arg8[%dma_start3A_309, %dma_start3A_310, %dma_start3A_315] : memref<3x5x40xi32, #tpu.memory_space<vmem>> -> memref<1x1x40xi32, #tpu.memory_space<vmem>>
    %dma_start3A_317 = tpu.memref_squeeze %dma_start3A_316 : memref<1x1x40xi32, #tpu.memory_space<vmem>> -> memref<40xi32, #tpu.memory_space<vmem>>
    %dma_start3A_318 = tpu.memref_slice %arg4[%add3A_308] : memref<320000xi32, #tpu.memory_space<hbm>> -> memref<40xi32, #tpu.memory_space<hbm>>
    tpu.enqueue_dma source(%dma_start3A_318 : memref<40xi32, #tpu.memory_space<hbm>>) target(%dma_start3A_317 : memref<40xi32, #tpu.memory_space<vmem>>) target_semaphore(%arg12 : memref<!tpu.dma_semaphore, #tpu.memory_space<semaphore_mem>>)
    %add3A_319 = arith.constant 200 : i32
    %add3A_320 = arith.addi %mul3A_198, %add3A_319 : i32
    %dma_start3A_321 = arith.constant 1 : i32
    %dma_start3A_322 = arith.constant 0 : i32
    %dma_start3A_323 = arith.constant 0 : i32
    %dma_start3A_324 = tpu.memref_slice %arg7[%dma_start3A_321, %dma_start3A_322, %dma_start3A_323] : memref<3x5x40xi32, #tpu.memory_space<vmem>> -> memref<1x1x40xi32, #tpu.memory_space<vmem>>
    %dma_start3A_325 = tpu.memref_squeeze %dma_start3A_324 : memref<1x1x40xi32, #tpu.memory_space<vmem>> -> memref<40xi32, #tpu.memory_space<vmem>>
    %dma_start3A_326 = tpu.memref_slice %arg3[%add3A_320] : memref<320000xi32, #tpu.memory_space<hbm>> -> memref<40xi32, #tpu.memory_space<hbm>>
    %dma_start3A_327 = arith.constant 0 : i32
    %dma_start3A_328 = tpu.memref_slice %arg7[%dma_start3A_321, %dma_start3A_322, %dma_start3A_327] : memref<3x5x40xi32, #tpu.memory_space<vmem>> -> memref<1x1x40xi32, #tpu.memory_space<vmem>>
    %dma_start3A_329 = tpu.memref_squeeze %dma_start3A_328 : memref<1x1x40xi32, #tpu.memory_space<vmem>> -> memref<40xi32, #tpu.memory_space<vmem>>
    %dma_start3A_330 = tpu.memref_slice %arg3[%add3A_320] : memref<320000xi32, #tpu.memory_space<hbm>> -> memref<40xi32, #tpu.memory_space<hbm>>
    tpu.enqueue_dma source(%dma_start3A_330 : memref<40xi32, #tpu.memory_space<hbm>>) target(%dma_start3A_329 : memref<40xi32, #tpu.memory_space<vmem>>) target_semaphore(%arg12 : memref<!tpu.dma_semaphore, #tpu.memory_space<semaphore_mem>>)
    %add3A_331 = arith.constant 200 : i32
    %add3A_332 = arith.addi %mul3A_198, %add3A_331 : i32
    %dma_start3A_333 = arith.constant 1 : i32
    %dma_start3A_334 = arith.constant 0 : i32
    %dma_start3A_335 = arith.constant 0 : i32
    %dma_start3A_336 = tpu.memref_slice %arg8[%dma_start3A_333, %dma_start3A_334, %dma_start3A_335] : memref<3x5x40xi32, #tpu.memory_space<vmem>> -> memref<1x1x40xi32, #tpu.memory_space<vmem>>
    %dma_start3A_337 = tpu.memref_squeeze %dma_start3A_336 : memref<1x1x40xi32, #tpu.memory_space<vmem>> -> memref<40xi32, #tpu.memory_space<vmem>>
    %dma_start3A_338 = tpu.memref_slice %arg4[%add3A_332] : memref<320000xi32, #tpu.memory_space<hbm>> -> memref<40xi32, #tpu.memory_space<hbm>>
    %dma_start3A_339 = arith.constant 0 : i32
    %dma_start3A_340 = tpu.memref_slice %arg8[%dma_start3A_333, %dma_start3A_334, %dma_start3A_339] : memref<3x5x40xi32, #tpu.memory_space<vmem>> -> memref<1x1x40xi32, #tpu.memory_space<vmem>>
    %dma_start3A_341 = tpu.memref_squeeze %dma_start3A_340 : memref<1x1x40xi32, #tpu.memory_space<vmem>> -> memref<40xi32, #tpu.memory_space<vmem>>
    %dma_start3A_342 = tpu.memref_slice %arg4[%add3A_332] : memref<320000xi32, #tpu.memory_space<hbm>> -> memref<40xi32, #tpu.memory_space<hbm>>
    tpu.enqueue_dma source(%dma_start3A_342 : memref<40xi32, #tpu.memory_space<hbm>>) target(%dma_start3A_341 : memref<40xi32, #tpu.memory_space<vmem>>) target_semaphore(%arg12 : memref<!tpu.dma_semaphore, #tpu.memory_space<semaphore_mem>>)
    %add3A_343 = arith.constant 240 : i32
    %add3A_344 = arith.addi %mul3A_198, %add3A_343 : i32
    %dma_start3A_345 = arith.constant 1 : i32
    %dma_start3A_346 = arith.constant 1 : i32
    %dma_start3A_347 = arith.constant 0 : i32
    %dma_start3A_348 = tpu.memref_slice %arg7[%dma_start3A_345, %dma_start3A_346, %dma_start3A_347] : memref<3x5x40xi32, #tpu.memory_space<vmem>> -> memref<1x1x40xi32, #tpu.memory_space<vmem>>
    %dma_start3A_349 = tpu.memref_squeeze %dma_start3A_348 : memref<1x1x40xi32, #tpu.memory_space<vmem>> -> memref<40xi32, #tpu.memory_space<vmem>>
    %dma_start3A_350 = tpu.memref_slice %arg3[%add3A_344] : memref<320000xi32, #tpu.memory_space<hbm>> -> memref<40xi32, #tpu.memory_space<hbm>>
    %dma_start3A_351 = arith.constant 0 : i32
    %dma_start3A_352 = tpu.memref_slice %arg7[%dma_start3A_345, %dma_start3A_346, %dma_start3A_351] : memref<3x5x40xi32, #tpu.memory_space<vmem>> -> memref<1x1x40xi32, #tpu.memory_space<vmem>>
    %dma_start3A_353 = tpu.memref_squeeze %dma_start3A_352 : memref<1x1x40xi32, #tpu.memory_space<vmem>> -> memref<40xi32, #tpu.memory_space<vmem>>
    %dma_start3A_354 = tpu.memref_slice %arg3[%add3A_344] : memref<320000xi32, #tpu.memory_space<hbm>> -> memref<40xi32, #tpu.memory_space<hbm>>
    tpu.enqueue_dma source(%dma_start3A_354 : memref<40xi32, #tpu.memory_space<hbm>>) target(%dma_start3A_353 : memref<40xi32, #tpu.memory_space<vmem>>) target_semaphore(%arg12 : memref<!tpu.dma_semaphore, #tpu.memory_space<semaphore_mem>>)
    %add3A_355 = arith.constant 240 : i32
    %add3A_356 = arith.addi %mul3A_198, %add3A_355 : i32
    %dma_start3A_357 = arith.constant 1 : i32
    %dma_start3A_358 = arith.constant 1 : i32
    %dma_start3A_359 = arith.constant 0 : i32
    %dma_start3A_360 = tpu.memref_slice %arg8[%dma_start3A_357, %dma_start3A_358, %dma_start3A_359] : memref<3x5x40xi32, #tpu.memory_space<vmem>> -> memref<1x1x40xi32, #tpu.memory_space<vmem>>
    %dma_start3A_361 = tpu.memref_squeeze %dma_start3A_360 : memref<1x1x40xi32, #tpu.memory_space<vmem>> -> memref<40xi32, #tpu.memory_space<vmem>>
    %dma_start3A_362 = tpu.memref_slice %arg4[%add3A_356] : memref<320000xi32, #tpu.memory_space<hbm>> -> memref<40xi32, #tpu.memory_space<hbm>>
    %dma_start3A_363 = arith.constant 0 : i32
    %dma_start3A_364 = tpu.memref_slice %arg8[%dma_start3A_357, %dma_start3A_358, %dma_start3A_363] : memref<3x5x40xi32, #tpu.memory_space<vmem>> -> memref<1x1x40xi32, #tpu.memory_space<vmem>>
    %dma_start3A_365 = tpu.memref_squeeze %dma_start3A_364 : memref<1x1x40xi32, #tpu.memory_space<vmem>> -> memref<40xi32, #tpu.memory_space<vmem>>
    %dma_start3A_366 = tpu.memref_slice %arg4[%add3A_356] : memref<320000xi32, #tpu.memory_space<hbm>> -> memref<40xi32, #tpu.memory_space<hbm>>
    tpu.enqueue_dma source(%dma_start3A_366 : memref<40xi32, #tpu.memory_space<hbm>>) target(%dma_start3A_365 : memref<40xi32, #tpu.memory_space<vmem>>) target_semaphore(%arg12 : memref<!tpu.dma_semaphore, #tpu.memory_space<semaphore_mem>>)
    %add3A_367 = arith.constant 280 : i32
    %add3A_368 = arith.addi %mul3A_198, %add3A_367 : i32
    %dma_start3A_369 = arith.constant 1 : i32
    %dma_start3A_370 = arith.constant 2 : i32
    %dma_start3A_371 = arith.constant 0 : i32
    %dma_start3A_372 = tpu.memref_slice %arg7[%dma_start3A_369, %dma_start3A_370, %dma_start3A_371] : memref<3x5x40xi32, #tpu.memory_space<vmem>> -> memref<1x1x40xi32, #tpu.memory_space<vmem>>
    %dma_start3A_373 = tpu.memref_squeeze %dma_start3A_372 : memref<1x1x40xi32, #tpu.memory_space<vmem>> -> memref<40xi32, #tpu.memory_space<vmem>>
    %dma_start3A_374 = tpu.memref_slice %arg3[%add3A_368] : memref<320000xi32, #tpu.memory_space<hbm>> -> memref<40xi32, #tpu.memory_space<hbm>>
    %dma_start3A_375 = arith.constant 0 : i32
    %dma_start3A_376 = tpu.memref_slice %arg7[%dma_start3A_369, %dma_start3A_370, %dma_start3A_375] : memref<3x5x40xi32, #tpu.memory_space<vmem>> -> memref<1x1x40xi32, #tpu.memory_space<vmem>>
    %dma_start3A_377 = tpu.memref_squeeze %dma_start3A_376 : memref<1x1x40xi32, #tpu.memory_space<vmem>> -> memref<40xi32, #tpu.memory_space<vmem>>
    %dma_start3A_378 = tpu.memref_slice %arg3[%add3A_368] : memref<320000xi32, #tpu.memory_space<hbm>> -> memref<40xi32, #tpu.memory_space<hbm>>
    tpu.enqueue_dma source(%dma_start3A_378 : memref<40xi32, #tpu.memory_space<hbm>>) target(%dma_start3A_377 : memref<40xi32, #tpu.memory_space<vmem>>) target_semaphore(%arg12 : memref<!tpu.dma_semaphore, #tpu.memory_space<semaphore_mem>>)
    %add3A_379 = arith.constant 280 : i32
    %add3A_380 = arith.addi %mul3A_198, %add3A_379 : i32
    %dma_start3A_381 = arith.constant 1 : i32
    %dma_start3A_382 = arith.constant 2 : i32
    %dma_start3A_383 = arith.constant 0 : i32
    %dma_start3A_384 = tpu.memref_slice %arg8[%dma_start3A_381, %dma_start3A_382, %dma_start3A_383] : memref<3x5x40xi32, #tpu.memory_space<vmem>> -> memref<1x1x40xi32, #tpu.memory_space<vmem>>
    %dma_start3A_385 = tpu.memref_squeeze %dma_start3A_384 : memref<1x1x40xi32, #tpu.memory_space<vmem>> -> memref<40xi32, #tpu.memory_space<vmem>>
    %dma_start3A_386 = tpu.memref_slice %arg4[%add3A_380] : memref<320000xi32, #tpu.memory_space<hbm>> -> memref<40xi32, #tpu.memory_space<hbm>>
    %dma_start3A_387 = arith.constant 0 : i32
    %dma_start3A_388 = tpu.memref_slice %arg8[%dma_start3A_381, %dma_start3A_382, %dma_start3A_387] : memref<3x5x40xi32, #tpu.memory_space<vmem>> -> memref<1x1x40xi32, #tpu.memory_space<vmem>>
    %dma_start3A_389 = tpu.memref_squeeze %dma_start3A_388 : memref<1x1x40xi32, #tpu.memory_space<vmem>> -> memref<40xi32, #tpu.memory_space<vmem>>
    %dma_start3A_390 = tpu.memref_slice %arg4[%add3A_380] : memref<320000xi32, #tpu.memory_space<hbm>> -> memref<40xi32, #tpu.memory_space<hbm>>
    tpu.enqueue_dma source(%dma_start3A_390 : memref<40xi32, #tpu.memory_space<hbm>>) target(%dma_start3A_389 : memref<40xi32, #tpu.memory_space<vmem>>) target_semaphore(%arg12 : memref<!tpu.dma_semaphore, #tpu.memory_space<semaphore_mem>>)
    %add3A_391 = arith.constant 320 : i32
    %add3A_392 = arith.addi %mul3A_198, %add3A_391 : i32
    %dma_start3A_393 = arith.constant 1 : i32
    %dma_start3A_394 = arith.constant 3 : i32
    %dma_start3A_395 = arith.constant 0 : i32
    %dma_start3A_396 = tpu.memref_slice %arg7[%dma_start3A_393, %dma_start3A_394, %dma_start3A_395] : memref<3x5x40xi32, #tpu.memory_space<vmem>> -> memref<1x1x40xi32, #tpu.memory_space<vmem>>
    %dma_start3A_397 = tpu.memref_squeeze %dma_start3A_396 : memref<1x1x40xi32, #tpu.memory_space<vmem>> -> memref<40xi32, #tpu.memory_space<vmem>>
    %dma_start3A_398 = tpu.memref_slice %arg3[%add3A_392] : memref<320000xi32, #tpu.memory_space<hbm>> -> memref<40xi32, #tpu.memory_space<hbm>>
    %dma_start3A_399 = arith.constant 0 : i32
    %dma_start3A_400 = tpu.memref_slice %arg7[%dma_start3A_393, %dma_start3A_394, %dma_start3A_399] : memref<3x5x40xi32, #tpu.memory_space<vmem>> -> memref<1x1x40xi32, #tpu.memory_space<vmem>>
    %dma_start3A_401 = tpu.memref_squeeze %dma_start3A_400 : memref<1x1x40xi32, #tpu.memory_space<vmem>> -> memref<40xi32, #tpu.memory_space<vmem>>
    %dma_start3A_402 = tpu.memref_slice %arg3[%add3A_392] : memref<320000xi32, #tpu.memory_space<hbm>> -> memref<40xi32, #tpu.memory_space<hbm>>
    tpu.enqueue_dma source(%dma_start3A_402 : memref<40xi32, #tpu.memory_space<hbm>>) target(%dma_start3A_401 : memref<40xi32, #tpu.memory_space<vmem>>) target_semaphore(%arg12 : memref<!tpu.dma_semaphore, #tpu.memory_space<semaphore_mem>>)
    %add3A_403 = arith.constant 320 : i32
    %add3A_404 = arith.addi %mul3A_198, %add3A_403 : i32
    %dma_start3A_405 = arith.constant 1 : i32
    %dma_start3A_406 = arith.constant 3 : i32
    %dma_start3A_407 = arith.constant 0 : i32
    %dma_start3A_408 = tpu.memref_slice %arg8[%dma_start3A_405, %dma_start3A_406, %dma_start3A_407] : memref<3x5x40xi32, #tpu.memory_space<vmem>> -> memref<1x1x40xi32, #tpu.memory_space<vmem>>
    %dma_start3A_409 = tpu.memref_squeeze %dma_start3A_408 : memref<1x1x40xi32, #tpu.memory_space<vmem>> -> memref<40xi32, #tpu.memory_space<vmem>>
    %dma_start3A_410 = tpu.memref_slice %arg4[%add3A_404] : memref<320000xi32, #tpu.memory_space<hbm>> -> memref<40xi32, #tpu.memory_space<hbm>>
    %dma_start3A_411 = arith.constant 0 : i32
    %dma_start3A_412 = tpu.memref_slice %arg8[%dma_start3A_405, %dma_start3A_406, %dma_start3A_411] : memref<3x5x40xi32, #tpu.memory_space<vmem>> -> memref<1x1x40xi32, #tpu.memory_space<vmem>>
    %dma_start3A_413 = tpu.memref_squeeze %dma_start3A_412 : memref<1x1x40xi32, #tpu.memory_space<vmem>> -> memref<40xi32, #tpu.memory_space<vmem>>
    %dma_start3A_414 = tpu.memref_slice %arg4[%add3A_404] : memref<320000xi32, #tpu.memory_space<hbm>> -> memref<40xi32, #tpu.memory_space<hbm>>
    tpu.enqueue_dma source(%dma_start3A_414 : memref<40xi32, #tpu.memory_space<hbm>>) target(%dma_start3A_413 : memref<40xi32, #tpu.memory_space<vmem>>) target_semaphore(%arg12 : memref<!tpu.dma_semaphore, #tpu.memory_space<semaphore_mem>>)
    %add3A_415 = arith.constant 360 : i32
    %add3A_416 = arith.addi %mul3A_198, %add3A_415 : i32
    %dma_start3A_417 = arith.constant 1 : i32
    %dma_start3A_418 = arith.constant 4 : i32
    %dma_start3A_419 = arith.constant 0 : i32
    %dma_start3A_420 = tpu.memref_slice %arg7[%dma_start3A_417, %dma_start3A_418, %dma_start3A_419] : memref<3x5x40xi32, #tpu.memory_space<vmem>> -> memref<1x1x40xi32, #tpu.memory_space<vmem>>
    %dma_start3A_421 = tpu.memref_squeeze %dma_start3A_420 : memref<1x1x40xi32, #tpu.memory_space<vmem>> -> memref<40xi32, #tpu.memory_space<vmem>>
    %dma_start3A_422 = tpu.memref_slice %arg3[%add3A_416] : memref<320000xi32, #tpu.memory_space<hbm>> -> memref<40xi32, #tpu.memory_space<hbm>>
    %dma_start3A_423 = arith.constant 0 : i32
    %dma_start3A_424 = tpu.memref_slice %arg7[%dma_start3A_417, %dma_start3A_418, %dma_start3A_423] : memref<3x5x40xi32, #tpu.memory_space<vmem>> -> memref<1x1x40xi32, #tpu.memory_space<vmem>>
    %dma_start3A_425 = tpu.memref_squeeze %dma_start3A_424 : memref<1x1x40xi32, #tpu.memory_space<vmem>> -> memref<40xi32, #tpu.memory_space<vmem>>
    %dma_start3A_426 = tpu.memref_slice %arg3[%add3A_416] : memref<320000xi32, #tpu.memory_space<hbm>> -> memref<40xi32, #tpu.memory_space<hbm>>
    tpu.enqueue_dma source(%dma_start3A_426 : memref<40xi32, #tpu.memory_space<hbm>>) target(%dma_start3A_425 : memref<40xi32, #tpu.memory_space<vmem>>) target_semaphore(%arg12 : memref<!tpu.dma_semaphore, #tpu.memory_space<semaphore_mem>>)
    %add3A_427 = arith.constant 360 : i32
    %add3A_428 = arith.addi %mul3A_198, %add3A_427 : i32
    %dma_start3A_429 = arith.constant 1 : i32
    %dma_start3A_430 = arith.constant 4 : i32
    %dma_start3A_431 = arith.constant 0 : i32
    %dma_start3A_432 = tpu.memref_slice %arg8[%dma_start3A_429, %dma_start3A_430, %dma_start3A_431] : memref<3x5x40xi32, #tpu.memory_space<vmem>> -> memref<1x1x40xi32, #tpu.memory_space<vmem>>
    %dma_start3A_433 = tpu.memref_squeeze %dma_start3A_432 : memref<1x1x40xi32, #tpu.memory_space<vmem>> -> memref<40xi32, #tpu.memory_space<vmem>>
    %dma_start3A_434 = tpu.memref_slice %arg4[%add3A_428] : memref<320000xi32, #tpu.memory_space<hbm>> -> memref<40xi32, #tpu.memory_space<hbm>>
    %dma_start3A_435 = arith.constant 0 : i32
    %dma_start3A_436 = tpu.memref_slice %arg8[%dma_start3A_429, %dma_start3A_430, %dma_start3A_435] : memref<3x5x40xi32, #tpu.memory_space<vmem>> -> memref<1x1x40xi32, #tpu.memory_space<vmem>>
    %dma_start3A_437 = tpu.memref_squeeze %dma_start3A_436 : memref<1x1x40xi32, #tpu.memory_space<vmem>> -> memref<40xi32, #tpu.memory_space<vmem>>
    %dma_start3A_438 = tpu.memref_slice %arg4[%add3A_428] : memref<320000xi32, #tpu.memory_space<hbm>> -> memref<40xi32, #tpu.memory_space<hbm>>
    tpu.enqueue_dma source(%dma_start3A_438 : memref<40xi32, #tpu.memory_space<hbm>>) target(%dma_start3A_437 : memref<40xi32, #tpu.memory_space<vmem>>) target_semaphore(%arg12 : memref<!tpu.dma_semaphore, #tpu.memory_space<semaphore_mem>>)
    %dma_wait3A = arith.constant 0 : i32
    %dma_wait3A_439 = tpu.memref_slice %arg23[%mul3A_22, %dma_wait3A] : memref<10240x128xf32, #tpu.memory_space<vmem_shared>> -> memref<32x128xf32, #tpu.memory_space<vmem_shared>>
    %dma_wait3A_440 = arith.constant 0 : i32
    %dma_wait3A_441 = tpu.memref_slice %arg23[%mul3A_22, %dma_wait3A_440] : memref<10240x128xf32, #tpu.memory_space<vmem_shared>> -> memref<32x128xf32, #tpu.memory_space<vmem_shared>>
    tpu.wait_dma2 semaphore(%arg13 : memref<!tpu.dma_semaphore, #tpu.memory_space<semaphore_mem>>) src(%arg11 : memref<32x128xf32, #tpu.memory_space<vmem>>) dst(%dma_wait3A_441 : memref<32x128xf32, #tpu.memory_space<vmem_shared>>)
    %dma_wait3A_442 = arith.constant 0 : i32
    %dma_wait3A_443 = tpu.memref_slice %arg23[%mul3A_22, %dma_wait3A_442] : memref<10240x128xf32, #tpu.memory_space<vmem_shared>> -> memref<32x128xf32, #tpu.memory_space<vmem_shared>>
    %dma_wait3A_444 = arith.constant 0 : i32
    %dma_wait3A_445 = tpu.memref_slice %arg23[%mul3A_22, %dma_wait3A_444] : memref<10240x128xf32, #tpu.memory_space<vmem_shared>> -> memref<32x128xf32, #tpu.memory_space<vmem_shared>>
    tpu.wait_dma2 semaphore(%arg13 : memref<!tpu.dma_semaphore, #tpu.memory_space<semaphore_mem>>) src(%arg11 : memref<32x128xf32, #tpu.memory_space<vmem>>) dst(%dma_wait3A_445 : memref<32x128xf32, #tpu.memory_space<vmem_shared>>)
    %dma_wait3A_446 = arith.constant 0 : i32
    %dma_wait3A_447 = tpu.memref_slice %arg23[%mul3A_22, %dma_wait3A_446] : memref<10240x128xf32, #tpu.memory_space<vmem_shared>> -> memref<32x128xf32, #tpu.memory_space<vmem_shared>>
    %dma_wait3A_448 = arith.constant 0 : i32
    %dma_wait3A_449 = tpu.memref_slice %arg23[%mul3A_22, %dma_wait3A_448] : memref<10240x128xf32, #tpu.memory_space<vmem_shared>> -> memref<32x128xf32, #tpu.memory_space<vmem_shared>>
    tpu.wait_dma2 semaphore(%arg13 : memref<!tpu.dma_semaphore, #tpu.memory_space<semaphore_mem>>) src(%arg11 : memref<32x128xf32, #tpu.memory_space<vmem>>) dst(%dma_wait3A_449 : memref<32x128xf32, #tpu.memory_space<vmem_shared>>)
    %dma_wait3A_450 = arith.constant 0 : i32
    %dma_wait3A_451 = tpu.memref_slice %arg23[%mul3A_22, %dma_wait3A_450] : memref<10240x128xf32, #tpu.memory_space<vmem_shared>> -> memref<32x128xf32, #tpu.memory_space<vmem_shared>>
    %dma_wait3A_452 = arith.constant 0 : i32
    %dma_wait3A_453 = tpu.memref_slice %arg23[%mul3A_22, %dma_wait3A_452] : memref<10240x128xf32, #tpu.memory_space<vmem_shared>> -> memref<32x128xf32, #tpu.memory_space<vmem_shared>>
    tpu.wait_dma2 semaphore(%arg13 : memref<!tpu.dma_semaphore, #tpu.memory_space<semaphore_mem>>) src(%arg11 : memref<32x128xf32, #tpu.memory_space<vmem>>) dst(%dma_wait3A_453 : memref<32x128xf32, #tpu.memory_space<vmem_shared>>)
    %dma_wait3A_454 = arith.constant 0 : i32
    %dma_wait3A_455 = tpu.memref_slice %arg23[%mul3A_22, %dma_wait3A_454] : memref<10240x128xf32, #tpu.memory_space<vmem_shared>> -> memref<32x128xf32, #tpu.memory_space<vmem_shared>>
    %dma_wait3A_456 = arith.constant 0 : i32
    %dma_wait3A_457 = tpu.memref_slice %arg23[%mul3A_22, %dma_wait3A_456] : memref<10240x128xf32, #tpu.memory_space<vmem_shared>> -> memref<32x128xf32, #tpu.memory_space<vmem_shared>>
    tpu.wait_dma2 semaphore(%arg13 : memref<!tpu.dma_semaphore, #tpu.memory_space<semaphore_mem>>) src(%arg11 : memref<32x128xf32, #tpu.memory_space<vmem>>) dst(%dma_wait3A_457 : memref<32x128xf32, #tpu.memory_space<vmem_shared>>)
    %dma_wait3A_458 = arith.constant 0 : i32
    %dma_wait3A_459 = tpu.memref_slice %arg23[%mul3A_22, %dma_wait3A_458] : memref<10240x128xf32, #tpu.memory_space<vmem_shared>> -> memref<32x128xf32, #tpu.memory_space<vmem_shared>>
    %dma_wait3A_460 = arith.constant 0 : i32
    %dma_wait3A_461 = tpu.memref_slice %arg23[%mul3A_22, %dma_wait3A_460] : memref<10240x128xf32, #tpu.memory_space<vmem_shared>> -> memref<32x128xf32, #tpu.memory_space<vmem_shared>>
    tpu.wait_dma2 semaphore(%arg13 : memref<!tpu.dma_semaphore, #tpu.memory_space<semaphore_mem>>) src(%arg11 : memref<32x128xf32, #tpu.memory_space<vmem>>) dst(%dma_wait3A_461 : memref<32x128xf32, #tpu.memory_space<vmem_shared>>)
    %dma_wait3A_462 = arith.constant 0 : i32
    %dma_wait3A_463 = tpu.memref_slice %arg23[%mul3A_22, %dma_wait3A_462] : memref<10240x128xf32, #tpu.memory_space<vmem_shared>> -> memref<32x128xf32, #tpu.memory_space<vmem_shared>>
    %dma_wait3A_464 = arith.constant 0 : i32
    %dma_wait3A_465 = tpu.memref_slice %arg23[%mul3A_22, %dma_wait3A_464] : memref<10240x128xf32, #tpu.memory_space<vmem_shared>> -> memref<32x128xf32, #tpu.memory_space<vmem_shared>>
    tpu.wait_dma2 semaphore(%arg13 : memref<!tpu.dma_semaphore, #tpu.memory_space<semaphore_mem>>) src(%arg11 : memref<32x128xf32, #tpu.memory_space<vmem>>) dst(%dma_wait3A_465 : memref<32x128xf32, #tpu.memory_space<vmem_shared>>)
    %dma_wait3A_466 = arith.constant 0 : i32
    %dma_wait3A_467 = tpu.memref_slice %arg23[%mul3A_22, %dma_wait3A_466] : memref<10240x128xf32, #tpu.memory_space<vmem_shared>> -> memref<32x128xf32, #tpu.memory_space<vmem_shared>>
    %dma_wait3A_468 = arith.constant 0 : i32
    %dma_wait3A_469 = tpu.memref_slice %arg23[%mul3A_22, %dma_wait3A_468] : memref<10240x128xf32, #tpu.memory_space<vmem_shared>> -> memref<32x128xf32, #tpu.memory_space<vmem_shared>>
    tpu.wait_dma2 semaphore(%arg13 : memref<!tpu.dma_semaphore, #tpu.memory_space<semaphore_mem>>) src(%arg11 : memref<32x128xf32, #tpu.memory_space<vmem>>) dst(%dma_wait3A_469 : memref<32x128xf32, #tpu.memory_space<vmem_shared>>)
    %dma_wait3A_470 = arith.constant 0 : i32
    %dma_wait3A_471 = tpu.memref_slice %arg23[%mul3A_22, %dma_wait3A_470] : memref<10240x128xf32, #tpu.memory_space<vmem_shared>> -> memref<32x128xf32, #tpu.memory_space<vmem_shared>>
    %dma_wait3A_472 = arith.constant 0 : i32
    %dma_wait3A_473 = tpu.memref_slice %arg23[%mul3A_22, %dma_wait3A_472] : memref<10240x128xf32, #tpu.memory_space<vmem_shared>> -> memref<32x128xf32, #tpu.memory_space<vmem_shared>>
    tpu.wait_dma2 semaphore(%arg13 : memref<!tpu.dma_semaphore, #tpu.memory_space<semaphore_mem>>) src(%arg11 : memref<32x128xf32, #tpu.memory_space<vmem>>) dst(%dma_wait3A_473 : memref<32x128xf32, #tpu.memory_space<vmem_shared>>)
    %dma_wait3A_474 = arith.constant 0 : i32
    %dma_wait3A_475 = tpu.memref_slice %arg23[%mul3A_22, %dma_wait3A_474] : memref<10240x128xf32, #tpu.memory_space<vmem_shared>> -> memref<32x128xf32, #tpu.memory_space<vmem_shared>>
    %dma_wait3A_476 = arith.constant 0 : i32
    %dma_wait3A_477 = tpu.memref_slice %arg23[%mul3A_22, %dma_wait3A_476] : memref<10240x128xf32, #tpu.memory_space<vmem_shared>> -> memref<32x128xf32, #tpu.memory_space<vmem_shared>>
    tpu.wait_dma2 semaphore(%arg13 : memref<!tpu.dma_semaphore, #tpu.memory_space<semaphore_mem>>) src(%arg11 : memref<32x128xf32, #tpu.memory_space<vmem>>) dst(%dma_wait3A_477 : memref<32x128xf32, #tpu.memory_space<vmem_shared>>)
    %dma_wait3A_478 = arith.constant 0 : i32
    %dma_wait3A_479 = tpu.memref_slice %arg23[%mul3A_22, %dma_wait3A_478] : memref<10240x128xf32, #tpu.memory_space<vmem_shared>> -> memref<32x128xf32, #tpu.memory_space<vmem_shared>>
    %dma_wait3A_480 = arith.constant 0 : i32
    %dma_wait3A_481 = tpu.memref_slice %arg23[%mul3A_22, %dma_wait3A_480] : memref<10240x128xf32, #tpu.memory_space<vmem_shared>> -> memref<32x128xf32, #tpu.memory_space<vmem_shared>>
    tpu.wait_dma2 semaphore(%arg13 : memref<!tpu.dma_semaphore, #tpu.memory_space<semaphore_mem>>) src(%arg11 : memref<32x128xf32, #tpu.memory_space<vmem>>) dst(%dma_wait3A_481 : memref<32x128xf32, #tpu.memory_space<vmem_shared>>)
    %dma_wait3A_482 = arith.constant 0 : i32
    %dma_wait3A_483 = tpu.memref_slice %arg23[%mul3A_22, %dma_wait3A_482] : memref<10240x128xf32, #tpu.memory_space<vmem_shared>> -> memref<32x128xf32, #tpu.memory_space<vmem_shared>>
    %dma_wait3A_484 = arith.constant 0 : i32
    %dma_wait3A_485 = tpu.memref_slice %arg23[%mul3A_22, %dma_wait3A_484] : memref<10240x128xf32, #tpu.memory_space<vmem_shared>> -> memref<32x128xf32, #tpu.memory_space<vmem_shared>>
    tpu.wait_dma2 semaphore(%arg13 : memref<!tpu.dma_semaphore, #tpu.memory_space<semaphore_mem>>) src(%arg11 : memref<32x128xf32, #tpu.memory_space<vmem>>) dst(%dma_wait3A_485 : memref<32x128xf32, #tpu.memory_space<vmem_shared>>)
    %dma_wait3A_486 = arith.constant 0 : i32
    %dma_wait3A_487 = tpu.memref_slice %arg23[%mul3A_22, %dma_wait3A_486] : memref<10240x128xf32, #tpu.memory_space<vmem_shared>> -> memref<32x128xf32, #tpu.memory_space<vmem_shared>>
    %dma_wait3A_488 = arith.constant 0 : i32
    %dma_wait3A_489 = tpu.memref_slice %arg23[%mul3A_22, %dma_wait3A_488] : memref<10240x128xf32, #tpu.memory_space<vmem_shared>> -> memref<32x128xf32, #tpu.memory_space<vmem_shared>>
    tpu.wait_dma2 semaphore(%arg13 : memref<!tpu.dma_semaphore, #tpu.memory_space<semaphore_mem>>) src(%arg11 : memref<32x128xf32, #tpu.memory_space<vmem>>) dst(%dma_wait3A_489 : memref<32x128xf32, #tpu.memory_space<vmem_shared>>)
    %dma_wait3A_490 = arith.constant 0 : i32
    %dma_wait3A_491 = tpu.memref_slice %arg23[%mul3A_22, %dma_wait3A_490] : memref<10240x128xf32, #tpu.memory_space<vmem_shared>> -> memref<32x128xf32, #tpu.memory_space<vmem_shared>>
    %dma_wait3A_492 = arith.constant 0 : i32
    %dma_wait3A_493 = tpu.memref_slice %arg23[%mul3A_22, %dma_wait3A_492] : memref<10240x128xf32, #tpu.memory_space<vmem_shared>> -> memref<32x128xf32, #tpu.memory_space<vmem_shared>>
    tpu.wait_dma2 semaphore(%arg13 : memref<!tpu.dma_semaphore, #tpu.memory_space<semaphore_mem>>) src(%arg11 : memref<32x128xf32, #tpu.memory_space<vmem>>) dst(%dma_wait3A_493 : memref<32x128xf32, #tpu.memory_space<vmem_shared>>)
    %dma_wait3A_494 = arith.constant 0 : i32
    %dma_wait3A_495 = tpu.memref_slice %arg23[%mul3A_22, %dma_wait3A_494] : memref<10240x128xf32, #tpu.memory_space<vmem_shared>> -> memref<32x128xf32, #tpu.memory_space<vmem_shared>>
    %dma_wait3A_496 = arith.constant 0 : i32
    %dma_wait3A_497 = tpu.memref_slice %arg23[%mul3A_22, %dma_wait3A_496] : memref<10240x128xf32, #tpu.memory_space<vmem_shared>> -> memref<32x128xf32, #tpu.memory_space<vmem_shared>>
    tpu.wait_dma2 semaphore(%arg13 : memref<!tpu.dma_semaphore, #tpu.memory_space<semaphore_mem>>) src(%arg11 : memref<32x128xf32, #tpu.memory_space<vmem>>) dst(%dma_wait3A_497 : memref<32x128xf32, #tpu.memory_space<vmem_shared>>)
    %dma_wait3A_498 = arith.constant 0 : i32
    %dma_wait3A_499 = tpu.memref_slice %arg23[%mul3A_22, %dma_wait3A_498] : memref<10240x128xf32, #tpu.memory_space<vmem_shared>> -> memref<32x128xf32, #tpu.memory_space<vmem_shared>>
    %dma_wait3A_500 = arith.constant 0 : i32
    %dma_wait3A_501 = tpu.memref_slice %arg23[%mul3A_22, %dma_wait3A_500] : memref<10240x128xf32, #tpu.memory_space<vmem_shared>> -> memref<32x128xf32, #tpu.memory_space<vmem_shared>>
    tpu.wait_dma2 semaphore(%arg13 : memref<!tpu.dma_semaphore, #tpu.memory_space<semaphore_mem>>) src(%arg11 : memref<32x128xf32, #tpu.memory_space<vmem>>) dst(%dma_wait3A_501 : memref<32x128xf32, #tpu.memory_space<vmem_shared>>)
    %dma_wait3A_502 = arith.constant 0 : i32
    %dma_wait3A_503 = tpu.memref_slice %arg23[%mul3A_22, %dma_wait3A_502] : memref<10240x128xf32, #tpu.memory_space<vmem_shared>> -> memref<32x128xf32, #tpu.memory_space<vmem_shared>>
    %dma_wait3A_504 = arith.constant 0 : i32
    %dma_wait3A_505 = tpu.memref_slice %arg23[%mul3A_22, %dma_wait3A_504] : memref<10240x128xf32, #tpu.memory_space<vmem_shared>> -> memref<32x128xf32, #tpu.memory_space<vmem_shared>>
    tpu.wait_dma2 semaphore(%arg13 : memref<!tpu.dma_semaphore, #tpu.memory_space<semaphore_mem>>) src(%arg11 : memref<32x128xf32, #tpu.memory_space<vmem>>) dst(%dma_wait3A_505 : memref<32x128xf32, #tpu.memory_space<vmem_shared>>)
    %dma_wait3A_506 = arith.constant 0 : i32
    %dma_wait3A_507 = tpu.memref_slice %arg23[%mul3A_22, %dma_wait3A_506] : memref<10240x128xf32, #tpu.memory_space<vmem_shared>> -> memref<32x128xf32, #tpu.memory_space<vmem_shared>>
    %dma_wait3A_508 = arith.constant 0 : i32
    %dma_wait3A_509 = tpu.memref_slice %arg23[%mul3A_22, %dma_wait3A_508] : memref<10240x128xf32, #tpu.memory_space<vmem_shared>> -> memref<32x128xf32, #tpu.memory_space<vmem_shared>>
    tpu.wait_dma2 semaphore(%arg13 : memref<!tpu.dma_semaphore, #tpu.memory_space<semaphore_mem>>) src(%arg11 : memref<32x128xf32, #tpu.memory_space<vmem>>) dst(%dma_wait3A_509 : memref<32x128xf32, #tpu.memory_space<vmem_shared>>)
    %dma_wait3A_510 = arith.constant 0 : i32
    %dma_wait3A_511 = tpu.memref_slice %arg23[%mul3A_22, %dma_wait3A_510] : memref<10240x128xf32, #tpu.memory_space<vmem_shared>> -> memref<32x128xf32, #tpu.memory_space<vmem_shared>>
    %dma_wait3A_512 = arith.constant 0 : i32
    %dma_wait3A_513 = tpu.memref_slice %arg23[%mul3A_22, %dma_wait3A_512] : memref<10240x128xf32, #tpu.memory_space<vmem_shared>> -> memref<32x128xf32, #tpu.memory_space<vmem_shared>>
    tpu.wait_dma2 semaphore(%arg13 : memref<!tpu.dma_semaphore, #tpu.memory_space<semaphore_mem>>) src(%arg11 : memref<32x128xf32, #tpu.memory_space<vmem>>) dst(%dma_wait3A_513 : memref<32x128xf32, #tpu.memory_space<vmem_shared>>)
    %dma_wait3A_514 = arith.constant 0 : i32
    %dma_wait3A_515 = tpu.memref_slice %arg23[%mul3A_22, %dma_wait3A_514] : memref<10240x128xf32, #tpu.memory_space<vmem_shared>> -> memref<32x128xf32, #tpu.memory_space<vmem_shared>>
    %dma_wait3A_516 = arith.constant 0 : i32
    %dma_wait3A_517 = tpu.memref_slice %arg23[%mul3A_22, %dma_wait3A_516] : memref<10240x128xf32, #tpu.memory_space<vmem_shared>> -> memref<32x128xf32, #tpu.memory_space<vmem_shared>>
    tpu.wait_dma2 semaphore(%arg13 : memref<!tpu.dma_semaphore, #tpu.memory_space<semaphore_mem>>) src(%arg11 : memref<32x128xf32, #tpu.memory_space<vmem>>) dst(%dma_wait3A_517 : memref<32x128xf32, #tpu.memory_space<vmem_shared>>)
    %dma_wait3A_518 = arith.constant 0 : i32
    %dma_wait3A_519 = arith.constant 0 : i32
    %dma_wait3A_520 = tpu.memref_slice %arg11[%dma_wait3A_518, %dma_wait3A_519] : memref<32x128xf32, #tpu.memory_space<vmem>> -> memref<1x128xf32, #tpu.memory_space<vmem>>
    %dma_wait3A_521 = tpu.memref_squeeze %dma_wait3A_520 : memref<1x128xf32, #tpu.memory_space<vmem>> -> memref<128xf32, #tpu.memory_space<vmem>>
    %dma_wait3A_522 = tpu.memref_slice %arg24[%mul3A_22] : memref<10240xf32, #tpu.memory_space<vmem_shared>> -> memref<128xf32, #tpu.memory_space<vmem_shared>>
    %dma_wait3A_523 = tpu.memref_slice %arg24[%mul3A_22] : memref<10240xf32, #tpu.memory_space<vmem_shared>> -> memref<128xf32, #tpu.memory_space<vmem_shared>>
    %dma_wait3A_524 = arith.constant 0 : i32
    %dma_wait3A_525 = tpu.memref_slice %arg11[%dma_wait3A_518, %dma_wait3A_524] : memref<32x128xf32, #tpu.memory_space<vmem>> -> memref<1x128xf32, #tpu.memory_space<vmem>>
    %dma_wait3A_526 = tpu.memref_squeeze %dma_wait3A_525 : memref<1x128xf32, #tpu.memory_space<vmem>> -> memref<128xf32, #tpu.memory_space<vmem>>
    tpu.wait_dma2 semaphore(%arg13 : memref<!tpu.dma_semaphore, #tpu.memory_space<semaphore_mem>>) src(%dma_wait3A_526 : memref<128xf32, #tpu.memory_space<vmem>>) dst(%dma_wait3A_523 : memref<128xf32, #tpu.memory_space<vmem_shared>>)
    %dma_wait3A_527 = arith.constant 0 : i32
    %dma_wait3A_528 = arith.constant 0 : i32
    %dma_wait3A_529 = tpu.memref_slice %arg11[%dma_wait3A_527, %dma_wait3A_528] : memref<32x128xf32, #tpu.memory_space<vmem>> -> memref<1x128xf32, #tpu.memory_space<vmem>>
    %dma_wait3A_530 = tpu.memref_squeeze %dma_wait3A_529 : memref<1x128xf32, #tpu.memory_space<vmem>> -> memref<128xf32, #tpu.memory_space<vmem>>
    %dma_wait3A_531 = tpu.memref_slice %arg24[%mul3A_22] : memref<10240xf32, #tpu.memory_space<vmem_shared>> -> memref<128xf32, #tpu.memory_space<vmem_shared>>
    %dma_wait3A_532 = tpu.memref_slice %arg24[%mul3A_22] : memref<10240xf32, #tpu.memory_space<vmem_shared>> -> memref<128xf32, #tpu.memory_space<vmem_shared>>
    %dma_wait3A_533 = arith.constant 0 : i32
    %dma_wait3A_534 = tpu.memref_slice %arg11[%dma_wait3A_527, %dma_wait3A_533] : memref<32x128xf32, #tpu.memory_space<vmem>> -> memref<1x128xf32, #tpu.memory_space<vmem>>
    %dma_wait3A_535 = tpu.memref_squeeze %dma_wait3A_534 : memref<1x128xf32, #tpu.memory_space<vmem>> -> memref<128xf32, #tpu.memory_space<vmem>>
    tpu.wait_dma2 semaphore(%arg13 : memref<!tpu.dma_semaphore, #tpu.memory_space<semaphore_mem>>) src(%dma_wait3A_535 : memref<128xf32, #tpu.memory_space<vmem>>) dst(%dma_wait3A_532 : memref<128xf32, #tpu.memory_space<vmem_shared>>)
    %dma_wait3A_536 = arith.constant 0 : i32
    %dma_wait3A_537 = arith.constant 0 : i32
    %dma_wait3A_538 = tpu.memref_slice %arg11[%dma_wait3A_536, %dma_wait3A_537] : memref<32x128xf32, #tpu.memory_space<vmem>> -> memref<1x128xf32, #tpu.memory_space<vmem>>
    %dma_wait3A_539 = tpu.memref_squeeze %dma_wait3A_538 : memref<1x128xf32, #tpu.memory_space<vmem>> -> memref<128xf32, #tpu.memory_space<vmem>>
    %dma_wait3A_540 = tpu.memref_slice %arg24[%mul3A_22] : memref<10240xf32, #tpu.memory_space<vmem_shared>> -> memref<128xf32, #tpu.memory_space<vmem_shared>>
    %dma_wait3A_541 = tpu.memref_slice %arg24[%mul3A_22] : memref<10240xf32, #tpu.memory_space<vmem_shared>> -> memref<128xf32, #tpu.memory_space<vmem_shared>>
    %dma_wait3A_542 = arith.constant 0 : i32
    %dma_wait3A_543 = tpu.memref_slice %arg11[%dma_wait3A_536, %dma_wait3A_542] : memref<32x128xf32, #tpu.memory_space<vmem>> -> memref<1x128xf32, #tpu.memory_space<vmem>>
    %dma_wait3A_544 = tpu.memref_squeeze %dma_wait3A_543 : memref<1x128xf32, #tpu.memory_space<vmem>> -> memref<128xf32, #tpu.memory_space<vmem>>
    tpu.wait_dma2 semaphore(%arg13 : memref<!tpu.dma_semaphore, #tpu.memory_space<semaphore_mem>>) src(%dma_wait3A_544 : memref<128xf32, #tpu.memory_space<vmem>>) dst(%dma_wait3A_541 : memref<128xf32, #tpu.memory_space<vmem_shared>>)
    %dma_wait3A_545 = arith.constant 0 : i32
    %dma_wait3A_546 = arith.constant 0 : i32
    %dma_wait3A_547 = tpu.memref_slice %arg11[%dma_wait3A_545, %dma_wait3A_546] : memref<32x128xf32, #tpu.memory_space<vmem>> -> memref<1x128xf32, #tpu.memory_space<vmem>>
    %dma_wait3A_548 = tpu.memref_squeeze %dma_wait3A_547 : memref<1x128xf32, #tpu.memory_space<vmem>> -> memref<128xf32, #tpu.memory_space<vmem>>
    %dma_wait3A_549 = tpu.memref_slice %arg24[%mul3A_22] : memref<10240xf32, #tpu.memory_space<vmem_shared>> -> memref<128xf32, #tpu.memory_space<vmem_shared>>
    %dma_wait3A_550 = tpu.memref_slice %arg24[%mul3A_22] : memref<10240xf32, #tpu.memory_space<vmem_shared>> -> memref<128xf32, #tpu.memory_space<vmem_shared>>
    %dma_wait3A_551 = arith.constant 0 : i32
    %dma_wait3A_552 = tpu.memref_slice %arg11[%dma_wait3A_545, %dma_wait3A_551] : memref<32x128xf32, #tpu.memory_space<vmem>> -> memref<1x128xf32, #tpu.memory_space<vmem>>
    %dma_wait3A_553 = tpu.memref_squeeze %dma_wait3A_552 : memref<1x128xf32, #tpu.memory_space<vmem>> -> memref<128xf32, #tpu.memory_space<vmem>>
    tpu.wait_dma2 semaphore(%arg13 : memref<!tpu.dma_semaphore, #tpu.memory_space<semaphore_mem>>) src(%dma_wait3A_553 : memref<128xf32, #tpu.memory_space<vmem>>) dst(%dma_wait3A_550 : memref<128xf32, #tpu.memory_space<vmem_shared>>)
    %dma_wait3A_554 = arith.constant 0 : i32
    %dma_wait3A_555 = arith.constant 0 : i32
    %dma_wait3A_556 = tpu.memref_slice %arg11[%dma_wait3A_554, %dma_wait3A_555] : memref<32x128xf32, #tpu.memory_space<vmem>> -> memref<1x128xf32, #tpu.memory_space<vmem>>
    %dma_wait3A_557 = tpu.memref_squeeze %dma_wait3A_556 : memref<1x128xf32, #tpu.memory_space<vmem>> -> memref<128xf32, #tpu.memory_space<vmem>>
    %dma_wait3A_558 = tpu.memref_slice %arg24[%mul3A_22] : memref<10240xf32, #tpu.memory_space<vmem_shared>> -> memref<128xf32, #tpu.memory_space<vmem_shared>>
    %dma_wait3A_559 = tpu.memref_slice %arg24[%mul3A_22] : memref<10240xf32, #tpu.memory_space<vmem_shared>> -> memref<128xf32, #tpu.memory_space<vmem_shared>>
    %dma_wait3A_560 = arith.constant 0 : i32
    %dma_wait3A_561 = tpu.memref_slice %arg11[%dma_wait3A_554, %dma_wait3A_560] : memref<32x128xf32, #tpu.memory_space<vmem>> -> memref<1x128xf32, #tpu.memory_space<vmem>>
    %dma_wait3A_562 = tpu.memref_squeeze %dma_wait3A_561 : memref<1x128xf32, #tpu.memory_space<vmem>> -> memref<128xf32, #tpu.memory_space<vmem>>
    tpu.wait_dma2 semaphore(%arg13 : memref<!tpu.dma_semaphore, #tpu.memory_space<semaphore_mem>>) src(%dma_wait3A_562 : memref<128xf32, #tpu.memory_space<vmem>>) dst(%dma_wait3A_559 : memref<128xf32, #tpu.memory_space<vmem_shared>>)
    %barrier3A = arith.constant 0 : index
    tpu.barrier barrier_id(%barrier3A)
    %scan3A_563 = arith.constant 0 : i32
    %scan3A_564 = arith.constant 0 : i32
    %scan3A_565 = arith.constant 50 : i32
    %scan3A_566 = arith.addi %scan3A_564, %scan3A_565 : i32
    %scan3A_567 = arith.constant 1 : i32
    %scan3A_568 = scf.for %scan3A_669 = %scan3A_564 to %scan3A_566 step %scan3A_567 iter_args(%scan3A_670 = %scan3A_563) -> (i32)  : i32 {
      %jit3A = arith.constant 3 : i32
      %eq3A = arith.constant 0 : i32
      %eq3A_671 = arith.cmpi eq, %jit3A, %eq3A : i32
      %jit3A_672 = arith.constant 1 : i32
      %select_n3A = arith.select %eq3A_671, %jit3A_672, %jit3A : i32
      %rem3A = arith.remsi %scan3A_669, %select_n3A : i32
      %ne3A = arith.constant 0 : i32
      %ne3A_673 = arith.cmpi ne, %rem3A, %ne3A : i32
      %lt3A = arith.constant 0 : i32
      %lt3A_674 = arith.cmpi slt, %rem3A, %lt3A : i32
      %lt3A_675 = arith.constant 0 : i32
      %lt3A_676 = arith.cmpi slt, %select_n3A, %lt3A_675 : i32
      %ne3A_677 = arith.xori %lt3A_674, %lt3A_676 : i1
      %and3A = arith.andi %ne3A_677, %ne3A_673 : i1
      %add3A_678 = arith.addi %rem3A, %select_n3A : i32
      %select_n3A_679 = arith.select %and3A, %add3A_678, %rem3A : i32
      %dma_wait3A_680 = arith.constant 0 : i32
      %dma_wait3A_681 = arith.constant 0 : i32
      %dma_wait3A_682 = arith.constant 0 : i32
      %dma_wait3A_683 = tpu.memref_slice %arg8[%dma_wait3A_680, %dma_wait3A_681, %dma_wait3A_682] : memref<3x5x40xi32, #tpu.memory_space<vmem>> -> memref<1x1x40xi32, #tpu.memory_space<vmem>>
      %dma_wait3A_684 = tpu.memref_squeeze %dma_wait3A_683 : memref<1x1x40xi32, #tpu.memory_space<vmem>> -> memref<40xi32, #tpu.memory_space<vmem>>
      %dma_wait3A_685 = arith.constant 0 : i32
      %dma_wait3A_686 = tpu.memref_slice %arg3[%dma_wait3A_685] : memref<320000xi32, #tpu.memory_space<hbm>> -> memref<40xi32, #tpu.memory_space<hbm>>
      %dma_wait3A_687 = arith.constant 0 : i32
      %dma_wait3A_688 = tpu.memref_slice %arg8[%dma_wait3A_680, %dma_wait3A_681, %dma_wait3A_687] : memref<3x5x40xi32, #tpu.memory_space<vmem>> -> memref<1x1x40xi32, #tpu.memory_space<vmem>>
      %dma_wait3A_689 = tpu.memref_squeeze %dma_wait3A_688 : memref<1x1x40xi32, #tpu.memory_space<vmem>> -> memref<40xi32, #tpu.memory_space<vmem>>
      %dma_wait3A_690 = arith.constant 0 : i32
      %dma_wait3A_691 = tpu.memref_slice %arg3[%dma_wait3A_690] : memref<320000xi32, #tpu.memory_space<hbm>> -> memref<40xi32, #tpu.memory_space<hbm>>
      tpu.wait_dma2 semaphore(%arg12 : memref<!tpu.dma_semaphore, #tpu.memory_space<semaphore_mem>>) src(%dma_wait3A_691 : memref<40xi32, #tpu.memory_space<hbm>>) dst(%dma_wait3A_689 : memref<40xi32, #tpu.memory_space<vmem>>)
      %dma_wait3A_692 = arith.constant 0 : i32
      %dma_wait3A_693 = arith.constant 0 : i32
      %dma_wait3A_694 = arith.constant 0 : i32
      %dma_wait3A_695 = tpu.memref_slice %arg8[%dma_wait3A_692, %dma_wait3A_693, %dma_wait3A_694] : memref<3x5x40xi32, #tpu.memory_space<vmem>> -> memref<1x1x40xi32, #tpu.memory_space<vmem>>
      %dma_wait3A_696 = tpu.memref_squeeze %dma_wait3A_695 : memref<1x1x40xi32, #tpu.memory_space<vmem>> -> memref<40xi32, #tpu.memory_space<vmem>>
      %dma_wait3A_697 = arith.constant 0 : i32
      %dma_wait3A_698 = tpu.memref_slice %arg3[%dma_wait3A_697] : memref<320000xi32, #tpu.memory_space<hbm>> -> memref<40xi32, #tpu.memory_space<hbm>>
      %dma_wait3A_699 = arith.constant 0 : i32
      %dma_wait3A_700 = tpu.memref_slice %arg8[%dma_wait3A_692, %dma_wait3A_693, %dma_wait3A_699] : memref<3x5x40xi32, #tpu.memory_space<vmem>> -> memref<1x1x40xi32, #tpu.memory_space<vmem>>
      %dma_wait3A_701 = tpu.memref_squeeze %dma_wait3A_700 : memref<1x1x40xi32, #tpu.memory_space<vmem>> -> memref<40xi32, #tpu.memory_space<vmem>>
      %dma_wait3A_702 = arith.constant 0 : i32
      %dma_wait3A_703 = tpu.memref_slice %arg3[%dma_wait3A_702] : memref<320000xi32, #tpu.memory_space<hbm>> -> memref<40xi32, #tpu.memory_space<hbm>>
      tpu.wait_dma2 semaphore(%arg12 : memref<!tpu.dma_semaphore, #tpu.memory_space<semaphore_mem>>) src(%dma_wait3A_703 : memref<40xi32, #tpu.memory_space<hbm>>) dst(%dma_wait3A_701 : memref<40xi32, #tpu.memory_space<vmem>>)
      %dma_wait3A_704 = arith.constant 0 : i32
      %dma_wait3A_705 = arith.constant 0 : i32
      %dma_wait3A_706 = arith.constant 0 : i32
      %dma_wait3A_707 = tpu.memref_slice %arg8[%dma_wait3A_704, %dma_wait3A_705, %dma_wait3A_706] : memref<3x5x40xi32, #tpu.memory_space<vmem>> -> memref<1x1x40xi32, #tpu.memory_space<vmem>>
      %dma_wait3A_708 = tpu.memref_squeeze %dma_wait3A_707 : memref<1x1x40xi32, #tpu.memory_space<vmem>> -> memref<40xi32, #tpu.memory_space<vmem>>
      %dma_wait3A_709 = arith.constant 0 : i32
      %dma_wait3A_710 = tpu.memref_slice %arg3[%dma_wait3A_709] : memref<320000xi32, #tpu.memory_space<hbm>> -> memref<40xi32, #tpu.memory_space<hbm>>
      %dma_wait3A_711 = arith.constant 0 : i32
      %dma_wait3A_712 = tpu.memref_slice %arg8[%dma_wait3A_704, %dma_wait3A_705, %dma_wait3A_711] : memref<3x5x40xi32, #tpu.memory_space<vmem>> -> memref<1x1x40xi32, #tpu.memory_space<vmem>>
      %dma_wait3A_713 = tpu.memref_squeeze %dma_wait3A_712 : memref<1x1x40xi32, #tpu.memory_space<vmem>> -> memref<40xi32, #tpu.memory_space<vmem>>
      %dma_wait3A_714 = arith.constant 0 : i32
      %dma_wait3A_715 = tpu.memref_slice %arg3[%dma_wait3A_714] : memref<320000xi32, #tpu.memory_space<hbm>> -> memref<40xi32, #tpu.memory_space<hbm>>
      tpu.wait_dma2 semaphore(%arg12 : memref<!tpu.dma_semaphore, #tpu.memory_space<semaphore_mem>>) src(%dma_wait3A_715 : memref<40xi32, #tpu.memory_space<hbm>>) dst(%dma_wait3A_713 : memref<40xi32, #tpu.memory_space<vmem>>)
      %dma_wait3A_716 = arith.constant 0 : i32
      %dma_wait3A_717 = arith.constant 0 : i32
      %dma_wait3A_718 = arith.constant 0 : i32
      %dma_wait3A_719 = tpu.memref_slice %arg8[%dma_wait3A_716, %dma_wait3A_717, %dma_wait3A_718] : memref<3x5x40xi32, #tpu.memory_space<vmem>> -> memref<1x1x40xi32, #tpu.memory_space<vmem>>
      %dma_wait3A_720 = tpu.memref_squeeze %dma_wait3A_719 : memref<1x1x40xi32, #tpu.memory_space<vmem>> -> memref<40xi32, #tpu.memory_space<vmem>>
      %dma_wait3A_721 = arith.constant 0 : i32
      %dma_wait3A_722 = tpu.memref_slice %arg3[%dma_wait3A_721] : memref<320000xi32, #tpu.memory_space<hbm>> -> memref<40xi32, #tpu.memory_space<hbm>>
      %dma_wait3A_723 = arith.constant 0 : i32
      %dma_wait3A_724 = tpu.memref_slice %arg8[%dma_wait3A_716, %dma_wait3A_717, %dma_wait3A_723] : memref<3x5x40xi32, #tpu.memory_space<vmem>> -> memref<1x1x40xi32, #tpu.memory_space<vmem>>
      %dma_wait3A_725 = tpu.memref_squeeze %dma_wait3A_724 : memref<1x1x40xi32, #tpu.memory_space<vmem>> -> memref<40xi32, #tpu.memory_space<vmem>>
      %dma_wait3A_726 = arith.constant 0 : i32
      %dma_wait3A_727 = tpu.memref_slice %arg3[%dma_wait3A_726] : memref<320000xi32, #tpu.memory_space<hbm>> -> memref<40xi32, #tpu.memory_space<hbm>>
      tpu.wait_dma2 semaphore(%arg12 : memref<!tpu.dma_semaphore, #tpu.memory_space<semaphore_mem>>) src(%dma_wait3A_727 : memref<40xi32, #tpu.memory_space<hbm>>) dst(%dma_wait3A_725 : memref<40xi32, #tpu.memory_space<vmem>>)
      %dma_wait3A_728 = arith.constant 0 : i32
      %dma_wait3A_729 = arith.constant 0 : i32
      %dma_wait3A_730 = arith.constant 0 : i32
      %dma_wait3A_731 = tpu.memref_slice %arg8[%dma_wait3A_728, %dma_wait3A_729, %dma_wait3A_730] : memref<3x5x40xi32, #tpu.memory_space<vmem>> -> memref<1x1x40xi32, #tpu.memory_space<vmem>>
      %dma_wait3A_732 = tpu.memref_squeeze %dma_wait3A_731 : memref<1x1x40xi32, #tpu.memory_space<vmem>> -> memref<40xi32, #tpu.memory_space<vmem>>
      %dma_wait3A_733 = arith.constant 0 : i32
      %dma_wait3A_734 = tpu.memref_slice %arg3[%dma_wait3A_733] : memref<320000xi32, #tpu.memory_space<hbm>> -> memref<40xi32, #tpu.memory_space<hbm>>
      %dma_wait3A_735 = arith.constant 0 : i32
      %dma_wait3A_736 = tpu.memref_slice %arg8[%dma_wait3A_728, %dma_wait3A_729, %dma_wait3A_735] : memref<3x5x40xi32, #tpu.memory_space<vmem>> -> memref<1x1x40xi32, #tpu.memory_space<vmem>>
      %dma_wait3A_737 = tpu.memref_squeeze %dma_wait3A_736 : memref<1x1x40xi32, #tpu.memory_space<vmem>> -> memref<40xi32, #tpu.memory_space<vmem>>
      %dma_wait3A_738 = arith.constant 0 : i32
      %dma_wait3A_739 = tpu.memref_slice %arg3[%dma_wait3A_738] : memref<320000xi32, #tpu.memory_space<hbm>> -> memref<40xi32, #tpu.memory_space<hbm>>
      tpu.wait_dma2 semaphore(%arg12 : memref<!tpu.dma_semaphore, #tpu.memory_space<semaphore_mem>>) src(%dma_wait3A_739 : memref<40xi32, #tpu.memory_space<hbm>>) dst(%dma_wait3A_737 : memref<40xi32, #tpu.memory_space<vmem>>)
      %dma_wait3A_740 = arith.constant 0 : i32
      %dma_wait3A_741 = arith.constant 0 : i32
      %dma_wait3A_742 = arith.constant 0 : i32
      %dma_wait3A_743 = tpu.memref_slice %arg8[%dma_wait3A_740, %dma_wait3A_741, %dma_wait3A_742] : memref<3x5x40xi32, #tpu.memory_space<vmem>> -> memref<1x1x40xi32, #tpu.memory_space<vmem>>
      %dma_wait3A_744 = tpu.memref_squeeze %dma_wait3A_743 : memref<1x1x40xi32, #tpu.memory_space<vmem>> -> memref<40xi32, #tpu.memory_space<vmem>>
      %dma_wait3A_745 = arith.constant 0 : i32
      %dma_wait3A_746 = tpu.memref_slice %arg3[%dma_wait3A_745] : memref<320000xi32, #tpu.memory_space<hbm>> -> memref<40xi32, #tpu.memory_space<hbm>>
      %dma_wait3A_747 = arith.constant 0 : i32
      %dma_wait3A_748 = tpu.memref_slice %arg8[%dma_wait3A_740, %dma_wait3A_741, %dma_wait3A_747] : memref<3x5x40xi32, #tpu.memory_space<vmem>> -> memref<1x1x40xi32, #tpu.memory_space<vmem>>
      %dma_wait3A_749 = tpu.memref_squeeze %dma_wait3A_748 : memref<1x1x40xi32, #tpu.memory_space<vmem>> -> memref<40xi32, #tpu.memory_space<vmem>>
      %dma_wait3A_750 = arith.constant 0 : i32
      %dma_wait3A_751 = tpu.memref_slice %arg3[%dma_wait3A_750] : memref<320000xi32, #tpu.memory_space<hbm>> -> memref<40xi32, #tpu.memory_space<hbm>>
      tpu.wait_dma2 semaphore(%arg12 : memref<!tpu.dma_semaphore, #tpu.memory_space<semaphore_mem>>) src(%dma_wait3A_751 : memref<40xi32, #tpu.memory_space<hbm>>) dst(%dma_wait3A_749 : memref<40xi32, #tpu.memory_space<vmem>>)
      %dma_wait3A_752 = arith.constant 0 : i32
      %dma_wait3A_753 = arith.constant 0 : i32
      %dma_wait3A_754 = arith.constant 0 : i32
      %dma_wait3A_755 = tpu.memref_slice %arg8[%dma_wait3A_752, %dma_wait3A_753, %dma_wait3A_754] : memref<3x5x40xi32, #tpu.memory_space<vmem>> -> memref<1x1x40xi32, #tpu.memory_space<vmem>>
      %dma_wait3A_756 = tpu.memref_squeeze %dma_wait3A_755 : memref<1x1x40xi32, #tpu.memory_space<vmem>> -> memref<40xi32, #tpu.memory_space<vmem>>
      %dma_wait3A_757 = arith.constant 0 : i32
      %dma_wait3A_758 = tpu.memref_slice %arg3[%dma_wait3A_757] : memref<320000xi32, #tpu.memory_space<hbm>> -> memref<40xi32, #tpu.memory_space<hbm>>
      %dma_wait3A_759 = arith.constant 0 : i32
      %dma_wait3A_760 = tpu.memref_slice %arg8[%dma_wait3A_752, %dma_wait3A_753, %dma_wait3A_759] : memref<3x5x40xi32, #tpu.memory_space<vmem>> -> memref<1x1x40xi32, #tpu.memory_space<vmem>>
      %dma_wait3A_761 = tpu.memref_squeeze %dma_wait3A_760 : memref<1x1x40xi32, #tpu.memory_space<vmem>> -> memref<40xi32, #tpu.memory_space<vmem>>
      %dma_wait3A_762 = arith.constant 0 : i32
      %dma_wait3A_763 = tpu.memref_slice %arg3[%dma_wait3A_762] : memref<320000xi32, #tpu.memory_space<hbm>> -> memref<40xi32, #tpu.memory_space<hbm>>
      tpu.wait_dma2 semaphore(%arg12 : memref<!tpu.dma_semaphore, #tpu.memory_space<semaphore_mem>>) src(%dma_wait3A_763 : memref<40xi32, #tpu.memory_space<hbm>>) dst(%dma_wait3A_761 : memref<40xi32, #tpu.memory_space<vmem>>)
      %dma_wait3A_764 = arith.constant 0 : i32
      %dma_wait3A_765 = arith.constant 0 : i32
      %dma_wait3A_766 = arith.constant 0 : i32
      %dma_wait3A_767 = tpu.memref_slice %arg8[%dma_wait3A_764, %dma_wait3A_765, %dma_wait3A_766] : memref<3x5x40xi32, #tpu.memory_space<vmem>> -> memref<1x1x40xi32, #tpu.memory_space<vmem>>
      %dma_wait3A_768 = tpu.memref_squeeze %dma_wait3A_767 : memref<1x1x40xi32, #tpu.memory_space<vmem>> -> memref<40xi32, #tpu.memory_space<vmem>>
      %dma_wait3A_769 = arith.constant 0 : i32
      %dma_wait3A_770 = tpu.memref_slice %arg3[%dma_wait3A_769] : memref<320000xi32, #tpu.memory_space<hbm>> -> memref<40xi32, #tpu.memory_space<hbm>>
      %dma_wait3A_771 = arith.constant 0 : i32
      %dma_wait3A_772 = tpu.memref_slice %arg8[%dma_wait3A_764, %dma_wait3A_765, %dma_wait3A_771] : memref<3x5x40xi32, #tpu.memory_space<vmem>> -> memref<1x1x40xi32, #tpu.memory_space<vmem>>
      %dma_wait3A_773 = tpu.memref_squeeze %dma_wait3A_772 : memref<1x1x40xi32, #tpu.memory_space<vmem>> -> memref<40xi32, #tpu.memory_space<vmem>>
      %dma_wait3A_774 = arith.constant 0 : i32
      %dma_wait3A_775 = tpu.memref_slice %arg3[%dma_wait3A_774] : memref<320000xi32, #tpu.memory_space<hbm>> -> memref<40xi32, #tpu.memory_space<hbm>>
      tpu.wait_dma2 semaphore(%arg12 : memref<!tpu.dma_semaphore, #tpu.memory_space<semaphore_mem>>) src(%dma_wait3A_775 : memref<40xi32, #tpu.memory_space<hbm>>) dst(%dma_wait3A_773 : memref<40xi32, #tpu.memory_space<vmem>>)
      %dma_wait3A_776 = arith.constant 0 : i32
      %dma_wait3A_777 = arith.constant 0 : i32
      %dma_wait3A_778 = arith.constant 0 : i32
      %dma_wait3A_779 = tpu.memref_slice %arg8[%dma_wait3A_776, %dma_wait3A_777, %dma_wait3A_778] : memref<3x5x40xi32, #tpu.memory_space<vmem>> -> memref<1x1x40xi32, #tpu.memory_space<vmem>>
      %dma_wait3A_780 = tpu.memref_squeeze %dma_wait3A_779 : memref<1x1x40xi32, #tpu.memory_space<vmem>> -> memref<40xi32, #tpu.memory_space<vmem>>
      %dma_wait3A_781 = arith.constant 0 : i32
      %dma_wait3A_782 = tpu.memref_slice %arg3[%dma_wait3A_781] : memref<320000xi32, #tpu.memory_space<hbm>> -> memref<40xi32, #tpu.memory_space<hbm>>
      %dma_wait3A_783 = arith.constant 0 : i32
      %dma_wait3A_784 = tpu.memref_slice %arg8[%dma_wait3A_776, %dma_wait3A_777, %dma_wait3A_783] : memref<3x5x40xi32, #tpu.memory_space<vmem>> -> memref<1x1x40xi32, #tpu.memory_space<vmem>>
      %dma_wait3A_785 = tpu.memref_squeeze %dma_wait3A_784 : memref<1x1x40xi32, #tpu.memory_space<vmem>> -> memref<40xi32, #tpu.memory_space<vmem>>
      %dma_wait3A_786 = arith.constant 0 : i32
      %dma_wait3A_787 = tpu.memref_slice %arg3[%dma_wait3A_786] : memref<320000xi32, #tpu.memory_space<hbm>> -> memref<40xi32, #tpu.memory_space<hbm>>
      tpu.wait_dma2 semaphore(%arg12 : memref<!tpu.dma_semaphore, #tpu.memory_space<semaphore_mem>>) src(%dma_wait3A_787 : memref<40xi32, #tpu.memory_space<hbm>>) dst(%dma_wait3A_785 : memref<40xi32, #tpu.memory_space<vmem>>)
      %dma_wait3A_788 = arith.constant 0 : i32
      %dma_wait3A_789 = arith.constant 0 : i32
      %dma_wait3A_790 = arith.constant 0 : i32
      %dma_wait3A_791 = tpu.memref_slice %arg8[%dma_wait3A_788, %dma_wait3A_789, %dma_wait3A_790] : memref<3x5x40xi32, #tpu.memory_space<vmem>> -> memref<1x1x40xi32, #tpu.memory_space<vmem>>
      %dma_wait3A_792 = tpu.memref_squeeze %dma_wait3A_791 : memref<1x1x40xi32, #tpu.memory_space<vmem>> -> memref<40xi32, #tpu.memory_space<vmem>>
      %dma_wait3A_793 = arith.constant 0 : i32
      %dma_wait3A_794 = tpu.memref_slice %arg3[%dma_wait3A_793] : memref<320000xi32, #tpu.memory_space<hbm>> -> memref<40xi32, #tpu.memory_space<hbm>>
      %dma_wait3A_795 = arith.constant 0 : i32
      %dma_wait3A_796 = tpu.memref_slice %arg8[%dma_wait3A_788, %dma_wait3A_789, %dma_wait3A_795] : memref<3x5x40xi32, #tpu.memory_space<vmem>> -> memref<1x1x40xi32, #tpu.memory_space<vmem>>
      %dma_wait3A_797 = tpu.memref_squeeze %dma_wait3A_796 : memref<1x1x40xi32, #tpu.memory_space<vmem>> -> memref<40xi32, #tpu.memory_space<vmem>>
      %dma_wait3A_798 = arith.constant 0 : i32
      %dma_wait3A_799 = tpu.memref_slice %arg3[%dma_wait3A_798] : memref<320000xi32, #tpu.memory_space<hbm>> -> memref<40xi32, #tpu.memory_space<hbm>>
      tpu.wait_dma2 semaphore(%arg12 : memref<!tpu.dma_semaphore, #tpu.memory_space<semaphore_mem>>) src(%dma_wait3A_799 : memref<40xi32, #tpu.memory_space<hbm>>) dst(%dma_wait3A_797 : memref<40xi32, #tpu.memory_space<vmem>>)
      %gt3A = arith.constant 0 : i32
      %gt3A_800 = arith.cmpi sgt, %scan3A_669, %gt3A : i32
      %convert_element_type3A = arith.extui %gt3A_800 : i1 to i32
      %cond3A = arith.constant 0 : i32
      %cond3A_801 = arith.cmpi ne, %convert_element_type3A, %cond3A : i32
      scf.if %cond3A_801 {
        %dma_wait3A_1188 = arith.constant 0 : i32
        %dma_wait3A_1189 = arith.constant 0 : i32
        %dma_wait3A_1190 = arith.constant 0 : i32
        %dma_wait3A_1191 = tpu.memref_slice %arg9[%dma_wait3A_1188, %dma_wait3A_1189, %dma_wait3A_1190] : memref<5x40x128xf32, #tpu.memory_space<vmem>> -> memref<1x40x128xf32, #tpu.memory_space<vmem>>
        %dma_wait3A_1192 = tpu.memref_squeeze %dma_wait3A_1191 : memref<1x40x128xf32, #tpu.memory_space<vmem>> -> memref<40x128xf32, #tpu.memory_space<vmem>>
        %dma_wait3A_1193 = arith.constant 0 : i32
        %dma_wait3A_1194 = arith.constant 0 : i32
        %dma_wait3A_1195 = tpu.memref_slice %arg2[%dma_wait3A_1193, %dma_wait3A_1194] : memref<10000x128xf32, #tpu.memory_space<hbm>> -> memref<40x128xf32, #tpu.memory_space<hbm>>
        %dma_wait3A_1196 = arith.constant 0 : i32
        %dma_wait3A_1197 = arith.constant 0 : i32
        %dma_wait3A_1198 = tpu.memref_slice %arg9[%dma_wait3A_1188, %dma_wait3A_1196, %dma_wait3A_1197] : memref<5x40x128xf32, #tpu.memory_space<vmem>> -> memref<1x40x128xf32, #tpu.memory_space<vmem>>
        %dma_wait3A_1199 = tpu.memref_squeeze %dma_wait3A_1198 : memref<1x40x128xf32, #tpu.memory_space<vmem>> -> memref<40x128xf32, #tpu.memory_space<vmem>>
        %dma_wait3A_1200 = arith.constant 0 : i32
        %dma_wait3A_1201 = arith.constant 0 : i32
        %dma_wait3A_1202 = tpu.memref_slice %arg2[%dma_wait3A_1200, %dma_wait3A_1201] : memref<10000x128xf32, #tpu.memory_space<hbm>> -> memref<40x128xf32, #tpu.memory_space<hbm>>
        tpu.wait_dma2 semaphore(%arg18 : memref<!tpu.dma_semaphore, #tpu.memory_space<semaphore_mem>>) src(%dma_wait3A_1202 : memref<40x128xf32, #tpu.memory_space<hbm>>) dst(%dma_wait3A_1199 : memref<40x128xf32, #tpu.memory_space<vmem>>)
        %dma_wait3A_1203 = arith.constant 0 : i32
        %dma_wait3A_1204 = tpu.memref_slice %arg6[%dma_wait3A_1203] : memref<20480xf32, #tpu.memory_space<hbm>> -> memref<40xf32, #tpu.memory_space<hbm>>
        %dma_wait3A_1205 = arith.constant 0 : i32
        %dma_wait3A_1206 = tpu.memref_slice %arg6[%dma_wait3A_1205] : memref<20480xf32, #tpu.memory_space<hbm>> -> memref<40xf32, #tpu.memory_space<hbm>>
        tpu.wait_dma2 semaphore(%arg18 : memref<!tpu.dma_semaphore, #tpu.memory_space<semaphore_mem>>) src(%dma_wait3A_1206 : memref<40xf32, #tpu.memory_space<hbm>>) dst(%arg10 : memref<40xf32, #tpu.memory_space<vmem>>)
      } else {
      }
      %dma_start3A_802 = arith.constant 0 : i32
      %dma_start3A_803 = arith.constant 0 : i32
      %dma_start3A_804 = arith.constant 0 : i32
      %dma_start3A_805 = arith.constant 0 : i32
      %dma_start3A_806 = tpu.memref_slice %arg9[%dma_start3A_803, %dma_start3A_804, %dma_start3A_805] : memref<5x40x128xf32, #tpu.memory_space<vmem>> -> memref<1x24x128xf32, #tpu.memory_space<vmem>>
      %dma_start3A_807 = tpu.memref_squeeze %dma_start3A_806 : memref<1x24x128xf32, #tpu.memory_space<vmem>> -> memref<24x128xf32, #tpu.memory_space<vmem>>
      %dma_start3A_808 = arith.constant 0 : i32
      %dma_start3A_809 = tpu.memref_slice %arg7[%select_n3A_679, %dma_start3A_802, %dma_start3A_808] : memref<3x5x40xi32, #tpu.memory_space<vmem>> -> memref<1x1x24xi32, #tpu.memory_space<vmem>>
      %dma_start3A_810 = tpu.memref_squeeze %dma_start3A_809 : memref<1x1x24xi32, #tpu.memory_space<vmem>> -> memref<24xi32, #tpu.memory_space<vmem>>
      %dma_start3A_811 = arith.constant 0 : i32
      %dma_start3A_812 = arith.constant 0 : i32
      %dma_start3A_813 = tpu.memref_slice %arg2[%dma_start3A_811, %dma_start3A_812] : memref<10000x128xf32, #tpu.memory_space<hbm>> -> memref<10000x128xf32, #tpu.memory_space<hbm>>
      tpu.enqueue_indirect_dma source(%dma_start3A_813 : memref<10000x128xf32, #tpu.memory_space<hbm>>) target(%dma_start3A_807 : memref<24x128xf32, #tpu.memory_space<vmem>>) offsets(%dma_start3A_810 : memref<24xi32, #tpu.memory_space<vmem>>) semaphore(%arg13 : memref<!tpu.dma_semaphore, #tpu.memory_space<semaphore_mem>>)
      %dma_start3A_814 = arith.constant 0 : i32
      %dma_start3A_815 = arith.constant 0 : i32
      %dma_start3A_816 = arith.constant 24 : i32
      %dma_start3A_817 = arith.constant 0 : i32
      %dma_start3A_818 = tpu.memref_slice %arg9[%dma_start3A_815, %dma_start3A_816, %dma_start3A_817] : memref<5x40x128xf32, #tpu.memory_space<vmem>> -> memref<1x16x128xf32, #tpu.memory_space<vmem>>
      %dma_start3A_819 = tpu.memref_squeeze %dma_start3A_818 : memref<1x16x128xf32, #tpu.memory_space<vmem>> -> memref<16x128xf32, #tpu.memory_space<vmem>>
      %dma_start3A_820 = arith.constant 24 : i32
      %dma_start3A_821 = tpu.memref_slice %arg7[%select_n3A_679, %dma_start3A_814, %dma_start3A_820] : memref<3x5x40xi32, #tpu.memory_space<vmem>> -> memref<1x1x16xi32, #tpu.memory_space<vmem>>
      %dma_start3A_822 = tpu.memref_squeeze %dma_start3A_821 : memref<1x1x16xi32, #tpu.memory_space<vmem>> -> memref<16xi32, #tpu.memory_space<vmem>>
      %dma_start3A_823 = arith.constant 0 : i32
      %dma_start3A_824 = arith.constant 0 : i32
      %dma_start3A_825 = tpu.memref_slice %arg2[%dma_start3A_823, %dma_start3A_824] : memref<10000x128xf32, #tpu.memory_space<hbm>> -> memref<10000x128xf32, #tpu.memory_space<hbm>>
      tpu.enqueue_indirect_dma source(%dma_start3A_825 : memref<10000x128xf32, #tpu.memory_space<hbm>>) target(%dma_start3A_819 : memref<16x128xf32, #tpu.memory_space<vmem>>) offsets(%dma_start3A_822 : memref<16xi32, #tpu.memory_space<vmem>>) semaphore(%arg13 : memref<!tpu.dma_semaphore, #tpu.memory_space<semaphore_mem>>)
      %gt3A_826 = arith.constant 0 : i32
      %gt3A_827 = arith.cmpi sgt, %scan3A_669, %gt3A_826 : i32
      %convert_element_type3A_828 = arith.extui %gt3A_827 : i1 to i32
      %cond3A_829 = arith.constant 0 : i32
      %cond3A_830 = arith.cmpi ne, %convert_element_type3A_828, %cond3A_829 : i32
      scf.if %cond3A_830 {
        %dma_wait3A_1188 = arith.constant 1 : i32
        %dma_wait3A_1189 = arith.constant 0 : i32
        %dma_wait3A_1190 = arith.constant 0 : i32
        %dma_wait3A_1191 = tpu.memref_slice %arg9[%dma_wait3A_1188, %dma_wait3A_1189, %dma_wait3A_1190] : memref<5x40x128xf32, #tpu.memory_space<vmem>> -> memref<1x40x128xf32, #tpu.memory_space<vmem>>
        %dma_wait3A_1192 = tpu.memref_squeeze %dma_wait3A_1191 : memref<1x40x128xf32, #tpu.memory_space<vmem>> -> memref<40x128xf32, #tpu.memory_space<vmem>>
        %dma_wait3A_1193 = arith.constant 0 : i32
        %dma_wait3A_1194 = arith.constant 0 : i32
        %dma_wait3A_1195 = tpu.memref_slice %arg2[%dma_wait3A_1193, %dma_wait3A_1194] : memref<10000x128xf32, #tpu.memory_space<hbm>> -> memref<40x128xf32, #tpu.memory_space<hbm>>
        %dma_wait3A_1196 = arith.constant 0 : i32
        %dma_wait3A_1197 = arith.constant 0 : i32
        %dma_wait3A_1198 = tpu.memref_slice %arg9[%dma_wait3A_1188, %dma_wait3A_1196, %dma_wait3A_1197] : memref<5x40x128xf32, #tpu.memory_space<vmem>> -> memref<1x40x128xf32, #tpu.memory_space<vmem>>
        %dma_wait3A_1199 = tpu.memref_squeeze %dma_wait3A_1198 : memref<1x40x128xf32, #tpu.memory_space<vmem>> -> memref<40x128xf32, #tpu.memory_space<vmem>>
        %dma_wait3A_1200 = arith.constant 0 : i32
        %dma_wait3A_1201 = arith.constant 0 : i32
        %dma_wait3A_1202 = tpu.memref_slice %arg2[%dma_wait3A_1200, %dma_wait3A_1201] : memref<10000x128xf32, #tpu.memory_space<hbm>> -> memref<40x128xf32, #tpu.memory_space<hbm>>
        tpu.wait_dma2 semaphore(%arg19 : memref<!tpu.dma_semaphore, #tpu.memory_space<semaphore_mem>>) src(%dma_wait3A_1202 : memref<40x128xf32, #tpu.memory_space<hbm>>) dst(%dma_wait3A_1199 : memref<40x128xf32, #tpu.memory_space<vmem>>)
        %dma_wait3A_1203 = arith.constant 0 : i32
        %dma_wait3A_1204 = tpu.memref_slice %arg6[%dma_wait3A_1203] : memref<20480xf32, #tpu.memory_space<hbm>> -> memref<40xf32, #tpu.memory_space<hbm>>
        %dma_wait3A_1205 = arith.constant 0 : i32
        %dma_wait3A_1206 = tpu.memref_slice %arg6[%dma_wait3A_1205] : memref<20480xf32, #tpu.memory_space<hbm>> -> memref<40xf32, #tpu.memory_space<hbm>>
        tpu.wait_dma2 semaphore(%arg19 : memref<!tpu.dma_semaphore, #tpu.memory_space<semaphore_mem>>) src(%dma_wait3A_1206 : memref<40xf32, #tpu.memory_space<hbm>>) dst(%arg10 : memref<40xf32, #tpu.memory_space<vmem>>)
      } else {
      }
      %dma_start3A_831 = arith.constant 1 : i32
      %dma_start3A_832 = arith.constant 1 : i32
      %dma_start3A_833 = arith.constant 0 : i32
      %dma_start3A_834 = arith.constant 0 : i32
      %dma_start3A_835 = tpu.memref_slice %arg9[%dma_start3A_832, %dma_start3A_833, %dma_start3A_834] : memref<5x40x128xf32, #tpu.memory_space<vmem>> -> memref<1x24x128xf32, #tpu.memory_space<vmem>>
      %dma_start3A_836 = tpu.memref_squeeze %dma_start3A_835 : memref<1x24x128xf32, #tpu.memory_space<vmem>> -> memref<24x128xf32, #tpu.memory_space<vmem>>
      %dma_start3A_837 = arith.constant 0 : i32
      %dma_start3A_838 = tpu.memref_slice %arg7[%select_n3A_679, %dma_start3A_831, %dma_start3A_837] : memref<3x5x40xi32, #tpu.memory_space<vmem>> -> memref<1x1x24xi32, #tpu.memory_space<vmem>>
      %dma_start3A_839 = tpu.memref_squeeze %dma_start3A_838 : memref<1x1x24xi32, #tpu.memory_space<vmem>> -> memref<24xi32, #tpu.memory_space<vmem>>
      %dma_start3A_840 = arith.constant 0 : i32
      %dma_start3A_841 = arith.constant 0 : i32
      %dma_start3A_842 = tpu.memref_slice %arg2[%dma_start3A_840, %dma_start3A_841] : memref<10000x128xf32, #tpu.memory_space<hbm>> -> memref<10000x128xf32, #tpu.memory_space<hbm>>
      tpu.enqueue_indirect_dma source(%dma_start3A_842 : memref<10000x128xf32, #tpu.memory_space<hbm>>) target(%dma_start3A_836 : memref<24x128xf32, #tpu.memory_space<vmem>>) offsets(%dma_start3A_839 : memref<24xi32, #tpu.memory_space<vmem>>) semaphore(%arg14 : memref<!tpu.dma_semaphore, #tpu.memory_space<semaphore_mem>>)
      %dma_start3A_843 = arith.constant 1 : i32
      %dma_start3A_844 = arith.constant 1 : i32
      %dma_start3A_845 = arith.constant 24 : i32
      %dma_start3A_846 = arith.constant 0 : i32
      %dma_start3A_847 = tpu.memref_slice %arg9[%dma_start3A_844, %dma_start3A_845, %dma_start3A_846] : memref<5x40x128xf32, #tpu.memory_space<vmem>> -> memref<1x16x128xf32, #tpu.memory_space<vmem>>
      %dma_start3A_848 = tpu.memref_squeeze %dma_start3A_847 : memref<1x16x128xf32, #tpu.memory_space<vmem>> -> memref<16x128xf32, #tpu.memory_space<vmem>>
      %dma_start3A_849 = arith.constant 24 : i32
      %dma_start3A_850 = tpu.memref_slice %arg7[%select_n3A_679, %dma_start3A_843, %dma_start3A_849] : memref<3x5x40xi32, #tpu.memory_space<vmem>> -> memref<1x1x16xi32, #tpu.memory_space<vmem>>
      %dma_start3A_851 = tpu.memref_squeeze %dma_start3A_850 : memref<1x1x16xi32, #tpu.memory_space<vmem>> -> memref<16xi32, #tpu.memory_space<vmem>>
      %dma_start3A_852 = arith.constant 0 : i32
      %dma_start3A_853 = arith.constant 0 : i32
      %dma_start3A_854 = tpu.memref_slice %arg2[%dma_start3A_852, %dma_start3A_853] : memref<10000x128xf32, #tpu.memory_space<hbm>> -> memref<10000x128xf32, #tpu.memory_space<hbm>>
      tpu.enqueue_indirect_dma source(%dma_start3A_854 : memref<10000x128xf32, #tpu.memory_space<hbm>>) target(%dma_start3A_848 : memref<16x128xf32, #tpu.memory_space<vmem>>) offsets(%dma_start3A_851 : memref<16xi32, #tpu.memory_space<vmem>>) semaphore(%arg14 : memref<!tpu.dma_semaphore, #tpu.memory_space<semaphore_mem>>)
      %gt3A_855 = arith.constant 0 : i32
      %gt3A_856 = arith.cmpi sgt, %scan3A_669, %gt3A_855 : i32
      %convert_element_type3A_857 = arith.extui %gt3A_856 : i1 to i32
      %cond3A_858 = arith.constant 0 : i32
      %cond3A_859 = arith.cmpi ne, %convert_element_type3A_857, %cond3A_858 : i32
      scf.if %cond3A_859 {
        %dma_wait3A_1188 = arith.constant 2 : i32
        %dma_wait3A_1189 = arith.constant 0 : i32
        %dma_wait3A_1190 = arith.constant 0 : i32
        %dma_wait3A_1191 = tpu.memref_slice %arg9[%dma_wait3A_1188, %dma_wait3A_1189, %dma_wait3A_1190] : memref<5x40x128xf32, #tpu.memory_space<vmem>> -> memref<1x40x128xf32, #tpu.memory_space<vmem>>
        %dma_wait3A_1192 = tpu.memref_squeeze %dma_wait3A_1191 : memref<1x40x128xf32, #tpu.memory_space<vmem>> -> memref<40x128xf32, #tpu.memory_space<vmem>>
        %dma_wait3A_1193 = arith.constant 0 : i32
        %dma_wait3A_1194 = arith.constant 0 : i32
        %dma_wait3A_1195 = tpu.memref_slice %arg2[%dma_wait3A_1193, %dma_wait3A_1194] : memref<10000x128xf32, #tpu.memory_space<hbm>> -> memref<40x128xf32, #tpu.memory_space<hbm>>
        %dma_wait3A_1196 = arith.constant 0 : i32
        %dma_wait3A_1197 = arith.constant 0 : i32
        %dma_wait3A_1198 = tpu.memref_slice %arg9[%dma_wait3A_1188, %dma_wait3A_1196, %dma_wait3A_1197] : memref<5x40x128xf32, #tpu.memory_space<vmem>> -> memref<1x40x128xf32, #tpu.memory_space<vmem>>
        %dma_wait3A_1199 = tpu.memref_squeeze %dma_wait3A_1198 : memref<1x40x128xf32, #tpu.memory_space<vmem>> -> memref<40x128xf32, #tpu.memory_space<vmem>>
        %dma_wait3A_1200 = arith.constant 0 : i32
        %dma_wait3A_1201 = arith.constant 0 : i32
        %dma_wait3A_1202 = tpu.memref_slice %arg2[%dma_wait3A_1200, %dma_wait3A_1201] : memref<10000x128xf32, #tpu.memory_space<hbm>> -> memref<40x128xf32, #tpu.memory_space<hbm>>
        tpu.wait_dma2 semaphore(%arg20 : memref<!tpu.dma_semaphore, #tpu.memory_space<semaphore_mem>>) src(%dma_wait3A_1202 : memref<40x128xf32, #tpu.memory_space<hbm>>) dst(%dma_wait3A_1199 : memref<40x128xf32, #tpu.memory_space<vmem>>)
        %dma_wait3A_1203 = arith.constant 0 : i32
        %dma_wait3A_1204 = tpu.memref_slice %arg6[%dma_wait3A_1203] : memref<20480xf32, #tpu.memory_space<hbm>> -> memref<40xf32, #tpu.memory_space<hbm>>
        %dma_wait3A_1205 = arith.constant 0 : i32
        %dma_wait3A_1206 = tpu.memref_slice %arg6[%dma_wait3A_1205] : memref<20480xf32, #tpu.memory_space<hbm>> -> memref<40xf32, #tpu.memory_space<hbm>>
        tpu.wait_dma2 semaphore(%arg20 : memref<!tpu.dma_semaphore, #tpu.memory_space<semaphore_mem>>) src(%dma_wait3A_1206 : memref<40xf32, #tpu.memory_space<hbm>>) dst(%arg10 : memref<40xf32, #tpu.memory_space<vmem>>)
      } else {
      }
      %dma_start3A_860 = arith.constant 2 : i32
      %dma_start3A_861 = arith.constant 2 : i32
      %dma_start3A_862 = arith.constant 0 : i32
      %dma_start3A_863 = arith.constant 0 : i32
      %dma_start3A_864 = tpu.memref_slice %arg9[%dma_start3A_861, %dma_start3A_862, %dma_start3A_863] : memref<5x40x128xf32, #tpu.memory_space<vmem>> -> memref<1x24x128xf32, #tpu.memory_space<vmem>>
      %dma_start3A_865 = tpu.memref_squeeze %dma_start3A_864 : memref<1x24x128xf32, #tpu.memory_space<vmem>> -> memref<24x128xf32, #tpu.memory_space<vmem>>
      %dma_start3A_866 = arith.constant 0 : i32
      %dma_start3A_867 = tpu.memref_slice %arg7[%select_n3A_679, %dma_start3A_860, %dma_start3A_866] : memref<3x5x40xi32, #tpu.memory_space<vmem>> -> memref<1x1x24xi32, #tpu.memory_space<vmem>>
      %dma_start3A_868 = tpu.memref_squeeze %dma_start3A_867 : memref<1x1x24xi32, #tpu.memory_space<vmem>> -> memref<24xi32, #tpu.memory_space<vmem>>
      %dma_start3A_869 = arith.constant 0 : i32
      %dma_start3A_870 = arith.constant 0 : i32
      %dma_start3A_871 = tpu.memref_slice %arg2[%dma_start3A_869, %dma_start3A_870] : memref<10000x128xf32, #tpu.memory_space<hbm>> -> memref<10000x128xf32, #tpu.memory_space<hbm>>
      tpu.enqueue_indirect_dma source(%dma_start3A_871 : memref<10000x128xf32, #tpu.memory_space<hbm>>) target(%dma_start3A_865 : memref<24x128xf32, #tpu.memory_space<vmem>>) offsets(%dma_start3A_868 : memref<24xi32, #tpu.memory_space<vmem>>) semaphore(%arg15 : memref<!tpu.dma_semaphore, #tpu.memory_space<semaphore_mem>>)
      %dma_start3A_872 = arith.constant 2 : i32
      %dma_start3A_873 = arith.constant 2 : i32
      %dma_start3A_874 = arith.constant 24 : i32
      %dma_start3A_875 = arith.constant 0 : i32
      %dma_start3A_876 = tpu.memref_slice %arg9[%dma_start3A_873, %dma_start3A_874, %dma_start3A_875] : memref<5x40x128xf32, #tpu.memory_space<vmem>> -> memref<1x16x128xf32, #tpu.memory_space<vmem>>
      %dma_start3A_877 = tpu.memref_squeeze %dma_start3A_876 : memref<1x16x128xf32, #tpu.memory_space<vmem>> -> memref<16x128xf32, #tpu.memory_space<vmem>>
      %dma_start3A_878 = arith.constant 24 : i32
      %dma_start3A_879 = tpu.memref_slice %arg7[%select_n3A_679, %dma_start3A_872, %dma_start3A_878] : memref<3x5x40xi32, #tpu.memory_space<vmem>> -> memref<1x1x16xi32, #tpu.memory_space<vmem>>
      %dma_start3A_880 = tpu.memref_squeeze %dma_start3A_879 : memref<1x1x16xi32, #tpu.memory_space<vmem>> -> memref<16xi32, #tpu.memory_space<vmem>>
      %dma_start3A_881 = arith.constant 0 : i32
      %dma_start3A_882 = arith.constant 0 : i32
      %dma_start3A_883 = tpu.memref_slice %arg2[%dma_start3A_881, %dma_start3A_882] : memref<10000x128xf32, #tpu.memory_space<hbm>> -> memref<10000x128xf32, #tpu.memory_space<hbm>>
      tpu.enqueue_indirect_dma source(%dma_start3A_883 : memref<10000x128xf32, #tpu.memory_space<hbm>>) target(%dma_start3A_877 : memref<16x128xf32, #tpu.memory_space<vmem>>) offsets(%dma_start3A_880 : memref<16xi32, #tpu.memory_space<vmem>>) semaphore(%arg15 : memref<!tpu.dma_semaphore, #tpu.memory_space<semaphore_mem>>)
      %gt3A_884 = arith.constant 0 : i32
      %gt3A_885 = arith.cmpi sgt, %scan3A_669, %gt3A_884 : i32
      %convert_element_type3A_886 = arith.extui %gt3A_885 : i1 to i32
      %cond3A_887 = arith.constant 0 : i32
      %cond3A_888 = arith.cmpi ne, %convert_element_type3A_886, %cond3A_887 : i32
      scf.if %cond3A_888 {
        %dma_wait3A_1188 = arith.constant 3 : i32
        %dma_wait3A_1189 = arith.constant 0 : i32
        %dma_wait3A_1190 = arith.constant 0 : i32
        %dma_wait3A_1191 = tpu.memref_slice %arg9[%dma_wait3A_1188, %dma_wait3A_1189, %dma_wait3A_1190] : memref<5x40x128xf32, #tpu.memory_space<vmem>> -> memref<1x40x128xf32, #tpu.memory_space<vmem>>
        %dma_wait3A_1192 = tpu.memref_squeeze %dma_wait3A_1191 : memref<1x40x128xf32, #tpu.memory_space<vmem>> -> memref<40x128xf32, #tpu.memory_space<vmem>>
        %dma_wait3A_1193 = arith.constant 0 : i32
        %dma_wait3A_1194 = arith.constant 0 : i32
        %dma_wait3A_1195 = tpu.memref_slice %arg2[%dma_wait3A_1193, %dma_wait3A_1194] : memref<10000x128xf32, #tpu.memory_space<hbm>> -> memref<40x128xf32, #tpu.memory_space<hbm>>
        %dma_wait3A_1196 = arith.constant 0 : i32
        %dma_wait3A_1197 = arith.constant 0 : i32
        %dma_wait3A_1198 = tpu.memref_slice %arg9[%dma_wait3A_1188, %dma_wait3A_1196, %dma_wait3A_1197] : memref<5x40x128xf32, #tpu.memory_space<vmem>> -> memref<1x40x128xf32, #tpu.memory_space<vmem>>
        %dma_wait3A_1199 = tpu.memref_squeeze %dma_wait3A_1198 : memref<1x40x128xf32, #tpu.memory_space<vmem>> -> memref<40x128xf32, #tpu.memory_space<vmem>>
        %dma_wait3A_1200 = arith.constant 0 : i32
        %dma_wait3A_1201 = arith.constant 0 : i32
        %dma_wait3A_1202 = tpu.memref_slice %arg2[%dma_wait3A_1200, %dma_wait3A_1201] : memref<10000x128xf32, #tpu.memory_space<hbm>> -> memref<40x128xf32, #tpu.memory_space<hbm>>
        tpu.wait_dma2 semaphore(%arg21 : memref<!tpu.dma_semaphore, #tpu.memory_space<semaphore_mem>>) src(%dma_wait3A_1202 : memref<40x128xf32, #tpu.memory_space<hbm>>) dst(%dma_wait3A_1199 : memref<40x128xf32, #tpu.memory_space<vmem>>)
        %dma_wait3A_1203 = arith.constant 0 : i32
        %dma_wait3A_1204 = tpu.memref_slice %arg6[%dma_wait3A_1203] : memref<20480xf32, #tpu.memory_space<hbm>> -> memref<40xf32, #tpu.memory_space<hbm>>
        %dma_wait3A_1205 = arith.constant 0 : i32
        %dma_wait3A_1206 = tpu.memref_slice %arg6[%dma_wait3A_1205] : memref<20480xf32, #tpu.memory_space<hbm>> -> memref<40xf32, #tpu.memory_space<hbm>>
        tpu.wait_dma2 semaphore(%arg21 : memref<!tpu.dma_semaphore, #tpu.memory_space<semaphore_mem>>) src(%dma_wait3A_1206 : memref<40xf32, #tpu.memory_space<hbm>>) dst(%arg10 : memref<40xf32, #tpu.memory_space<vmem>>)
      } else {
      }
      %dma_start3A_889 = arith.constant 3 : i32
      %dma_start3A_890 = arith.constant 3 : i32
      %dma_start3A_891 = arith.constant 0 : i32
      %dma_start3A_892 = arith.constant 0 : i32
      %dma_start3A_893 = tpu.memref_slice %arg9[%dma_start3A_890, %dma_start3A_891, %dma_start3A_892] : memref<5x40x128xf32, #tpu.memory_space<vmem>> -> memref<1x24x128xf32, #tpu.memory_space<vmem>>
      %dma_start3A_894 = tpu.memref_squeeze %dma_start3A_893 : memref<1x24x128xf32, #tpu.memory_space<vmem>> -> memref<24x128xf32, #tpu.memory_space<vmem>>
      %dma_start3A_895 = arith.constant 0 : i32
      %dma_start3A_896 = tpu.memref_slice %arg7[%select_n3A_679, %dma_start3A_889, %dma_start3A_895] : memref<3x5x40xi32, #tpu.memory_space<vmem>> -> memref<1x1x24xi32, #tpu.memory_space<vmem>>
      %dma_start3A_897 = tpu.memref_squeeze %dma_start3A_896 : memref<1x1x24xi32, #tpu.memory_space<vmem>> -> memref<24xi32, #tpu.memory_space<vmem>>
      %dma_start3A_898 = arith.constant 0 : i32
      %dma_start3A_899 = arith.constant 0 : i32
      %dma_start3A_900 = tpu.memref_slice %arg2[%dma_start3A_898, %dma_start3A_899] : memref<10000x128xf32, #tpu.memory_space<hbm>> -> memref<10000x128xf32, #tpu.memory_space<hbm>>
      tpu.enqueue_indirect_dma source(%dma_start3A_900 : memref<10000x128xf32, #tpu.memory_space<hbm>>) target(%dma_start3A_894 : memref<24x128xf32, #tpu.memory_space<vmem>>) offsets(%dma_start3A_897 : memref<24xi32, #tpu.memory_space<vmem>>) semaphore(%arg16 : memref<!tpu.dma_semaphore, #tpu.memory_space<semaphore_mem>>)
      %dma_start3A_901 = arith.constant 3 : i32
      %dma_start3A_902 = arith.constant 3 : i32
      %dma_start3A_903 = arith.constant 24 : i32
      %dma_start3A_904 = arith.constant 0 : i32
      %dma_start3A_905 = tpu.memref_slice %arg9[%dma_start3A_902, %dma_start3A_903, %dma_start3A_904] : memref<5x40x128xf32, #tpu.memory_space<vmem>> -> memref<1x16x128xf32, #tpu.memory_space<vmem>>
      %dma_start3A_906 = tpu.memref_squeeze %dma_start3A_905 : memref<1x16x128xf32, #tpu.memory_space<vmem>> -> memref<16x128xf32, #tpu.memory_space<vmem>>
      %dma_start3A_907 = arith.constant 24 : i32
      %dma_start3A_908 = tpu.memref_slice %arg7[%select_n3A_679, %dma_start3A_901, %dma_start3A_907] : memref<3x5x40xi32, #tpu.memory_space<vmem>> -> memref<1x1x16xi32, #tpu.memory_space<vmem>>
      %dma_start3A_909 = tpu.memref_squeeze %dma_start3A_908 : memref<1x1x16xi32, #tpu.memory_space<vmem>> -> memref<16xi32, #tpu.memory_space<vmem>>
      %dma_start3A_910 = arith.constant 0 : i32
      %dma_start3A_911 = arith.constant 0 : i32
      %dma_start3A_912 = tpu.memref_slice %arg2[%dma_start3A_910, %dma_start3A_911] : memref<10000x128xf32, #tpu.memory_space<hbm>> -> memref<10000x128xf32, #tpu.memory_space<hbm>>
      tpu.enqueue_indirect_dma source(%dma_start3A_912 : memref<10000x128xf32, #tpu.memory_space<hbm>>) target(%dma_start3A_906 : memref<16x128xf32, #tpu.memory_space<vmem>>) offsets(%dma_start3A_909 : memref<16xi32, #tpu.memory_space<vmem>>) semaphore(%arg16 : memref<!tpu.dma_semaphore, #tpu.memory_space<semaphore_mem>>)
      %gt3A_913 = arith.constant 0 : i32
      %gt3A_914 = arith.cmpi sgt, %scan3A_669, %gt3A_913 : i32
      %convert_element_type3A_915 = arith.extui %gt3A_914 : i1 to i32
      %cond3A_916 = arith.constant 0 : i32
      %cond3A_917 = arith.cmpi ne, %convert_element_type3A_915, %cond3A_916 : i32
      scf.if %cond3A_917 {
        %dma_wait3A_1188 = arith.constant 4 : i32
        %dma_wait3A_1189 = arith.constant 0 : i32
        %dma_wait3A_1190 = arith.constant 0 : i32
        %dma_wait3A_1191 = tpu.memref_slice %arg9[%dma_wait3A_1188, %dma_wait3A_1189, %dma_wait3A_1190] : memref<5x40x128xf32, #tpu.memory_space<vmem>> -> memref<1x40x128xf32, #tpu.memory_space<vmem>>
        %dma_wait3A_1192 = tpu.memref_squeeze %dma_wait3A_1191 : memref<1x40x128xf32, #tpu.memory_space<vmem>> -> memref<40x128xf32, #tpu.memory_space<vmem>>
        %dma_wait3A_1193 = arith.constant 0 : i32
        %dma_wait3A_1194 = arith.constant 0 : i32
        %dma_wait3A_1195 = tpu.memref_slice %arg2[%dma_wait3A_1193, %dma_wait3A_1194] : memref<10000x128xf32, #tpu.memory_space<hbm>> -> memref<40x128xf32, #tpu.memory_space<hbm>>
        %dma_wait3A_1196 = arith.constant 0 : i32
        %dma_wait3A_1197 = arith.constant 0 : i32
        %dma_wait3A_1198 = tpu.memref_slice %arg9[%dma_wait3A_1188, %dma_wait3A_1196, %dma_wait3A_1197] : memref<5x40x128xf32, #tpu.memory_space<vmem>> -> memref<1x40x128xf32, #tpu.memory_space<vmem>>
        %dma_wait3A_1199 = tpu.memref_squeeze %dma_wait3A_1198 : memref<1x40x128xf32, #tpu.memory_space<vmem>> -> memref<40x128xf32, #tpu.memory_space<vmem>>
        %dma_wait3A_1200 = arith.constant 0 : i32
        %dma_wait3A_1201 = arith.constant 0 : i32
        %dma_wait3A_1202 = tpu.memref_slice %arg2[%dma_wait3A_1200, %dma_wait3A_1201] : memref<10000x128xf32, #tpu.memory_space<hbm>> -> memref<40x128xf32, #tpu.memory_space<hbm>>
        tpu.wait_dma2 semaphore(%arg22 : memref<!tpu.dma_semaphore, #tpu.memory_space<semaphore_mem>>) src(%dma_wait3A_1202 : memref<40x128xf32, #tpu.memory_space<hbm>>) dst(%dma_wait3A_1199 : memref<40x128xf32, #tpu.memory_space<vmem>>)
        %dma_wait3A_1203 = arith.constant 0 : i32
        %dma_wait3A_1204 = tpu.memref_slice %arg6[%dma_wait3A_1203] : memref<20480xf32, #tpu.memory_space<hbm>> -> memref<40xf32, #tpu.memory_space<hbm>>
        %dma_wait3A_1205 = arith.constant 0 : i32
        %dma_wait3A_1206 = tpu.memref_slice %arg6[%dma_wait3A_1205] : memref<20480xf32, #tpu.memory_space<hbm>> -> memref<40xf32, #tpu.memory_space<hbm>>
        tpu.wait_dma2 semaphore(%arg22 : memref<!tpu.dma_semaphore, #tpu.memory_space<semaphore_mem>>) src(%dma_wait3A_1206 : memref<40xf32, #tpu.memory_space<hbm>>) dst(%arg10 : memref<40xf32, #tpu.memory_space<vmem>>)
      } else {
      }
      %dma_start3A_918 = arith.constant 4 : i32
      %dma_start3A_919 = arith.constant 4 : i32
      %dma_start3A_920 = arith.constant 0 : i32
      %dma_start3A_921 = arith.constant 0 : i32
      %dma_start3A_922 = tpu.memref_slice %arg9[%dma_start3A_919, %dma_start3A_920, %dma_start3A_921] : memref<5x40x128xf32, #tpu.memory_space<vmem>> -> memref<1x24x128xf32, #tpu.memory_space<vmem>>
      %dma_start3A_923 = tpu.memref_squeeze %dma_start3A_922 : memref<1x24x128xf32, #tpu.memory_space<vmem>> -> memref<24x128xf32, #tpu.memory_space<vmem>>
      %dma_start3A_924 = arith.constant 0 : i32
      %dma_start3A_925 = tpu.memref_slice %arg7[%select_n3A_679, %dma_start3A_918, %dma_start3A_924] : memref<3x5x40xi32, #tpu.memory_space<vmem>> -> memref<1x1x24xi32, #tpu.memory_space<vmem>>
      %dma_start3A_926 = tpu.memref_squeeze %dma_start3A_925 : memref<1x1x24xi32, #tpu.memory_space<vmem>> -> memref<24xi32, #tpu.memory_space<vmem>>
      %dma_start3A_927 = arith.constant 0 : i32
      %dma_start3A_928 = arith.constant 0 : i32
      %dma_start3A_929 = tpu.memref_slice %arg2[%dma_start3A_927, %dma_start3A_928] : memref<10000x128xf32, #tpu.memory_space<hbm>> -> memref<10000x128xf32, #tpu.memory_space<hbm>>
      tpu.enqueue_indirect_dma source(%dma_start3A_929 : memref<10000x128xf32, #tpu.memory_space<hbm>>) target(%dma_start3A_923 : memref<24x128xf32, #tpu.memory_space<vmem>>) offsets(%dma_start3A_926 : memref<24xi32, #tpu.memory_space<vmem>>) semaphore(%arg17 : memref<!tpu.dma_semaphore, #tpu.memory_space<semaphore_mem>>)
      %dma_start3A_930 = arith.constant 4 : i32
      %dma_start3A_931 = arith.constant 4 : i32
      %dma_start3A_932 = arith.constant 24 : i32
      %dma_start3A_933 = arith.constant 0 : i32
      %dma_start3A_934 = tpu.memref_slice %arg9[%dma_start3A_931, %dma_start3A_932, %dma_start3A_933] : memref<5x40x128xf32, #tpu.memory_space<vmem>> -> memref<1x16x128xf32, #tpu.memory_space<vmem>>
      %dma_start3A_935 = tpu.memref_squeeze %dma_start3A_934 : memref<1x16x128xf32, #tpu.memory_space<vmem>> -> memref<16x128xf32, #tpu.memory_space<vmem>>
      %dma_start3A_936 = arith.constant 24 : i32
      %dma_start3A_937 = tpu.memref_slice %arg7[%select_n3A_679, %dma_start3A_930, %dma_start3A_936] : memref<3x5x40xi32, #tpu.memory_space<vmem>> -> memref<1x1x16xi32, #tpu.memory_space<vmem>>
      %dma_start3A_938 = tpu.memref_squeeze %dma_start3A_937 : memref<1x1x16xi32, #tpu.memory_space<vmem>> -> memref<16xi32, #tpu.memory_space<vmem>>
      %dma_start3A_939 = arith.constant 0 : i32
      %dma_start3A_940 = arith.constant 0 : i32
      %dma_start3A_941 = tpu.memref_slice %arg2[%dma_start3A_939, %dma_start3A_940] : memref<10000x128xf32, #tpu.memory_space<hbm>> -> memref<10000x128xf32, #tpu.memory_space<hbm>>
      tpu.enqueue_indirect_dma source(%dma_start3A_941 : memref<10000x128xf32, #tpu.memory_space<hbm>>) target(%dma_start3A_935 : memref<16x128xf32, #tpu.memory_space<vmem>>) offsets(%dma_start3A_938 : memref<16xi32, #tpu.memory_space<vmem>>) semaphore(%arg17 : memref<!tpu.dma_semaphore, #tpu.memory_space<semaphore_mem>>)
      %lt3A_942 = arith.constant 48 : i32
      %lt3A_943 = arith.cmpi slt, %scan3A_669, %lt3A_942 : i32
      %convert_element_type3A_944 = arith.extui %lt3A_943 : i1 to i32
      %cond3A_945 = arith.constant 0 : i32
      %cond3A_946 = arith.cmpi ne, %convert_element_type3A_944, %cond3A_945 : i32
      scf.if %cond3A_946 {
        %add3A_1188 = arith.constant 2 : i32
        %add3A_1189 = arith.addi %scan3A_669, %add3A_1188 : i32
        %add3A_1190 = arith.constant 2 : i32
        %add3A_1191 = arith.addi %scan3A_669, %add3A_1190 : i32
        %jit3A_1192 = arith.constant 3 : i32
        %eq3A_1193 = arith.constant 0 : i32
        %eq3A_1194 = arith.cmpi eq, %jit3A_1192, %eq3A_1193 : i32
        %jit3A_1195 = arith.constant 1 : i32
        %select_n3A_1196 = arith.select %eq3A_1194, %jit3A_1195, %jit3A_1192 : i32
        %rem3A_1197 = arith.remsi %add3A_1191, %select_n3A_1196 : i32
        %ne3A_1198 = arith.constant 0 : i32
        %ne3A_1199 = arith.cmpi ne, %rem3A_1197, %ne3A_1198 : i32
        %lt3A_1200 = arith.constant 0 : i32
        %lt3A_1201 = arith.cmpi slt, %rem3A_1197, %lt3A_1200 : i32
        %lt3A_1202 = arith.constant 0 : i32
        %lt3A_1203 = arith.cmpi slt, %select_n3A_1196, %lt3A_1202 : i32
        %ne3A_1204 = arith.xori %lt3A_1201, %lt3A_1203 : i1
        %and3A_1205 = arith.andi %ne3A_1204, %ne3A_1199 : i1
        %add3A_1206 = arith.addi %rem3A_1197, %select_n3A_1196 : i32
        %select_n3A_1207 = arith.select %and3A_1205, %add3A_1206, %rem3A_1197 : i32
        %mul3A_1208 = arith.constant 5 : i32
        %mul3A_1209 = arith.muli %add3A_1189, %mul3A_1208 : i32
        %add3A_1210 = arith.constant 0 : i32
        %add3A_1211 = arith.addi %mul3A_1209, %add3A_1210 : i32
        %mul3A_1212 = arith.constant 40 : i32
        %mul3A_1213 = arith.muli %add3A_1211, %mul3A_1212 : i32
        %add3A_1214 = arith.addi %mul3A_198, %mul3A_1213 : i32
        %dma_start3A_1215 = arith.constant 0 : i32
        %dma_start3A_1216 = arith.constant 0 : i32
        %dma_start3A_1217 = tpu.memref_slice %arg7[%select_n3A_1207, %dma_start3A_1215, %dma_start3A_1216] : memref<3x5x40xi32, #tpu.memory_space<vmem>> -> memref<1x1x40xi32, #tpu.memory_space<vmem>>
        %dma_start3A_1218 = tpu.memref_squeeze %dma_start3A_1217 : memref<1x1x40xi32, #tpu.memory_space<vmem>> -> memref<40xi32, #tpu.memory_space<vmem>>
        %dma_start3A_1219 = tpu.memref_slice %arg3[%add3A_1214] : memref<320000xi32, #tpu.memory_space<hbm>> -> memref<40xi32, #tpu.memory_space<hbm>>
        %dma_start3A_1220 = arith.constant 0 : i32
        %dma_start3A_1221 = tpu.memref_slice %arg7[%select_n3A_1207, %dma_start3A_1215, %dma_start3A_1220] : memref<3x5x40xi32, #tpu.memory_space<vmem>> -> memref<1x1x40xi32, #tpu.memory_space<vmem>>
        %dma_start3A_1222 = tpu.memref_squeeze %dma_start3A_1221 : memref<1x1x40xi32, #tpu.memory_space<vmem>> -> memref<40xi32, #tpu.memory_space<vmem>>
        %dma_start3A_1223 = tpu.memref_slice %arg3[%add3A_1214] : memref<320000xi32, #tpu.memory_space<hbm>> -> memref<40xi32, #tpu.memory_space<hbm>>
        tpu.enqueue_dma source(%dma_start3A_1223 : memref<40xi32, #tpu.memory_space<hbm>>) target(%dma_start3A_1222 : memref<40xi32, #tpu.memory_space<vmem>>) target_semaphore(%arg12 : memref<!tpu.dma_semaphore, #tpu.memory_space<semaphore_mem>>)
        %mul3A_1224 = arith.constant 5 : i32
        %mul3A_1225 = arith.muli %add3A_1189, %mul3A_1224 : i32
        %add3A_1226 = arith.constant 0 : i32
        %add3A_1227 = arith.addi %mul3A_1225, %add3A_1226 : i32
        %mul3A_1228 = arith.constant 40 : i32
        %mul3A_1229 = arith.muli %add3A_1227, %mul3A_1228 : i32
        %add3A_1230 = arith.addi %mul3A_198, %mul3A_1229 : i32
        %dma_start3A_1231 = arith.constant 0 : i32
        %dma_start3A_1232 = arith.constant 0 : i32
        %dma_start3A_1233 = tpu.memref_slice %arg8[%select_n3A_1207, %dma_start3A_1231, %dma_start3A_1232] : memref<3x5x40xi32, #tpu.memory_space<vmem>> -> memref<1x1x40xi32, #tpu.memory_space<vmem>>
        %dma_start3A_1234 = tpu.memref_squeeze %dma_start3A_1233 : memref<1x1x40xi32, #tpu.memory_space<vmem>> -> memref<40xi32, #tpu.memory_space<vmem>>
        %dma_start3A_1235 = tpu.memref_slice %arg4[%add3A_1230] : memref<320000xi32, #tpu.memory_space<hbm>> -> memref<40xi32, #tpu.memory_space<hbm>>
        %dma_start3A_1236 = arith.constant 0 : i32
        %dma_start3A_1237 = tpu.memref_slice %arg8[%select_n3A_1207, %dma_start3A_1231, %dma_start3A_1236] : memref<3x5x40xi32, #tpu.memory_space<vmem>> -> memref<1x1x40xi32, #tpu.memory_space<vmem>>
        %dma_start3A_1238 = tpu.memref_squeeze %dma_start3A_1237 : memref<1x1x40xi32, #tpu.memory_space<vmem>> -> memref<40xi32, #tpu.memory_space<vmem>>
        %dma_start3A_1239 = tpu.memref_slice %arg4[%add3A_1230] : memref<320000xi32, #tpu.memory_space<hbm>> -> memref<40xi32, #tpu.memory_space<hbm>>
        tpu.enqueue_dma source(%dma_start3A_1239 : memref<40xi32, #tpu.memory_space<hbm>>) target(%dma_start3A_1238 : memref<40xi32, #tpu.memory_space<vmem>>) target_semaphore(%arg12 : memref<!tpu.dma_semaphore, #tpu.memory_space<semaphore_mem>>)
        %mul3A_1240 = arith.constant 5 : i32
        %mul3A_1241 = arith.muli %add3A_1189, %mul3A_1240 : i32
        %add3A_1242 = arith.constant 1 : i32
        %add3A_1243 = arith.addi %mul3A_1241, %add3A_1242 : i32
        %mul3A_1244 = arith.constant 40 : i32
        %mul3A_1245 = arith.muli %add3A_1243, %mul3A_1244 : i32
        %add3A_1246 = arith.addi %mul3A_198, %mul3A_1245 : i32
        %dma_start3A_1247 = arith.constant 1 : i32
        %dma_start3A_1248 = arith.constant 0 : i32
        %dma_start3A_1249 = tpu.memref_slice %arg7[%select_n3A_1207, %dma_start3A_1247, %dma_start3A_1248] : memref<3x5x40xi32, #tpu.memory_space<vmem>> -> memref<1x1x40xi32, #tpu.memory_space<vmem>>
        %dma_start3A_1250 = tpu.memref_squeeze %dma_start3A_1249 : memref<1x1x40xi32, #tpu.memory_space<vmem>> -> memref<40xi32, #tpu.memory_space<vmem>>
        %dma_start3A_1251 = tpu.memref_slice %arg3[%add3A_1246] : memref<320000xi32, #tpu.memory_space<hbm>> -> memref<40xi32, #tpu.memory_space<hbm>>
        %dma_start3A_1252 = arith.constant 0 : i32
        %dma_start3A_1253 = tpu.memref_slice %arg7[%select_n3A_1207, %dma_start3A_1247, %dma_start3A_1252] : memref<3x5x40xi32, #tpu.memory_space<vmem>> -> memref<1x1x40xi32, #tpu.memory_space<vmem>>
        %dma_start3A_1254 = tpu.memref_squeeze %dma_start3A_1253 : memref<1x1x40xi32, #tpu.memory_space<vmem>> -> memref<40xi32, #tpu.memory_space<vmem>>
        %dma_start3A_1255 = tpu.memref_slice %arg3[%add3A_1246] : memref<320000xi32, #tpu.memory_space<hbm>> -> memref<40xi32, #tpu.memory_space<hbm>>
        tpu.enqueue_dma source(%dma_start3A_1255 : memref<40xi32, #tpu.memory_space<hbm>>) target(%dma_start3A_1254 : memref<40xi32, #tpu.memory_space<vmem>>) target_semaphore(%arg12 : memref<!tpu.dma_semaphore, #tpu.memory_space<semaphore_mem>>)
        %mul3A_1256 = arith.constant 5 : i32
        %mul3A_1257 = arith.muli %add3A_1189, %mul3A_1256 : i32
        %add3A_1258 = arith.constant 1 : i32
        %add3A_1259 = arith.addi %mul3A_1257, %add3A_1258 : i32
        %mul3A_1260 = arith.constant 40 : i32
        %mul3A_1261 = arith.muli %add3A_1259, %mul3A_1260 : i32
        %add3A_1262 = arith.addi %mul3A_198, %mul3A_1261 : i32
        %dma_start3A_1263 = arith.constant 1 : i32
        %dma_start3A_1264 = arith.constant 0 : i32
        %dma_start3A_1265 = tpu.memref_slice %arg8[%select_n3A_1207, %dma_start3A_1263, %dma_start3A_1264] : memref<3x5x40xi32, #tpu.memory_space<vmem>> -> memref<1x1x40xi32, #tpu.memory_space<vmem>>
        %dma_start3A_1266 = tpu.memref_squeeze %dma_start3A_1265 : memref<1x1x40xi32, #tpu.memory_space<vmem>> -> memref<40xi32, #tpu.memory_space<vmem>>
        %dma_start3A_1267 = tpu.memref_slice %arg4[%add3A_1262] : memref<320000xi32, #tpu.memory_space<hbm>> -> memref<40xi32, #tpu.memory_space<hbm>>
        %dma_start3A_1268 = arith.constant 0 : i32
        %dma_start3A_1269 = tpu.memref_slice %arg8[%select_n3A_1207, %dma_start3A_1263, %dma_start3A_1268] : memref<3x5x40xi32, #tpu.memory_space<vmem>> -> memref<1x1x40xi32, #tpu.memory_space<vmem>>
        %dma_start3A_1270 = tpu.memref_squeeze %dma_start3A_1269 : memref<1x1x40xi32, #tpu.memory_space<vmem>> -> memref<40xi32, #tpu.memory_space<vmem>>
        %dma_start3A_1271 = tpu.memref_slice %arg4[%add3A_1262] : memref<320000xi32, #tpu.memory_space<hbm>> -> memref<40xi32, #tpu.memory_space<hbm>>
        tpu.enqueue_dma source(%dma_start3A_1271 : memref<40xi32, #tpu.memory_space<hbm>>) target(%dma_start3A_1270 : memref<40xi32, #tpu.memory_space<vmem>>) target_semaphore(%arg12 : memref<!tpu.dma_semaphore, #tpu.memory_space<semaphore_mem>>)
        %mul3A_1272 = arith.constant 5 : i32
        %mul3A_1273 = arith.muli %add3A_1189, %mul3A_1272 : i32
        %add3A_1274 = arith.constant 2 : i32
        %add3A_1275 = arith.addi %mul3A_1273, %add3A_1274 : i32
        %mul3A_1276 = arith.constant 40 : i32
        %mul3A_1277 = arith.muli %add3A_1275, %mul3A_1276 : i32
        %add3A_1278 = arith.addi %mul3A_198, %mul3A_1277 : i32
        %dma_start3A_1279 = arith.constant 2 : i32
        %dma_start3A_1280 = arith.constant 0 : i32
        %dma_start3A_1281 = tpu.memref_slice %arg7[%select_n3A_1207, %dma_start3A_1279, %dma_start3A_1280] : memref<3x5x40xi32, #tpu.memory_space<vmem>> -> memref<1x1x40xi32, #tpu.memory_space<vmem>>
        %dma_start3A_1282 = tpu.memref_squeeze %dma_start3A_1281 : memref<1x1x40xi32, #tpu.memory_space<vmem>> -> memref<40xi32, #tpu.memory_space<vmem>>
        %dma_start3A_1283 = tpu.memref_slice %arg3[%add3A_1278] : memref<320000xi32, #tpu.memory_space<hbm>> -> memref<40xi32, #tpu.memory_space<hbm>>
        %dma_start3A_1284 = arith.constant 0 : i32
        %dma_start3A_1285 = tpu.memref_slice %arg7[%select_n3A_1207, %dma_start3A_1279, %dma_start3A_1284] : memref<3x5x40xi32, #tpu.memory_space<vmem>> -> memref<1x1x40xi32, #tpu.memory_space<vmem>>
        %dma_start3A_1286 = tpu.memref_squeeze %dma_start3A_1285 : memref<1x1x40xi32, #tpu.memory_space<vmem>> -> memref<40xi32, #tpu.memory_space<vmem>>
        %dma_start3A_1287 = tpu.memref_slice %arg3[%add3A_1278] : memref<320000xi32, #tpu.memory_space<hbm>> -> memref<40xi32, #tpu.memory_space<hbm>>
        tpu.enqueue_dma source(%dma_start3A_1287 : memref<40xi32, #tpu.memory_space<hbm>>) target(%dma_start3A_1286 : memref<40xi32, #tpu.memory_space<vmem>>) target_semaphore(%arg12 : memref<!tpu.dma_semaphore, #tpu.memory_space<semaphore_mem>>)
        %mul3A_1288 = arith.constant 5 : i32
        %mul3A_1289 = arith.muli %add3A_1189, %mul3A_1288 : i32
        %add3A_1290 = arith.constant 2 : i32
        %add3A_1291 = arith.addi %mul3A_1289, %add3A_1290 : i32
        %mul3A_1292 = arith.constant 40 : i32
        %mul3A_1293 = arith.muli %add3A_1291, %mul3A_1292 : i32
        %add3A_1294 = arith.addi %mul3A_198, %mul3A_1293 : i32
        %dma_start3A_1295 = arith.constant 2 : i32
        %dma_start3A_1296 = arith.constant 0 : i32
        %dma_start3A_1297 = tpu.memref_slice %arg8[%select_n3A_1207, %dma_start3A_1295, %dma_start3A_1296] : memref<3x5x40xi32, #tpu.memory_space<vmem>> -> memref<1x1x40xi32, #tpu.memory_space<vmem>>
        %dma_start3A_1298 = tpu.memref_squeeze %dma_start3A_1297 : memref<1x1x40xi32, #tpu.memory_space<vmem>> -> memref<40xi32, #tpu.memory_space<vmem>>
        %dma_start3A_1299 = tpu.memref_slice %arg4[%add3A_1294] : memref<320000xi32, #tpu.memory_space<hbm>> -> memref<40xi32, #tpu.memory_space<hbm>>
        %dma_start3A_1300 = arith.constant 0 : i32
        %dma_start3A_1301 = tpu.memref_slice %arg8[%select_n3A_1207, %dma_start3A_1295, %dma_start3A_1300] : memref<3x5x40xi32, #tpu.memory_space<vmem>> -> memref<1x1x40xi32, #tpu.memory_space<vmem>>
        %dma_start3A_1302 = tpu.memref_squeeze %dma_start3A_1301 : memref<1x1x40xi32, #tpu.memory_space<vmem>> -> memref<40xi32, #tpu.memory_space<vmem>>
        %dma_start3A_1303 = tpu.memref_slice %arg4[%add3A_1294] : memref<320000xi32, #tpu.memory_space<hbm>> -> memref<40xi32, #tpu.memory_space<hbm>>
        tpu.enqueue_dma source(%dma_start3A_1303 : memref<40xi32, #tpu.memory_space<hbm>>) target(%dma_start3A_1302 : memref<40xi32, #tpu.memory_space<vmem>>) target_semaphore(%arg12 : memref<!tpu.dma_semaphore, #tpu.memory_space<semaphore_mem>>)
        %mul3A_1304 = arith.constant 5 : i32
        %mul3A_1305 = arith.muli %add3A_1189, %mul3A_1304 : i32
        %add3A_1306 = arith.constant 3 : i32
        %add3A_1307 = arith.addi %mul3A_1305, %add3A_1306 : i32
        %mul3A_1308 = arith.constant 40 : i32
        %mul3A_1309 = arith.muli %add3A_1307, %mul3A_1308 : i32
        %add3A_1310 = arith.addi %mul3A_198, %mul3A_1309 : i32
        %dma_start3A_1311 = arith.constant 3 : i32
        %dma_start3A_1312 = arith.constant 0 : i32
        %dma_start3A_1313 = tpu.memref_slice %arg7[%select_n3A_1207, %dma_start3A_1311, %dma_start3A_1312] : memref<3x5x40xi32, #tpu.memory_space<vmem>> -> memref<1x1x40xi32, #tpu.memory_space<vmem>>
        %dma_start3A_1314 = tpu.memref_squeeze %dma_start3A_1313 : memref<1x1x40xi32, #tpu.memory_space<vmem>> -> memref<40xi32, #tpu.memory_space<vmem>>
        %dma_start3A_1315 = tpu.memref_slice %arg3[%add3A_1310] : memref<320000xi32, #tpu.memory_space<hbm>> -> memref<40xi32, #tpu.memory_space<hbm>>
        %dma_start3A_1316 = arith.constant 0 : i32
        %dma_start3A_1317 = tpu.memref_slice %arg7[%select_n3A_1207, %dma_start3A_1311, %dma_start3A_1316] : memref<3x5x40xi32, #tpu.memory_space<vmem>> -> memref<1x1x40xi32, #tpu.memory_space<vmem>>
        %dma_start3A_1318 = tpu.memref_squeeze %dma_start3A_1317 : memref<1x1x40xi32, #tpu.memory_space<vmem>> -> memref<40xi32, #tpu.memory_space<vmem>>
        %dma_start3A_1319 = tpu.memref_slice %arg3[%add3A_1310] : memref<320000xi32, #tpu.memory_space<hbm>> -> memref<40xi32, #tpu.memory_space<hbm>>
        tpu.enqueue_dma source(%dma_start3A_1319 : memref<40xi32, #tpu.memory_space<hbm>>) target(%dma_start3A_1318 : memref<40xi32, #tpu.memory_space<vmem>>) target_semaphore(%arg12 : memref<!tpu.dma_semaphore, #tpu.memory_space<semaphore_mem>>)
        %mul3A_1320 = arith.constant 5 : i32
        %mul3A_1321 = arith.muli %add3A_1189, %mul3A_1320 : i32
        %add3A_1322 = arith.constant 3 : i32
        %add3A_1323 = arith.addi %mul3A_1321, %add3A_1322 : i32
        %mul3A_1324 = arith.constant 40 : i32
        %mul3A_1325 = arith.muli %add3A_1323, %mul3A_1324 : i32
        %add3A_1326 = arith.addi %mul3A_198, %mul3A_1325 : i32
        %dma_start3A_1327 = arith.constant 3 : i32
        %dma_start3A_1328 = arith.constant 0 : i32
        %dma_start3A_1329 = tpu.memref_slice %arg8[%select_n3A_1207, %dma_start3A_1327, %dma_start3A_1328] : memref<3x5x40xi32, #tpu.memory_space<vmem>> -> memref<1x1x40xi32, #tpu.memory_space<vmem>>
        %dma_start3A_1330 = tpu.memref_squeeze %dma_start3A_1329 : memref<1x1x40xi32, #tpu.memory_space<vmem>> -> memref<40xi32, #tpu.memory_space<vmem>>
        %dma_start3A_1331 = tpu.memref_slice %arg4[%add3A_1326] : memref<320000xi32, #tpu.memory_space<hbm>> -> memref<40xi32, #tpu.memory_space<hbm>>
        %dma_start3A_1332 = arith.constant 0 : i32
        %dma_start3A_1333 = tpu.memref_slice %arg8[%select_n3A_1207, %dma_start3A_1327, %dma_start3A_1332] : memref<3x5x40xi32, #tpu.memory_space<vmem>> -> memref<1x1x40xi32, #tpu.memory_space<vmem>>
        %dma_start3A_1334 = tpu.memref_squeeze %dma_start3A_1333 : memref<1x1x40xi32, #tpu.memory_space<vmem>> -> memref<40xi32, #tpu.memory_space<vmem>>
        %dma_start3A_1335 = tpu.memref_slice %arg4[%add3A_1326] : memref<320000xi32, #tpu.memory_space<hbm>> -> memref<40xi32, #tpu.memory_space<hbm>>
        tpu.enqueue_dma source(%dma_start3A_1335 : memref<40xi32, #tpu.memory_space<hbm>>) target(%dma_start3A_1334 : memref<40xi32, #tpu.memory_space<vmem>>) target_semaphore(%arg12 : memref<!tpu.dma_semaphore, #tpu.memory_space<semaphore_mem>>)
        %mul3A_1336 = arith.constant 5 : i32
        %mul3A_1337 = arith.muli %add3A_1189, %mul3A_1336 : i32
        %add3A_1338 = arith.constant 4 : i32
        %add3A_1339 = arith.addi %mul3A_1337, %add3A_1338 : i32
        %mul3A_1340 = arith.constant 40 : i32
        %mul3A_1341 = arith.muli %add3A_1339, %mul3A_1340 : i32
        %add3A_1342 = arith.addi %mul3A_198, %mul3A_1341 : i32
        %dma_start3A_1343 = arith.constant 4 : i32
        %dma_start3A_1344 = arith.constant 0 : i32
        %dma_start3A_1345 = tpu.memref_slice %arg7[%select_n3A_1207, %dma_start3A_1343, %dma_start3A_1344] : memref<3x5x40xi32, #tpu.memory_space<vmem>> -> memref<1x1x40xi32, #tpu.memory_space<vmem>>
        %dma_start3A_1346 = tpu.memref_squeeze %dma_start3A_1345 : memref<1x1x40xi32, #tpu.memory_space<vmem>> -> memref<40xi32, #tpu.memory_space<vmem>>
        %dma_start3A_1347 = tpu.memref_slice %arg3[%add3A_1342] : memref<320000xi32, #tpu.memory_space<hbm>> -> memref<40xi32, #tpu.memory_space<hbm>>
        %dma_start3A_1348 = arith.constant 0 : i32
        %dma_start3A_1349 = tpu.memref_slice %arg7[%select_n3A_1207, %dma_start3A_1343, %dma_start3A_1348] : memref<3x5x40xi32, #tpu.memory_space<vmem>> -> memref<1x1x40xi32, #tpu.memory_space<vmem>>
        %dma_start3A_1350 = tpu.memref_squeeze %dma_start3A_1349 : memref<1x1x40xi32, #tpu.memory_space<vmem>> -> memref<40xi32, #tpu.memory_space<vmem>>
        %dma_start3A_1351 = tpu.memref_slice %arg3[%add3A_1342] : memref<320000xi32, #tpu.memory_space<hbm>> -> memref<40xi32, #tpu.memory_space<hbm>>
        tpu.enqueue_dma source(%dma_start3A_1351 : memref<40xi32, #tpu.memory_space<hbm>>) target(%dma_start3A_1350 : memref<40xi32, #tpu.memory_space<vmem>>) target_semaphore(%arg12 : memref<!tpu.dma_semaphore, #tpu.memory_space<semaphore_mem>>)
        %mul3A_1352 = arith.constant 5 : i32
        %mul3A_1353 = arith.muli %add3A_1189, %mul3A_1352 : i32
        %add3A_1354 = arith.constant 4 : i32
        %add3A_1355 = arith.addi %mul3A_1353, %add3A_1354 : i32
        %mul3A_1356 = arith.constant 40 : i32
        %mul3A_1357 = arith.muli %add3A_1355, %mul3A_1356 : i32
        %add3A_1358 = arith.addi %mul3A_198, %mul3A_1357 : i32
        %dma_start3A_1359 = arith.constant 4 : i32
        %dma_start3A_1360 = arith.constant 0 : i32
        %dma_start3A_1361 = tpu.memref_slice %arg8[%select_n3A_1207, %dma_start3A_1359, %dma_start3A_1360] : memref<3x5x40xi32, #tpu.memory_space<vmem>> -> memref<1x1x40xi32, #tpu.memory_space<vmem>>
        %dma_start3A_1362 = tpu.memref_squeeze %dma_start3A_1361 : memref<1x1x40xi32, #tpu.memory_space<vmem>> -> memref<40xi32, #tpu.memory_space<vmem>>
        %dma_start3A_1363 = tpu.memref_slice %arg4[%add3A_1358] : memref<320000xi32, #tpu.memory_space<hbm>> -> memref<40xi32, #tpu.memory_space<hbm>>
        %dma_start3A_1364 = arith.constant 0 : i32
        %dma_start3A_1365 = tpu.memref_slice %arg8[%select_n3A_1207, %dma_start3A_1359, %dma_start3A_1364] : memref<3x5x40xi32, #tpu.memory_space<vmem>> -> memref<1x1x40xi32, #tpu.memory_space<vmem>>
        %dma_start3A_1366 = tpu.memref_squeeze %dma_start3A_1365 : memref<1x1x40xi32, #tpu.memory_space<vmem>> -> memref<40xi32, #tpu.memory_space<vmem>>
        %dma_start3A_1367 = tpu.memref_slice %arg4[%add3A_1358] : memref<320000xi32, #tpu.memory_space<hbm>> -> memref<40xi32, #tpu.memory_space<hbm>>
        tpu.enqueue_dma source(%dma_start3A_1367 : memref<40xi32, #tpu.memory_space<hbm>>) target(%dma_start3A_1366 : memref<40xi32, #tpu.memory_space<vmem>>) target_semaphore(%arg12 : memref<!tpu.dma_semaphore, #tpu.memory_space<semaphore_mem>>)
      } else {
      }
      %dma_wait3A_947 = arith.constant 0 : i32
      %dma_wait3A_948 = arith.constant 0 : i32
      %dma_wait3A_949 = arith.constant 0 : i32
      %dma_wait3A_950 = tpu.memref_slice %arg9[%dma_wait3A_947, %dma_wait3A_948, %dma_wait3A_949] : memref<5x40x128xf32, #tpu.memory_space<vmem>> -> memref<1x24x128xf32, #tpu.memory_space<vmem>>
      %dma_wait3A_951 = tpu.memref_squeeze %dma_wait3A_950 : memref<1x24x128xf32, #tpu.memory_space<vmem>> -> memref<24x128xf32, #tpu.memory_space<vmem>>
      %dma_wait3A_952 = arith.constant 0 : i32
      %dma_wait3A_953 = arith.constant 0 : i32
      %dma_wait3A_954 = tpu.memref_slice %arg2[%dma_wait3A_952, %dma_wait3A_953] : memref<10000x128xf32, #tpu.memory_space<hbm>> -> memref<24x128xf32, #tpu.memory_space<hbm>>
      %dma_wait3A_955 = arith.constant 0 : i32
      %dma_wait3A_956 = arith.constant 0 : i32
      %dma_wait3A_957 = tpu.memref_slice %arg9[%dma_wait3A_947, %dma_wait3A_955, %dma_wait3A_956] : memref<5x40x128xf32, #tpu.memory_space<vmem>> -> memref<1x24x128xf32, #tpu.memory_space<vmem>>
      %dma_wait3A_958 = tpu.memref_squeeze %dma_wait3A_957 : memref<1x24x128xf32, #tpu.memory_space<vmem>> -> memref<24x128xf32, #tpu.memory_space<vmem>>
      %dma_wait3A_959 = arith.constant 0 : i32
      %dma_wait3A_960 = arith.constant 0 : i32
      %dma_wait3A_961 = tpu.memref_slice %arg2[%dma_wait3A_959, %dma_wait3A_960] : memref<10000x128xf32, #tpu.memory_space<hbm>> -> memref<24x128xf32, #tpu.memory_space<hbm>>
      tpu.wait_dma2 semaphore(%arg13 : memref<!tpu.dma_semaphore, #tpu.memory_space<semaphore_mem>>) src(%dma_wait3A_961 : memref<24x128xf32, #tpu.memory_space<hbm>>) dst(%dma_wait3A_958 : memref<24x128xf32, #tpu.memory_space<vmem>>)
      %dma_wait3A_962 = arith.constant 0 : i32
      %dma_wait3A_963 = arith.constant 24 : i32
      %dma_wait3A_964 = arith.constant 0 : i32
      %dma_wait3A_965 = tpu.memref_slice %arg9[%dma_wait3A_962, %dma_wait3A_963, %dma_wait3A_964] : memref<5x40x128xf32, #tpu.memory_space<vmem>> -> memref<1x16x128xf32, #tpu.memory_space<vmem>>
      %dma_wait3A_966 = tpu.memref_squeeze %dma_wait3A_965 : memref<1x16x128xf32, #tpu.memory_space<vmem>> -> memref<16x128xf32, #tpu.memory_space<vmem>>
      %dma_wait3A_967 = arith.constant 0 : i32
      %dma_wait3A_968 = arith.constant 0 : i32
      %dma_wait3A_969 = tpu.memref_slice %arg2[%dma_wait3A_967, %dma_wait3A_968] : memref<10000x128xf32, #tpu.memory_space<hbm>> -> memref<16x128xf32, #tpu.memory_space<hbm>>
      %dma_wait3A_970 = arith.constant 24 : i32
      %dma_wait3A_971 = arith.constant 0 : i32
      %dma_wait3A_972 = tpu.memref_slice %arg9[%dma_wait3A_962, %dma_wait3A_970, %dma_wait3A_971] : memref<5x40x128xf32, #tpu.memory_space<vmem>> -> memref<1x16x128xf32, #tpu.memory_space<vmem>>
      %dma_wait3A_973 = tpu.memref_squeeze %dma_wait3A_972 : memref<1x16x128xf32, #tpu.memory_space<vmem>> -> memref<16x128xf32, #tpu.memory_space<vmem>>
      %dma_wait3A_974 = arith.constant 0 : i32
      %dma_wait3A_975 = arith.constant 0 : i32
      %dma_wait3A_976 = tpu.memref_slice %arg2[%dma_wait3A_974, %dma_wait3A_975] : memref<10000x128xf32, #tpu.memory_space<hbm>> -> memref<16x128xf32, #tpu.memory_space<hbm>>
      tpu.wait_dma2 semaphore(%arg13 : memref<!tpu.dma_semaphore, #tpu.memory_space<semaphore_mem>>) src(%dma_wait3A_976 : memref<16x128xf32, #tpu.memory_space<hbm>>) dst(%dma_wait3A_973 : memref<16x128xf32, #tpu.memory_space<vmem>>)
      %dma_start3A_977 = arith.constant 0 : i32
      %dma_start3A_978 = arith.constant 0 : i32
      %dma_start3A_979 = arith.constant 0 : i32
      %dma_start3A_980 = arith.constant 0 : i32
      %dma_start3A_981 = tpu.memref_slice %arg9[%dma_start3A_977, %dma_start3A_979, %dma_start3A_980] : memref<5x40x128xf32, #tpu.memory_space<vmem>> -> memref<1x40x128xf32, #tpu.memory_space<vmem>>
      %dma_start3A_982 = tpu.memref_squeeze %dma_start3A_981 : memref<1x40x128xf32, #tpu.memory_space<vmem>> -> memref<40x128xf32, #tpu.memory_space<vmem>>
      %dma_start3A_983 = arith.constant 0 : i32
      %dma_start3A_984 = tpu.memref_slice %arg8[%select_n3A_679, %dma_start3A_978, %dma_start3A_983] : memref<3x5x40xi32, #tpu.memory_space<vmem>> -> memref<1x1x40xi32, #tpu.memory_space<vmem>>
      %dma_start3A_985 = tpu.memref_squeeze %dma_start3A_984 : memref<1x1x40xi32, #tpu.memory_space<vmem>> -> memref<40xi32, #tpu.memory_space<vmem>>
      %dma_start3A_986 = arith.constant 0 : i32
      %dma_start3A_987 = arith.constant 0 : i32
      %dma_start3A_988 = tpu.memref_slice %arg23[%dma_start3A_986, %dma_start3A_987] : memref<10240x128xf32, #tpu.memory_space<vmem_shared>> -> memref<10240x128xf32, #tpu.memory_space<vmem_shared>>
      tpu.enqueue_indirect_dma source(%dma_start3A_982 : memref<40x128xf32, #tpu.memory_space<vmem>>) target(%dma_start3A_988 : memref<10240x128xf32, #tpu.memory_space<vmem_shared>>) offsets(%dma_start3A_985 : memref<40xi32, #tpu.memory_space<vmem>>) semaphore(%arg18 : memref<!tpu.dma_semaphore, #tpu.memory_space<semaphore_mem>>) {add = true}
      %dma_start3A_989 = arith.constant 0 : i32
      %dma_start3A_990 = arith.constant 0 : i32
      %dma_start3A_991 = tpu.memref_slice %arg8[%select_n3A_679, %dma_start3A_989, %dma_start3A_990] : memref<3x5x40xi32, #tpu.memory_space<vmem>> -> memref<1x1x40xi32, #tpu.memory_space<vmem>>
      %dma_start3A_992 = tpu.memref_squeeze %dma_start3A_991 : memref<1x1x40xi32, #tpu.memory_space<vmem>> -> memref<40xi32, #tpu.memory_space<vmem>>
      %dma_start3A_993 = arith.constant 0 : i32
      %dma_start3A_994 = tpu.memref_slice %arg24[%dma_start3A_993] : memref<10240xf32, #tpu.memory_space<vmem_shared>> -> memref<10240xf32, #tpu.memory_space<vmem_shared>>
      tpu.enqueue_indirect_dma source(%arg10 : memref<40xf32, #tpu.memory_space<vmem>>) target(%dma_start3A_994 : memref<10240xf32, #tpu.memory_space<vmem_shared>>) offsets(%dma_start3A_992 : memref<40xi32, #tpu.memory_space<vmem>>) semaphore(%arg18 : memref<!tpu.dma_semaphore, #tpu.memory_space<semaphore_mem>>) {add = true}
      %dma_wait3A_995 = arith.constant 1 : i32
      %dma_wait3A_996 = arith.constant 0 : i32
      %dma_wait3A_997 = arith.constant 0 : i32
      %dma_wait3A_998 = tpu.memref_slice %arg9[%dma_wait3A_995, %dma_wait3A_996, %dma_wait3A_997] : memref<5x40x128xf32, #tpu.memory_space<vmem>> -> memref<1x24x128xf32, #tpu.memory_space<vmem>>
      %dma_wait3A_999 = tpu.memref_squeeze %dma_wait3A_998 : memref<1x24x128xf32, #tpu.memory_space<vmem>> -> memref<24x128xf32, #tpu.memory_space<vmem>>
      %dma_wait3A_1000 = arith.constant 0 : i32
      %dma_wait3A_1001 = arith.constant 0 : i32
      %dma_wait3A_1002 = tpu.memref_slice %arg2[%dma_wait3A_1000, %dma_wait3A_1001] : memref<10000x128xf32, #tpu.memory_space<hbm>> -> memref<24x128xf32, #tpu.memory_space<hbm>>
      %dma_wait3A_1003 = arith.constant 0 : i32
      %dma_wait3A_1004 = arith.constant 0 : i32
      %dma_wait3A_1005 = tpu.memref_slice %arg9[%dma_wait3A_995, %dma_wait3A_1003, %dma_wait3A_1004] : memref<5x40x128xf32, #tpu.memory_space<vmem>> -> memref<1x24x128xf32, #tpu.memory_space<vmem>>
      %dma_wait3A_1006 = tpu.memref_squeeze %dma_wait3A_1005 : memref<1x24x128xf32, #tpu.memory_space<vmem>> -> memref<24x128xf32, #tpu.memory_space<vmem>>
      %dma_wait3A_1007 = arith.constant 0 : i32
      %dma_wait3A_1008 = arith.constant 0 : i32
      %dma_wait3A_1009 = tpu.memref_slice %arg2[%dma_wait3A_1007, %dma_wait3A_1008] : memref<10000x128xf32, #tpu.memory_space<hbm>> -> memref<24x128xf32, #tpu.memory_space<hbm>>
      tpu.wait_dma2 semaphore(%arg14 : memref<!tpu.dma_semaphore, #tpu.memory_space<semaphore_mem>>) src(%dma_wait3A_1009 : memref<24x128xf32, #tpu.memory_space<hbm>>) dst(%dma_wait3A_1006 : memref<24x128xf32, #tpu.memory_space<vmem>>)
      %dma_wait3A_1010 = arith.constant 1 : i32
      %dma_wait3A_1011 = arith.constant 24 : i32
      %dma_wait3A_1012 = arith.constant 0 : i32
      %dma_wait3A_1013 = tpu.memref_slice %arg9[%dma_wait3A_1010, %dma_wait3A_1011, %dma_wait3A_1012] : memref<5x40x128xf32, #tpu.memory_space<vmem>> -> memref<1x16x128xf32, #tpu.memory_space<vmem>>
      %dma_wait3A_1014 = tpu.memref_squeeze %dma_wait3A_1013 : memref<1x16x128xf32, #tpu.memory_space<vmem>> -> memref<16x128xf32, #tpu.memory_space<vmem>>
      %dma_wait3A_1015 = arith.constant 0 : i32
      %dma_wait3A_1016 = arith.constant 0 : i32
      %dma_wait3A_1017 = tpu.memref_slice %arg2[%dma_wait3A_1015, %dma_wait3A_1016] : memref<10000x128xf32, #tpu.memory_space<hbm>> -> memref<16x128xf32, #tpu.memory_space<hbm>>
      %dma_wait3A_1018 = arith.constant 24 : i32
      %dma_wait3A_1019 = arith.constant 0 : i32
      %dma_wait3A_1020 = tpu.memref_slice %arg9[%dma_wait3A_1010, %dma_wait3A_1018, %dma_wait3A_1019] : memref<5x40x128xf32, #tpu.memory_space<vmem>> -> memref<1x16x128xf32, #tpu.memory_space<vmem>>
      %dma_wait3A_1021 = tpu.memref_squeeze %dma_wait3A_1020 : memref<1x16x128xf32, #tpu.memory_space<vmem>> -> memref<16x128xf32, #tpu.memory_space<vmem>>
      %dma_wait3A_1022 = arith.constant 0 : i32
      %dma_wait3A_1023 = arith.constant 0 : i32
      %dma_wait3A_1024 = tpu.memref_slice %arg2[%dma_wait3A_1022, %dma_wait3A_1023] : memref<10000x128xf32, #tpu.memory_space<hbm>> -> memref<16x128xf32, #tpu.memory_space<hbm>>
      tpu.wait_dma2 semaphore(%arg14 : memref<!tpu.dma_semaphore, #tpu.memory_space<semaphore_mem>>) src(%dma_wait3A_1024 : memref<16x128xf32, #tpu.memory_space<hbm>>) dst(%dma_wait3A_1021 : memref<16x128xf32, #tpu.memory_space<vmem>>)
      %dma_start3A_1025 = arith.constant 1 : i32
      %dma_start3A_1026 = arith.constant 1 : i32
      %dma_start3A_1027 = arith.constant 0 : i32
      %dma_start3A_1028 = arith.constant 0 : i32
      %dma_start3A_1029 = tpu.memref_slice %arg9[%dma_start3A_1025, %dma_start3A_1027, %dma_start3A_1028] : memref<5x40x128xf32, #tpu.memory_space<vmem>> -> memref<1x40x128xf32, #tpu.memory_space<vmem>>
      %dma_start3A_1030 = tpu.memref_squeeze %dma_start3A_1029 : memref<1x40x128xf32, #tpu.memory_space<vmem>> -> memref<40x128xf32, #tpu.memory_space<vmem>>
      %dma_start3A_1031 = arith.constant 0 : i32
      %dma_start3A_1032 = tpu.memref_slice %arg8[%select_n3A_679, %dma_start3A_1026, %dma_start3A_1031] : memref<3x5x40xi32, #tpu.memory_space<vmem>> -> memref<1x1x40xi32, #tpu.memory_space<vmem>>
      %dma_start3A_1033 = tpu.memref_squeeze %dma_start3A_1032 : memref<1x1x40xi32, #tpu.memory_space<vmem>> -> memref<40xi32, #tpu.memory_space<vmem>>
      %dma_start3A_1034 = arith.constant 0 : i32
      %dma_start3A_1035 = arith.constant 0 : i32
      %dma_start3A_1036 = tpu.memref_slice %arg23[%dma_start3A_1034, %dma_start3A_1035] : memref<10240x128xf32, #tpu.memory_space<vmem_shared>> -> memref<10240x128xf32, #tpu.memory_space<vmem_shared>>
      tpu.enqueue_indirect_dma source(%dma_start3A_1030 : memref<40x128xf32, #tpu.memory_space<vmem>>) target(%dma_start3A_1036 : memref<10240x128xf32, #tpu.memory_space<vmem_shared>>) offsets(%dma_start3A_1033 : memref<40xi32, #tpu.memory_space<vmem>>) semaphore(%arg19 : memref<!tpu.dma_semaphore, #tpu.memory_space<semaphore_mem>>) {add = true}
      %dma_start3A_1037 = arith.constant 1 : i32
      %dma_start3A_1038 = arith.constant 0 : i32
      %dma_start3A_1039 = tpu.memref_slice %arg8[%select_n3A_679, %dma_start3A_1037, %dma_start3A_1038] : memref<3x5x40xi32, #tpu.memory_space<vmem>> -> memref<1x1x40xi32, #tpu.memory_space<vmem>>
      %dma_start3A_1040 = tpu.memref_squeeze %dma_start3A_1039 : memref<1x1x40xi32, #tpu.memory_space<vmem>> -> memref<40xi32, #tpu.memory_space<vmem>>
      %dma_start3A_1041 = arith.constant 0 : i32
      %dma_start3A_1042 = tpu.memref_slice %arg24[%dma_start3A_1041] : memref<10240xf32, #tpu.memory_space<vmem_shared>> -> memref<10240xf32, #tpu.memory_space<vmem_shared>>
      tpu.enqueue_indirect_dma source(%arg10 : memref<40xf32, #tpu.memory_space<vmem>>) target(%dma_start3A_1042 : memref<10240xf32, #tpu.memory_space<vmem_shared>>) offsets(%dma_start3A_1040 : memref<40xi32, #tpu.memory_space<vmem>>) semaphore(%arg19 : memref<!tpu.dma_semaphore, #tpu.memory_space<semaphore_mem>>) {add = true}
      %dma_wait3A_1043 = arith.constant 2 : i32
      %dma_wait3A_1044 = arith.constant 0 : i32
      %dma_wait3A_1045 = arith.constant 0 : i32
      %dma_wait3A_1046 = tpu.memref_slice %arg9[%dma_wait3A_1043, %dma_wait3A_1044, %dma_wait3A_1045] : memref<5x40x128xf32, #tpu.memory_space<vmem>> -> memref<1x24x128xf32, #tpu.memory_space<vmem>>
      %dma_wait3A_1047 = tpu.memref_squeeze %dma_wait3A_1046 : memref<1x24x128xf32, #tpu.memory_space<vmem>> -> memref<24x128xf32, #tpu.memory_space<vmem>>
      %dma_wait3A_1048 = arith.constant 0 : i32
      %dma_wait3A_1049 = arith.constant 0 : i32
      %dma_wait3A_1050 = tpu.memref_slice %arg2[%dma_wait3A_1048, %dma_wait3A_1049] : memref<10000x128xf32, #tpu.memory_space<hbm>> -> memref<24x128xf32, #tpu.memory_space<hbm>>
      %dma_wait3A_1051 = arith.constant 0 : i32
      %dma_wait3A_1052 = arith.constant 0 : i32
      %dma_wait3A_1053 = tpu.memref_slice %arg9[%dma_wait3A_1043, %dma_wait3A_1051, %dma_wait3A_1052] : memref<5x40x128xf32, #tpu.memory_space<vmem>> -> memref<1x24x128xf32, #tpu.memory_space<vmem>>
      %dma_wait3A_1054 = tpu.memref_squeeze %dma_wait3A_1053 : memref<1x24x128xf32, #tpu.memory_space<vmem>> -> memref<24x128xf32, #tpu.memory_space<vmem>>
      %dma_wait3A_1055 = arith.constant 0 : i32
      %dma_wait3A_1056 = arith.constant 0 : i32
      %dma_wait3A_1057 = tpu.memref_slice %arg2[%dma_wait3A_1055, %dma_wait3A_1056] : memref<10000x128xf32, #tpu.memory_space<hbm>> -> memref<24x128xf32, #tpu.memory_space<hbm>>
      tpu.wait_dma2 semaphore(%arg15 : memref<!tpu.dma_semaphore, #tpu.memory_space<semaphore_mem>>) src(%dma_wait3A_1057 : memref<24x128xf32, #tpu.memory_space<hbm>>) dst(%dma_wait3A_1054 : memref<24x128xf32, #tpu.memory_space<vmem>>)
      %dma_wait3A_1058 = arith.constant 2 : i32
      %dma_wait3A_1059 = arith.constant 24 : i32
      %dma_wait3A_1060 = arith.constant 0 : i32
      %dma_wait3A_1061 = tpu.memref_slice %arg9[%dma_wait3A_1058, %dma_wait3A_1059, %dma_wait3A_1060] : memref<5x40x128xf32, #tpu.memory_space<vmem>> -> memref<1x16x128xf32, #tpu.memory_space<vmem>>
      %dma_wait3A_1062 = tpu.memref_squeeze %dma_wait3A_1061 : memref<1x16x128xf32, #tpu.memory_space<vmem>> -> memref<16x128xf32, #tpu.memory_space<vmem>>
      %dma_wait3A_1063 = arith.constant 0 : i32
      %dma_wait3A_1064 = arith.constant 0 : i32
      %dma_wait3A_1065 = tpu.memref_slice %arg2[%dma_wait3A_1063, %dma_wait3A_1064] : memref<10000x128xf32, #tpu.memory_space<hbm>> -> memref<16x128xf32, #tpu.memory_space<hbm>>
      %dma_wait3A_1066 = arith.constant 24 : i32
      %dma_wait3A_1067 = arith.constant 0 : i32
      %dma_wait3A_1068 = tpu.memref_slice %arg9[%dma_wait3A_1058, %dma_wait3A_1066, %dma_wait3A_1067] : memref<5x40x128xf32, #tpu.memory_space<vmem>> -> memref<1x16x128xf32, #tpu.memory_space<vmem>>
      %dma_wait3A_1069 = tpu.memref_squeeze %dma_wait3A_1068 : memref<1x16x128xf32, #tpu.memory_space<vmem>> -> memref<16x128xf32, #tpu.memory_space<vmem>>
      %dma_wait3A_1070 = arith.constant 0 : i32
      %dma_wait3A_1071 = arith.constant 0 : i32
      %dma_wait3A_1072 = tpu.memref_slice %arg2[%dma_wait3A_1070, %dma_wait3A_1071] : memref<10000x128xf32, #tpu.memory_space<hbm>> -> memref<16x128xf32, #tpu.memory_space<hbm>>
      tpu.wait_dma2 semaphore(%arg15 : memref<!tpu.dma_semaphore, #tpu.memory_space<semaphore_mem>>) src(%dma_wait3A_1072 : memref<16x128xf32, #tpu.memory_space<hbm>>) dst(%dma_wait3A_1069 : memref<16x128xf32, #tpu.memory_space<vmem>>)
      %dma_start3A_1073 = arith.constant 2 : i32
      %dma_start3A_1074 = arith.constant 2 : i32
      %dma_start3A_1075 = arith.constant 0 : i32
      %dma_start3A_1076 = arith.constant 0 : i32
      %dma_start3A_1077 = tpu.memref_slice %arg9[%dma_start3A_1073, %dma_start3A_1075, %dma_start3A_1076] : memref<5x40x128xf32, #tpu.memory_space<vmem>> -> memref<1x40x128xf32, #tpu.memory_space<vmem>>
      %dma_start3A_1078 = tpu.memref_squeeze %dma_start3A_1077 : memref<1x40x128xf32, #tpu.memory_space<vmem>> -> memref<40x128xf32, #tpu.memory_space<vmem>>
      %dma_start3A_1079 = arith.constant 0 : i32
      %dma_start3A_1080 = tpu.memref_slice %arg8[%select_n3A_679, %dma_start3A_1074, %dma_start3A_1079] : memref<3x5x40xi32, #tpu.memory_space<vmem>> -> memref<1x1x40xi32, #tpu.memory_space<vmem>>
      %dma_start3A_1081 = tpu.memref_squeeze %dma_start3A_1080 : memref<1x1x40xi32, #tpu.memory_space<vmem>> -> memref<40xi32, #tpu.memory_space<vmem>>
      %dma_start3A_1082 = arith.constant 0 : i32
      %dma_start3A_1083 = arith.constant 0 : i32
      %dma_start3A_1084 = tpu.memref_slice %arg23[%dma_start3A_1082, %dma_start3A_1083] : memref<10240x128xf32, #tpu.memory_space<vmem_shared>> -> memref<10240x128xf32, #tpu.memory_space<vmem_shared>>
      tpu.enqueue_indirect_dma source(%dma_start3A_1078 : memref<40x128xf32, #tpu.memory_space<vmem>>) target(%dma_start3A_1084 : memref<10240x128xf32, #tpu.memory_space<vmem_shared>>) offsets(%dma_start3A_1081 : memref<40xi32, #tpu.memory_space<vmem>>) semaphore(%arg20 : memref<!tpu.dma_semaphore, #tpu.memory_space<semaphore_mem>>) {add = true}
      %dma_start3A_1085 = arith.constant 2 : i32
      %dma_start3A_1086 = arith.constant 0 : i32
      %dma_start3A_1087 = tpu.memref_slice %arg8[%select_n3A_679, %dma_start3A_1085, %dma_start3A_1086] : memref<3x5x40xi32, #tpu.memory_space<vmem>> -> memref<1x1x40xi32, #tpu.memory_space<vmem>>
      %dma_start3A_1088 = tpu.memref_squeeze %dma_start3A_1087 : memref<1x1x40xi32, #tpu.memory_space<vmem>> -> memref<40xi32, #tpu.memory_space<vmem>>
      %dma_start3A_1089 = arith.constant 0 : i32
      %dma_start3A_1090 = tpu.memref_slice %arg24[%dma_start3A_1089] : memref<10240xf32, #tpu.memory_space<vmem_shared>> -> memref<10240xf32, #tpu.memory_space<vmem_shared>>
      tpu.enqueue_indirect_dma source(%arg10 : memref<40xf32, #tpu.memory_space<vmem>>) target(%dma_start3A_1090 : memref<10240xf32, #tpu.memory_space<vmem_shared>>) offsets(%dma_start3A_1088 : memref<40xi32, #tpu.memory_space<vmem>>) semaphore(%arg20 : memref<!tpu.dma_semaphore, #tpu.memory_space<semaphore_mem>>) {add = true}
      %dma_wait3A_1091 = arith.constant 3 : i32
      %dma_wait3A_1092 = arith.constant 0 : i32
      %dma_wait3A_1093 = arith.constant 0 : i32
      %dma_wait3A_1094 = tpu.memref_slice %arg9[%dma_wait3A_1091, %dma_wait3A_1092, %dma_wait3A_1093] : memref<5x40x128xf32, #tpu.memory_space<vmem>> -> memref<1x24x128xf32, #tpu.memory_space<vmem>>
      %dma_wait3A_1095 = tpu.memref_squeeze %dma_wait3A_1094 : memref<1x24x128xf32, #tpu.memory_space<vmem>> -> memref<24x128xf32, #tpu.memory_space<vmem>>
      %dma_wait3A_1096 = arith.constant 0 : i32
      %dma_wait3A_1097 = arith.constant 0 : i32
      %dma_wait3A_1098 = tpu.memref_slice %arg2[%dma_wait3A_1096, %dma_wait3A_1097] : memref<10000x128xf32, #tpu.memory_space<hbm>> -> memref<24x128xf32, #tpu.memory_space<hbm>>
      %dma_wait3A_1099 = arith.constant 0 : i32
      %dma_wait3A_1100 = arith.constant 0 : i32
      %dma_wait3A_1101 = tpu.memref_slice %arg9[%dma_wait3A_1091, %dma_wait3A_1099, %dma_wait3A_1100] : memref<5x40x128xf32, #tpu.memory_space<vmem>> -> memref<1x24x128xf32, #tpu.memory_space<vmem>>
      %dma_wait3A_1102 = tpu.memref_squeeze %dma_wait3A_1101 : memref<1x24x128xf32, #tpu.memory_space<vmem>> -> memref<24x128xf32, #tpu.memory_space<vmem>>
      %dma_wait3A_1103 = arith.constant 0 : i32
      %dma_wait3A_1104 = arith.constant 0 : i32
      %dma_wait3A_1105 = tpu.memref_slice %arg2[%dma_wait3A_1103, %dma_wait3A_1104] : memref<10000x128xf32, #tpu.memory_space<hbm>> -> memref<24x128xf32, #tpu.memory_space<hbm>>
      tpu.wait_dma2 semaphore(%arg16 : memref<!tpu.dma_semaphore, #tpu.memory_space<semaphore_mem>>) src(%dma_wait3A_1105 : memref<24x128xf32, #tpu.memory_space<hbm>>) dst(%dma_wait3A_1102 : memref<24x128xf32, #tpu.memory_space<vmem>>)
      %dma_wait3A_1106 = arith.constant 3 : i32
      %dma_wait3A_1107 = arith.constant 24 : i32
      %dma_wait3A_1108 = arith.constant 0 : i32
      %dma_wait3A_1109 = tpu.memref_slice %arg9[%dma_wait3A_1106, %dma_wait3A_1107, %dma_wait3A_1108] : memref<5x40x128xf32, #tpu.memory_space<vmem>> -> memref<1x16x128xf32, #tpu.memory_space<vmem>>
      %dma_wait3A_1110 = tpu.memref_squeeze %dma_wait3A_1109 : memref<1x16x128xf32, #tpu.memory_space<vmem>> -> memref<16x128xf32, #tpu.memory_space<vmem>>
      %dma_wait3A_1111 = arith.constant 0 : i32
      %dma_wait3A_1112 = arith.constant 0 : i32
      %dma_wait3A_1113 = tpu.memref_slice %arg2[%dma_wait3A_1111, %dma_wait3A_1112] : memref<10000x128xf32, #tpu.memory_space<hbm>> -> memref<16x128xf32, #tpu.memory_space<hbm>>
      %dma_wait3A_1114 = arith.constant 24 : i32
      %dma_wait3A_1115 = arith.constant 0 : i32
      %dma_wait3A_1116 = tpu.memref_slice %arg9[%dma_wait3A_1106, %dma_wait3A_1114, %dma_wait3A_1115] : memref<5x40x128xf32, #tpu.memory_space<vmem>> -> memref<1x16x128xf32, #tpu.memory_space<vmem>>
      %dma_wait3A_1117 = tpu.memref_squeeze %dma_wait3A_1116 : memref<1x16x128xf32, #tpu.memory_space<vmem>> -> memref<16x128xf32, #tpu.memory_space<vmem>>
      %dma_wait3A_1118 = arith.constant 0 : i32
      %dma_wait3A_1119 = arith.constant 0 : i32
      %dma_wait3A_1120 = tpu.memref_slice %arg2[%dma_wait3A_1118, %dma_wait3A_1119] : memref<10000x128xf32, #tpu.memory_space<hbm>> -> memref<16x128xf32, #tpu.memory_space<hbm>>
      tpu.wait_dma2 semaphore(%arg16 : memref<!tpu.dma_semaphore, #tpu.memory_space<semaphore_mem>>) src(%dma_wait3A_1120 : memref<16x128xf32, #tpu.memory_space<hbm>>) dst(%dma_wait3A_1117 : memref<16x128xf32, #tpu.memory_space<vmem>>)
      %dma_start3A_1121 = arith.constant 3 : i32
      %dma_start3A_1122 = arith.constant 3 : i32
      %dma_start3A_1123 = arith.constant 0 : i32
      %dma_start3A_1124 = arith.constant 0 : i32
      %dma_start3A_1125 = tpu.memref_slice %arg9[%dma_start3A_1121, %dma_start3A_1123, %dma_start3A_1124] : memref<5x40x128xf32, #tpu.memory_space<vmem>> -> memref<1x40x128xf32, #tpu.memory_space<vmem>>
      %dma_start3A_1126 = tpu.memref_squeeze %dma_start3A_1125 : memref<1x40x128xf32, #tpu.memory_space<vmem>> -> memref<40x128xf32, #tpu.memory_space<vmem>>
      %dma_start3A_1127 = arith.constant 0 : i32
      %dma_start3A_1128 = tpu.memref_slice %arg8[%select_n3A_679, %dma_start3A_1122, %dma_start3A_1127] : memref<3x5x40xi32, #tpu.memory_space<vmem>> -> memref<1x1x40xi32, #tpu.memory_space<vmem>>
      %dma_start3A_1129 = tpu.memref_squeeze %dma_start3A_1128 : memref<1x1x40xi32, #tpu.memory_space<vmem>> -> memref<40xi32, #tpu.memory_space<vmem>>
      %dma_start3A_1130 = arith.constant 0 : i32
      %dma_start3A_1131 = arith.constant 0 : i32
      %dma_start3A_1132 = tpu.memref_slice %arg23[%dma_start3A_1130, %dma_start3A_1131] : memref<10240x128xf32, #tpu.memory_space<vmem_shared>> -> memref<10240x128xf32, #tpu.memory_space<vmem_shared>>
      tpu.enqueue_indirect_dma source(%dma_start3A_1126 : memref<40x128xf32, #tpu.memory_space<vmem>>) target(%dma_start3A_1132 : memref<10240x128xf32, #tpu.memory_space<vmem_shared>>) offsets(%dma_start3A_1129 : memref<40xi32, #tpu.memory_space<vmem>>) semaphore(%arg21 : memref<!tpu.dma_semaphore, #tpu.memory_space<semaphore_mem>>) {add = true}
      %dma_start3A_1133 = arith.constant 3 : i32
      %dma_start3A_1134 = arith.constant 0 : i32
      %dma_start3A_1135 = tpu.memref_slice %arg8[%select_n3A_679, %dma_start3A_1133, %dma_start3A_1134] : memref<3x5x40xi32, #tpu.memory_space<vmem>> -> memref<1x1x40xi32, #tpu.memory_space<vmem>>
      %dma_start3A_1136 = tpu.memref_squeeze %dma_start3A_1135 : memref<1x1x40xi32, #tpu.memory_space<vmem>> -> memref<40xi32, #tpu.memory_space<vmem>>
      %dma_start3A_1137 = arith.constant 0 : i32
      %dma_start3A_1138 = tpu.memref_slice %arg24[%dma_start3A_1137] : memref<10240xf32, #tpu.memory_space<vmem_shared>> -> memref<10240xf32, #tpu.memory_space<vmem_shared>>
      tpu.enqueue_indirect_dma source(%arg10 : memref<40xf32, #tpu.memory_space<vmem>>) target(%dma_start3A_1138 : memref<10240xf32, #tpu.memory_space<vmem_shared>>) offsets(%dma_start3A_1136 : memref<40xi32, #tpu.memory_space<vmem>>) semaphore(%arg21 : memref<!tpu.dma_semaphore, #tpu.memory_space<semaphore_mem>>) {add = true}
      %dma_wait3A_1139 = arith.constant 4 : i32
      %dma_wait3A_1140 = arith.constant 0 : i32
      %dma_wait3A_1141 = arith.constant 0 : i32
      %dma_wait3A_1142 = tpu.memref_slice %arg9[%dma_wait3A_1139, %dma_wait3A_1140, %dma_wait3A_1141] : memref<5x40x128xf32, #tpu.memory_space<vmem>> -> memref<1x24x128xf32, #tpu.memory_space<vmem>>
      %dma_wait3A_1143 = tpu.memref_squeeze %dma_wait3A_1142 : memref<1x24x128xf32, #tpu.memory_space<vmem>> -> memref<24x128xf32, #tpu.memory_space<vmem>>
      %dma_wait3A_1144 = arith.constant 0 : i32
      %dma_wait3A_1145 = arith.constant 0 : i32
      %dma_wait3A_1146 = tpu.memref_slice %arg2[%dma_wait3A_1144, %dma_wait3A_1145] : memref<10000x128xf32, #tpu.memory_space<hbm>> -> memref<24x128xf32, #tpu.memory_space<hbm>>
      %dma_wait3A_1147 = arith.constant 0 : i32
      %dma_wait3A_1148 = arith.constant 0 : i32
      %dma_wait3A_1149 = tpu.memref_slice %arg9[%dma_wait3A_1139, %dma_wait3A_1147, %dma_wait3A_1148] : memref<5x40x128xf32, #tpu.memory_space<vmem>> -> memref<1x24x128xf32, #tpu.memory_space<vmem>>
      %dma_wait3A_1150 = tpu.memref_squeeze %dma_wait3A_1149 : memref<1x24x128xf32, #tpu.memory_space<vmem>> -> memref<24x128xf32, #tpu.memory_space<vmem>>
      %dma_wait3A_1151 = arith.constant 0 : i32
      %dma_wait3A_1152 = arith.constant 0 : i32
      %dma_wait3A_1153 = tpu.memref_slice %arg2[%dma_wait3A_1151, %dma_wait3A_1152] : memref<10000x128xf32, #tpu.memory_space<hbm>> -> memref<24x128xf32, #tpu.memory_space<hbm>>
      tpu.wait_dma2 semaphore(%arg17 : memref<!tpu.dma_semaphore, #tpu.memory_space<semaphore_mem>>) src(%dma_wait3A_1153 : memref<24x128xf32, #tpu.memory_space<hbm>>) dst(%dma_wait3A_1150 : memref<24x128xf32, #tpu.memory_space<vmem>>)
      %dma_wait3A_1154 = arith.constant 4 : i32
      %dma_wait3A_1155 = arith.constant 24 : i32
      %dma_wait3A_1156 = arith.constant 0 : i32
      %dma_wait3A_1157 = tpu.memref_slice %arg9[%dma_wait3A_1154, %dma_wait3A_1155, %dma_wait3A_1156] : memref<5x40x128xf32, #tpu.memory_space<vmem>> -> memref<1x16x128xf32, #tpu.memory_space<vmem>>
      %dma_wait3A_1158 = tpu.memref_squeeze %dma_wait3A_1157 : memref<1x16x128xf32, #tpu.memory_space<vmem>> -> memref<16x128xf32, #tpu.memory_space<vmem>>
      %dma_wait3A_1159 = arith.constant 0 : i32
      %dma_wait3A_1160 = arith.constant 0 : i32
      %dma_wait3A_1161 = tpu.memref_slice %arg2[%dma_wait3A_1159, %dma_wait3A_1160] : memref<10000x128xf32, #tpu.memory_space<hbm>> -> memref<16x128xf32, #tpu.memory_space<hbm>>
      %dma_wait3A_1162 = arith.constant 24 : i32
      %dma_wait3A_1163 = arith.constant 0 : i32
      %dma_wait3A_1164 = tpu.memref_slice %arg9[%dma_wait3A_1154, %dma_wait3A_1162, %dma_wait3A_1163] : memref<5x40x128xf32, #tpu.memory_space<vmem>> -> memref<1x16x128xf32, #tpu.memory_space<vmem>>
      %dma_wait3A_1165 = tpu.memref_squeeze %dma_wait3A_1164 : memref<1x16x128xf32, #tpu.memory_space<vmem>> -> memref<16x128xf32, #tpu.memory_space<vmem>>
      %dma_wait3A_1166 = arith.constant 0 : i32
      %dma_wait3A_1167 = arith.constant 0 : i32
      %dma_wait3A_1168 = tpu.memref_slice %arg2[%dma_wait3A_1166, %dma_wait3A_1167] : memref<10000x128xf32, #tpu.memory_space<hbm>> -> memref<16x128xf32, #tpu.memory_space<hbm>>
      tpu.wait_dma2 semaphore(%arg17 : memref<!tpu.dma_semaphore, #tpu.memory_space<semaphore_mem>>) src(%dma_wait3A_1168 : memref<16x128xf32, #tpu.memory_space<hbm>>) dst(%dma_wait3A_1165 : memref<16x128xf32, #tpu.memory_space<vmem>>)
      %dma_start3A_1169 = arith.constant 4 : i32
      %dma_start3A_1170 = arith.constant 4 : i32
      %dma_start3A_1171 = arith.constant 0 : i32
      %dma_start3A_1172 = arith.constant 0 : i32
      %dma_start3A_1173 = tpu.memref_slice %arg9[%dma_start3A_1169, %dma_start3A_1171, %dma_start3A_1172] : memref<5x40x128xf32, #tpu.memory_space<vmem>> -> memref<1x40x128xf32, #tpu.memory_space<vmem>>
      %dma_start3A_1174 = tpu.memref_squeeze %dma_start3A_1173 : memref<1x40x128xf32, #tpu.memory_space<vmem>> -> memref<40x128xf32, #tpu.memory_space<vmem>>
      %dma_start3A_1175 = arith.constant 0 : i32
      %dma_start3A_1176 = tpu.memref_slice %arg8[%select_n3A_679, %dma_start3A_1170, %dma_start3A_1175] : memref<3x5x40xi32, #tpu.memory_space<vmem>> -> memref<1x1x40xi32, #tpu.memory_space<vmem>>
      %dma_start3A_1177 = tpu.memref_squeeze %dma_start3A_1176 : memref<1x1x40xi32, #tpu.memory_space<vmem>> -> memref<40xi32, #tpu.memory_space<vmem>>
      %dma_start3A_1178 = arith.constant 0 : i32
      %dma_start3A_1179 = arith.constant 0 : i32
      %dma_start3A_1180 = tpu.memref_slice %arg23[%dma_start3A_1178, %dma_start3A_1179] : memref<10240x128xf32, #tpu.memory_space<vmem_shared>> -> memref<10240x128xf32, #tpu.memory_space<vmem_shared>>
      tpu.enqueue_indirect_dma source(%dma_start3A_1174 : memref<40x128xf32, #tpu.memory_space<vmem>>) target(%dma_start3A_1180 : memref<10240x128xf32, #tpu.memory_space<vmem_shared>>) offsets(%dma_start3A_1177 : memref<40xi32, #tpu.memory_space<vmem>>) semaphore(%arg22 : memref<!tpu.dma_semaphore, #tpu.memory_space<semaphore_mem>>) {add = true}
      %dma_start3A_1181 = arith.constant 4 : i32
      %dma_start3A_1182 = arith.constant 0 : i32
      %dma_start3A_1183 = tpu.memref_slice %arg8[%select_n3A_679, %dma_start3A_1181, %dma_start3A_1182] : memref<3x5x40xi32, #tpu.memory_space<vmem>> -> memref<1x1x40xi32, #tpu.memory_space<vmem>>
      %dma_start3A_1184 = tpu.memref_squeeze %dma_start3A_1183 : memref<1x1x40xi32, #tpu.memory_space<vmem>> -> memref<40xi32, #tpu.memory_space<vmem>>
      %dma_start3A_1185 = arith.constant 0 : i32
      %dma_start3A_1186 = tpu.memref_slice %arg24[%dma_start3A_1185] : memref<10240xf32, #tpu.memory_space<vmem_shared>> -> memref<10240xf32, #tpu.memory_space<vmem_shared>>
      tpu.enqueue_indirect_dma source(%arg10 : memref<40xf32, #tpu.memory_space<vmem>>) target(%dma_start3A_1186 : memref<10240xf32, #tpu.memory_space<vmem_shared>>) offsets(%dma_start3A_1184 : memref<40xi32, #tpu.memory_space<vmem>>) semaphore(%arg22 : memref<!tpu.dma_semaphore, #tpu.memory_space<semaphore_mem>>) {add = true}
      %scan3A_1187 = arith.constant 0 : i32
      scf.yield %scan3A_1187 : i32
    }
    %scan3A_569 = arith.constant 50 : i32
    %dma_wait3A_570 = arith.constant 0 : i32
    %dma_wait3A_571 = arith.constant 0 : i32
    %dma_wait3A_572 = arith.constant 0 : i32
    %dma_wait3A_573 = tpu.memref_slice %arg9[%dma_wait3A_570, %dma_wait3A_571, %dma_wait3A_572] : memref<5x40x128xf32, #tpu.memory_space<vmem>> -> memref<1x40x128xf32, #tpu.memory_space<vmem>>
    %dma_wait3A_574 = tpu.memref_squeeze %dma_wait3A_573 : memref<1x40x128xf32, #tpu.memory_space<vmem>> -> memref<40x128xf32, #tpu.memory_space<vmem>>
    %dma_wait3A_575 = arith.constant 0 : i32
    %dma_wait3A_576 = arith.constant 0 : i32
    %dma_wait3A_577 = tpu.memref_slice %arg2[%dma_wait3A_575, %dma_wait3A_576] : memref<10000x128xf32, #tpu.memory_space<hbm>> -> memref<40x128xf32, #tpu.memory_space<hbm>>
    %dma_wait3A_578 = arith.constant 0 : i32
    %dma_wait3A_579 = arith.constant 0 : i32
    %dma_wait3A_580 = tpu.memref_slice %arg9[%dma_wait3A_570, %dma_wait3A_578, %dma_wait3A_579] : memref<5x40x128xf32, #tpu.memory_space<vmem>> -> memref<1x40x128xf32, #tpu.memory_space<vmem>>
    %dma_wait3A_581 = tpu.memref_squeeze %dma_wait3A_580 : memref<1x40x128xf32, #tpu.memory_space<vmem>> -> memref<40x128xf32, #tpu.memory_space<vmem>>
    %dma_wait3A_582 = arith.constant 0 : i32
    %dma_wait3A_583 = arith.constant 0 : i32
    %dma_wait3A_584 = tpu.memref_slice %arg2[%dma_wait3A_582, %dma_wait3A_583] : memref<10000x128xf32, #tpu.memory_space<hbm>> -> memref<40x128xf32, #tpu.memory_space<hbm>>
    tpu.wait_dma2 semaphore(%arg18 : memref<!tpu.dma_semaphore, #tpu.memory_space<semaphore_mem>>) src(%dma_wait3A_584 : memref<40x128xf32, #tpu.memory_space<hbm>>) dst(%dma_wait3A_581 : memref<40x128xf32, #tpu.memory_space<vmem>>)
    %dma_wait3A_585 = arith.constant 0 : i32
    %dma_wait3A_586 = tpu.memref_slice %arg6[%dma_wait3A_585] : memref<20480xf32, #tpu.memory_space<hbm>> -> memref<40xf32, #tpu.memory_space<hbm>>
    %dma_wait3A_587 = arith.constant 0 : i32
    %dma_wait3A_588 = tpu.memref_slice %arg6[%dma_wait3A_587] : memref<20480xf32, #tpu.memory_space<hbm>> -> memref<40xf32, #tpu.memory_space<hbm>>
    tpu.wait_dma2 semaphore(%arg18 : memref<!tpu.dma_semaphore, #tpu.memory_space<semaphore_mem>>) src(%dma_wait3A_588 : memref<40xf32, #tpu.memory_space<hbm>>) dst(%arg10 : memref<40xf32, #tpu.memory_space<vmem>>)
    %dma_wait3A_589 = arith.constant 1 : i32
    %dma_wait3A_590 = arith.constant 0 : i32
    %dma_wait3A_591 = arith.constant 0 : i32
    %dma_wait3A_592 = tpu.memref_slice %arg9[%dma_wait3A_589, %dma_wait3A_590, %dma_wait3A_591] : memref<5x40x128xf32, #tpu.memory_space<vmem>> -> memref<1x40x128xf32, #tpu.memory_space<vmem>>
    %dma_wait3A_593 = tpu.memref_squeeze %dma_wait3A_592 : memref<1x40x128xf32, #tpu.memory_space<vmem>> -> memref<40x128xf32, #tpu.memory_space<vmem>>
    %dma_wait3A_594 = arith.constant 0 : i32
    %dma_wait3A_595 = arith.constant 0 : i32
    %dma_wait3A_596 = tpu.memref_slice %arg2[%dma_wait3A_594, %dma_wait3A_595] : memref<10000x128xf32, #tpu.memory_space<hbm>> -> memref<40x128xf32, #tpu.memory_space<hbm>>
    %dma_wait3A_597 = arith.constant 0 : i32
    %dma_wait3A_598 = arith.constant 0 : i32
    %dma_wait3A_599 = tpu.memref_slice %arg9[%dma_wait3A_589, %dma_wait3A_597, %dma_wait3A_598] : memref<5x40x128xf32, #tpu.memory_space<vmem>> -> memref<1x40x128xf32, #tpu.memory_space<vmem>>
    %dma_wait3A_600 = tpu.memref_squeeze %dma_wait3A_599 : memref<1x40x128xf32, #tpu.memory_space<vmem>> -> memref<40x128xf32, #tpu.memory_space<vmem>>
    %dma_wait3A_601 = arith.constant 0 : i32
    %dma_wait3A_602 = arith.constant 0 : i32
    %dma_wait3A_603 = tpu.memref_slice %arg2[%dma_wait3A_601, %dma_wait3A_602] : memref<10000x128xf32, #tpu.memory_space<hbm>> -> memref<40x128xf32, #tpu.memory_space<hbm>>
    tpu.wait_dma2 semaphore(%arg19 : memref<!tpu.dma_semaphore, #tpu.memory_space<semaphore_mem>>) src(%dma_wait3A_603 : memref<40x128xf32, #tpu.memory_space<hbm>>) dst(%dma_wait3A_600 : memref<40x128xf32, #tpu.memory_space<vmem>>)
    %dma_wait3A_604 = arith.constant 0 : i32
    %dma_wait3A_605 = tpu.memref_slice %arg6[%dma_wait3A_604] : memref<20480xf32, #tpu.memory_space<hbm>> -> memref<40xf32, #tpu.memory_space<hbm>>
    %dma_wait3A_606 = arith.constant 0 : i32
    %dma_wait3A_607 = tpu.memref_slice %arg6[%dma_wait3A_606] : memref<20480xf32, #tpu.memory_space<hbm>> -> memref<40xf32, #tpu.memory_space<hbm>>
    tpu.wait_dma2 semaphore(%arg19 : memref<!tpu.dma_semaphore, #tpu.memory_space<semaphore_mem>>) src(%dma_wait3A_607 : memref<40xf32, #tpu.memory_space<hbm>>) dst(%arg10 : memref<40xf32, #tpu.memory_space<vmem>>)
    %dma_wait3A_608 = arith.constant 2 : i32
    %dma_wait3A_609 = arith.constant 0 : i32
    %dma_wait3A_610 = arith.constant 0 : i32
    %dma_wait3A_611 = tpu.memref_slice %arg9[%dma_wait3A_608, %dma_wait3A_609, %dma_wait3A_610] : memref<5x40x128xf32, #tpu.memory_space<vmem>> -> memref<1x40x128xf32, #tpu.memory_space<vmem>>
    %dma_wait3A_612 = tpu.memref_squeeze %dma_wait3A_611 : memref<1x40x128xf32, #tpu.memory_space<vmem>> -> memref<40x128xf32, #tpu.memory_space<vmem>>
    %dma_wait3A_613 = arith.constant 0 : i32
    %dma_wait3A_614 = arith.constant 0 : i32
    %dma_wait3A_615 = tpu.memref_slice %arg2[%dma_wait3A_613, %dma_wait3A_614] : memref<10000x128xf32, #tpu.memory_space<hbm>> -> memref<40x128xf32, #tpu.memory_space<hbm>>
    %dma_wait3A_616 = arith.constant 0 : i32
    %dma_wait3A_617 = arith.constant 0 : i32
    %dma_wait3A_618 = tpu.memref_slice %arg9[%dma_wait3A_608, %dma_wait3A_616, %dma_wait3A_617] : memref<5x40x128xf32, #tpu.memory_space<vmem>> -> memref<1x40x128xf32, #tpu.memory_space<vmem>>
    %dma_wait3A_619 = tpu.memref_squeeze %dma_wait3A_618 : memref<1x40x128xf32, #tpu.memory_space<vmem>> -> memref<40x128xf32, #tpu.memory_space<vmem>>
    %dma_wait3A_620 = arith.constant 0 : i32
    %dma_wait3A_621 = arith.constant 0 : i32
    %dma_wait3A_622 = tpu.memref_slice %arg2[%dma_wait3A_620, %dma_wait3A_621] : memref<10000x128xf32, #tpu.memory_space<hbm>> -> memref<40x128xf32, #tpu.memory_space<hbm>>
    tpu.wait_dma2 semaphore(%arg20 : memref<!tpu.dma_semaphore, #tpu.memory_space<semaphore_mem>>) src(%dma_wait3A_622 : memref<40x128xf32, #tpu.memory_space<hbm>>) dst(%dma_wait3A_619 : memref<40x128xf32, #tpu.memory_space<vmem>>)
    %dma_wait3A_623 = arith.constant 0 : i32
    %dma_wait3A_624 = tpu.memref_slice %arg6[%dma_wait3A_623] : memref<20480xf32, #tpu.memory_space<hbm>> -> memref<40xf32, #tpu.memory_space<hbm>>
    %dma_wait3A_625 = arith.constant 0 : i32
    %dma_wait3A_626 = tpu.memref_slice %arg6[%dma_wait3A_625] : memref<20480xf32, #tpu.memory_space<hbm>> -> memref<40xf32, #tpu.memory_space<hbm>>
    tpu.wait_dma2 semaphore(%arg20 : memref<!tpu.dma_semaphore, #tpu.memory_space<semaphore_mem>>) src(%dma_wait3A_626 : memref<40xf32, #tpu.memory_space<hbm>>) dst(%arg10 : memref<40xf32, #tpu.memory_space<vmem>>)
    %dma_wait3A_627 = arith.constant 3 : i32
    %dma_wait3A_628 = arith.constant 0 : i32
    %dma_wait3A_629 = arith.constant 0 : i32
    %dma_wait3A_630 = tpu.memref_slice %arg9[%dma_wait3A_627, %dma_wait3A_628, %dma_wait3A_629] : memref<5x40x128xf32, #tpu.memory_space<vmem>> -> memref<1x40x128xf32, #tpu.memory_space<vmem>>
    %dma_wait3A_631 = tpu.memref_squeeze %dma_wait3A_630 : memref<1x40x128xf32, #tpu.memory_space<vmem>> -> memref<40x128xf32, #tpu.memory_space<vmem>>
    %dma_wait3A_632 = arith.constant 0 : i32
    %dma_wait3A_633 = arith.constant 0 : i32
    %dma_wait3A_634 = tpu.memref_slice %arg2[%dma_wait3A_632, %dma_wait3A_633] : memref<10000x128xf32, #tpu.memory_space<hbm>> -> memref<40x128xf32, #tpu.memory_space<hbm>>
    %dma_wait3A_635 = arith.constant 0 : i32
    %dma_wait3A_636 = arith.constant 0 : i32
    %dma_wait3A_637 = tpu.memref_slice %arg9[%dma_wait3A_627, %dma_wait3A_635, %dma_wait3A_636] : memref<5x40x128xf32, #tpu.memory_space<vmem>> -> memref<1x40x128xf32, #tpu.memory_space<vmem>>
    %dma_wait3A_638 = tpu.memref_squeeze %dma_wait3A_637 : memref<1x40x128xf32, #tpu.memory_space<vmem>> -> memref<40x128xf32, #tpu.memory_space<vmem>>
    %dma_wait3A_639 = arith.constant 0 : i32
    %dma_wait3A_640 = arith.constant 0 : i32
    %dma_wait3A_641 = tpu.memref_slice %arg2[%dma_wait3A_639, %dma_wait3A_640] : memref<10000x128xf32, #tpu.memory_space<hbm>> -> memref<40x128xf32, #tpu.memory_space<hbm>>
    tpu.wait_dma2 semaphore(%arg21 : memref<!tpu.dma_semaphore, #tpu.memory_space<semaphore_mem>>) src(%dma_wait3A_641 : memref<40x128xf32, #tpu.memory_space<hbm>>) dst(%dma_wait3A_638 : memref<40x128xf32, #tpu.memory_space<vmem>>)
    %dma_wait3A_642 = arith.constant 0 : i32
    %dma_wait3A_643 = tpu.memref_slice %arg6[%dma_wait3A_642] : memref<20480xf32, #tpu.memory_space<hbm>> -> memref<40xf32, #tpu.memory_space<hbm>>
    %dma_wait3A_644 = arith.constant 0 : i32
    %dma_wait3A_645 = tpu.memref_slice %arg6[%dma_wait3A_644] : memref<20480xf32, #tpu.memory_space<hbm>> -> memref<40xf32, #tpu.memory_space<hbm>>
    tpu.wait_dma2 semaphore(%arg21 : memref<!tpu.dma_semaphore, #tpu.memory_space<semaphore_mem>>) src(%dma_wait3A_645 : memref<40xf32, #tpu.memory_space<hbm>>) dst(%arg10 : memref<40xf32, #tpu.memory_space<vmem>>)
    %dma_wait3A_646 = arith.constant 4 : i32
    %dma_wait3A_647 = arith.constant 0 : i32
    %dma_wait3A_648 = arith.constant 0 : i32
    %dma_wait3A_649 = tpu.memref_slice %arg9[%dma_wait3A_646, %dma_wait3A_647, %dma_wait3A_648] : memref<5x40x128xf32, #tpu.memory_space<vmem>> -> memref<1x40x128xf32, #tpu.memory_space<vmem>>
    %dma_wait3A_650 = tpu.memref_squeeze %dma_wait3A_649 : memref<1x40x128xf32, #tpu.memory_space<vmem>> -> memref<40x128xf32, #tpu.memory_space<vmem>>
    %dma_wait3A_651 = arith.constant 0 : i32
    %dma_wait3A_652 = arith.constant 0 : i32
    %dma_wait3A_653 = tpu.memref_slice %arg2[%dma_wait3A_651, %dma_wait3A_652] : memref<10000x128xf32, #tpu.memory_space<hbm>> -> memref<40x128xf32, #tpu.memory_space<hbm>>
    %dma_wait3A_654 = arith.constant 0 : i32
    %dma_wait3A_655 = arith.constant 0 : i32
    %dma_wait3A_656 = tpu.memref_slice %arg9[%dma_wait3A_646, %dma_wait3A_654, %dma_wait3A_655] : memref<5x40x128xf32, #tpu.memory_space<vmem>> -> memref<1x40x128xf32, #tpu.memory_space<vmem>>
    %dma_wait3A_657 = tpu.memref_squeeze %dma_wait3A_656 : memref<1x40x128xf32, #tpu.memory_space<vmem>> -> memref<40x128xf32, #tpu.memory_space<vmem>>
    %dma_wait3A_658 = arith.constant 0 : i32
    %dma_wait3A_659 = arith.constant 0 : i32
    %dma_wait3A_660 = tpu.memref_slice %arg2[%dma_wait3A_658, %dma_wait3A_659] : memref<10000x128xf32, #tpu.memory_space<hbm>> -> memref<40x128xf32, #tpu.memory_space<hbm>>
    tpu.wait_dma2 semaphore(%arg22 : memref<!tpu.dma_semaphore, #tpu.memory_space<semaphore_mem>>) src(%dma_wait3A_660 : memref<40x128xf32, #tpu.memory_space<hbm>>) dst(%dma_wait3A_657 : memref<40x128xf32, #tpu.memory_space<vmem>>)
    %dma_wait3A_661 = arith.constant 0 : i32
    %dma_wait3A_662 = tpu.memref_slice %arg6[%dma_wait3A_661] : memref<20480xf32, #tpu.memory_space<hbm>> -> memref<40xf32, #tpu.memory_space<hbm>>
    %dma_wait3A_663 = arith.constant 0 : i32
    %dma_wait3A_664 = tpu.memref_slice %arg6[%dma_wait3A_663] : memref<20480xf32, #tpu.memory_space<hbm>> -> memref<40xf32, #tpu.memory_space<hbm>>
    tpu.wait_dma2 semaphore(%arg22 : memref<!tpu.dma_semaphore, #tpu.memory_space<semaphore_mem>>) src(%dma_wait3A_664 : memref<40xf32, #tpu.memory_space<hbm>>) dst(%arg10 : memref<40xf32, #tpu.memory_space<vmem>>)
    %barrier3A_665 = arith.constant 0 : index
    tpu.barrier barrier_id(%barrier3A_665)
    "tpu.region"() ({
      %run_scoped3A = tpu.sem_alloc : memref<!tpu.dma_semaphore, #tpu.memory_space<semaphore_mem>>
      %dma_start3A_669 = arith.constant 0 : i32
      %dma_start3A_670 = tpu.memref_slice %arg5[%arg0, %mul3A_22, %dma_start3A_669] : memref<2x10240x128xf32, #tpu.memory_space<hbm>> -> memref<1x640x128xf32, #tpu.memory_space<hbm>>
      %dma_start3A_671 = tpu.memref_squeeze %dma_start3A_670 : memref<1x640x128xf32, #tpu.memory_space<hbm>> -> memref<640x128xf32, #tpu.memory_space<hbm>>
      %dma_start3A_672 = arith.constant 0 : i32
      %dma_start3A_673 = tpu.memref_slice %arg23[%mul3A_22, %dma_start3A_672] : memref<10240x128xf32, #tpu.memory_space<vmem_shared>> -> memref<640x128xf32, #tpu.memory_space<vmem_shared>>
      tpu.enqueue_dma source(%dma_start3A_673 : memref<640x128xf32, #tpu.memory_space<vmem_shared>>) target(%dma_start3A_671 : memref<640x128xf32, #tpu.memory_space<hbm>>) target_semaphore(%run_scoped3A : memref<!tpu.dma_semaphore, #tpu.memory_space<semaphore_mem>>)
      %dma_wait3A_674 = arith.constant 0 : i32
      %dma_wait3A_675 = tpu.memref_slice %arg5[%arg0, %mul3A_22, %dma_wait3A_674] : memref<2x10240x128xf32, #tpu.memory_space<hbm>> -> memref<1x640x128xf32, #tpu.memory_space<hbm>>
      %dma_wait3A_676 = tpu.memref_squeeze %dma_wait3A_675 : memref<1x640x128xf32, #tpu.memory_space<hbm>> -> memref<640x128xf32, #tpu.memory_space<hbm>>
      %dma_wait3A_677 = arith.constant 0 : i32
      %dma_wait3A_678 = tpu.memref_slice %arg23[%mul3A_22, %dma_wait3A_677] : memref<10240x128xf32, #tpu.memory_space<vmem_shared>> -> memref<640x128xf32, #tpu.memory_space<vmem_shared>>
      tpu.wait_dma2 semaphore(%run_scoped3A : memref<!tpu.dma_semaphore, #tpu.memory_space<semaphore_mem>>) src(%dma_wait3A_678 : memref<640x128xf32, #tpu.memory_space<vmem_shared>>) dst(%dma_wait3A_676 : memref<640x128xf32, #tpu.memory_space<hbm>>)
      tpu.yield
    }) : () -> ()
    %mul3A_666 = arith.constant 10240 : i32
    %mul3A_667 = arith.muli %arg0, %mul3A_666 : i32
    %add3A_668 = arith.addi %mul3A_667, %mul3A_22 : i32
    "tpu.region"() ({
      %run_scoped3A = tpu.sem_alloc : memref<!tpu.dma_semaphore, #tpu.memory_space<semaphore_mem>>
      %dma_start3A_669 = tpu.memref_slice %arg6[%add3A_668] : memref<20480xf32, #tpu.memory_space<hbm>> -> memref<640xf32, #tpu.memory_space<hbm>>
      %dma_start3A_670 = tpu.memref_slice %arg24[%mul3A_22] : memref<10240xf32, #tpu.memory_space<vmem_shared>> -> memref<640xf32, #tpu.memory_space<vmem_shared>>
      tpu.enqueue_dma source(%dma_start3A_670 : memref<640xf32, #tpu.memory_space<vmem_shared>>) target(%dma_start3A_669 : memref<640xf32, #tpu.memory_space<hbm>>) target_semaphore(%run_scoped3A : memref<!tpu.dma_semaphore, #tpu.memory_space<semaphore_mem>>)
      %dma_wait3A_671 = tpu.memref_slice %arg6[%add3A_668] : memref<20480xf32, #tpu.memory_space<hbm>> -> memref<640xf32, #tpu.memory_space<hbm>>
      %dma_wait3A_672 = tpu.memref_slice %arg24[%mul3A_22] : memref<10240xf32, #tpu.memory_space<vmem_shared>> -> memref<640xf32, #tpu.memory_space<vmem_shared>>
      tpu.wait_dma2 semaphore(%run_scoped3A : memref<!tpu.dma_semaphore, #tpu.memory_space<semaphore_mem>>) src(%dma_wait3A_672 : memref<640xf32, #tpu.memory_space<vmem_shared>>) dst(%dma_wait3A_671 : memref<640xf32, #tpu.memory_space<hbm>>)
      tpu.yield
    }) : () -> ()
    return
  }
}

module attributes {stable_mosaic.version = 14 : i64} {
  func.func @_stage1_body(%arg0: i32, %arg1: memref<1000x128xf32, #tpu.memory_space<vmem>>, %arg2: memref<128x128xf32, #tpu.memory_space<vmem>>, %arg3: memref<1x128xf32, #tpu.memory_space<vmem>>, %arg4: memref<2x320000xi32, #tpu.memory_space<vmem>>, %arg5: memref<1000x128xf32, #tpu.memory_space<vmem>>, %arg6: memref<320000xi32, #tpu.memory_space<vmem>>, %arg7: memref<320000xi32, #tpu.memory_space<vmem>>) attributes {dimension_semantics = [#tpu.dimension_semantics<arbitrary>], iteration_bounds = array<i64: 10>, scalar_prefetch = 0 : i64, scratch_operands = 0 : i64, tpu.core_type = #tpu.core_type<tc>, window_params = [{transform_indices = @transform_0, window_bounds = array<i64: 1000, 128>}, {pipeline_mode = #tpu.pipeline_mode<synchronous>, transform_indices = @transform_1, window_bounds = array<i64: 128, 128>}, {pipeline_mode = #tpu.pipeline_mode<synchronous>, transform_indices = @transform_2, window_bounds = array<i64: 1, 128>}, {pipeline_mode = #tpu.pipeline_mode<synchronous>, transform_indices = @transform_3, window_bounds = array<i64: 2, 320000>}, {transform_indices = @transform_4, window_bounds = array<i64: 1000, 128>}, {pipeline_mode = #tpu.pipeline_mode<synchronous>, transform_indices = @transform_5, window_bounds = array<i64: 320000>}, {pipeline_mode = #tpu.pipeline_mode<synchronous>, transform_indices = @transform_6, window_bounds = array<i64: 320000>}]} {
    %get3A = arith.constant 0 : index
    %get3A_0 = arith.constant 0 : index
    %get3A_1 = vector.load %arg1[%get3A, %get3A_0] : memref<1000x128xf32, #tpu.memory_space<vmem>>, vector<1000x128xf32>
    %get3A_2 = arith.constant 0 : index
    %get3A_3 = arith.constant 0 : index
    %get3A_4 = vector.load %arg2[%get3A_2, %get3A_3] : memref<128x128xf32, #tpu.memory_space<vmem>>, vector<128x128xf32>
    %get3A_5 = arith.constant 0 : index
    %get3A_6 = arith.constant 0 : index
    %get3A_7 = vector.load %arg3[%get3A_5, %get3A_6] : memref<1x128xf32, #tpu.memory_space<vmem>>, vector<1x128xf32>
    %sqrt3A = arith.constant 1.000000e+00 : f32
    %sqrt3A_8 = math.sqrt %sqrt3A : f32
    %mul3A = arith.mulf %get3A_7, %get3A_7 : vector<1x128xf32>
    %reduce_sum3A = arith.constant dense<0.000000e+00> : vector<1xf32>
    %reduce_sum3A_9 = vector.multi_reduction <add>, %mul3A, %reduce_sum3A [1] : vector<1x128xf32> to vector<1xf32>
    %broadcast_in_dim3A = vector.shape_cast %reduce_sum3A_9 : vector<1xf32> to vector<1x1xf32>
    %sqrt3A_10 = math.sqrt %broadcast_in_dim3A : vector<1x1xf32>
    %max3A = arith.constant 1.000000e-15 : f32
    %max3A_11 = vector.broadcast %max3A : f32 to vector<1x1xf32>
    %max3A_12 = arith.maximumf %sqrt3A_10, %max3A_11 : vector<1x1xf32>
    %mul3A_13 = vector.broadcast %sqrt3A_8 : f32 to vector<1x1xf32>
    %mul3A_14 = arith.mulf %mul3A_13, %max3A_12 : vector<1x1xf32>
    %tanh3A = math.tanh %mul3A_14 : vector<1x1xf32>
    %mul3A_15 = vector.broadcast %tanh3A : vector<1x1xf32> to vector<1x128xf32>
    %mul3A_16 = arith.mulf %mul3A_15, %get3A_7 : vector<1x128xf32>
    %mul3A_17 = vector.broadcast %sqrt3A_8 : f32 to vector<1x1xf32>
    %mul3A_18 = arith.mulf %mul3A_17, %max3A_12 : vector<1x1xf32>
    %div3A = vector.broadcast %mul3A_18 : vector<1x1xf32> to vector<1x128xf32>
    %div3A_19 = arith.divf %mul3A_16, %div3A : vector<1x128xf32>
    %mul3A_20 = arith.mulf %div3A_19, %div3A_19 : vector<1x128xf32>
    %reduce_sum3A_21 = arith.constant dense<0.000000e+00> : vector<1xf32>
    %reduce_sum3A_22 = vector.multi_reduction <add>, %mul3A_20, %reduce_sum3A_21 [1] : vector<1x128xf32> to vector<1xf32>
    %broadcast_in_dim3A_23 = vector.shape_cast %reduce_sum3A_22 : vector<1xf32> to vector<1x1xf32>
    %sqrt3A_24 = math.sqrt %broadcast_in_dim3A_23 : vector<1x1xf32>
    %max3A_25 = arith.constant 1.000000e-15 : f32
    %max3A_26 = vector.broadcast %max3A_25 : f32 to vector<1x1xf32>
    %max3A_27 = arith.maximumf %sqrt3A_24, %max3A_26 : vector<1x1xf32>
    %sqrt3A_28 = arith.constant 1.000000e+00 : f32
    %sqrt3A_29 = math.sqrt %sqrt3A_28 : f32
    %div3A_30 = arith.constant 0.995999991 : f32
    %div3A_31 = arith.divf %div3A_30, %sqrt3A_29 : f32
    %gt3A = vector.broadcast %div3A_31 : f32 to vector<1x1xf32>
    %gt3A_32 = arith.cmpf ogt, %max3A_27, %gt3A : vector<1x1xf32>
    %div3A_33 = vector.broadcast %max3A_27 : vector<1x1xf32> to vector<1x128xf32>
    %div3A_34 = arith.divf %div3A_19, %div3A_33 : vector<1x128xf32>
    %mul3A_35 = vector.broadcast %div3A_31 : f32 to vector<1x128xf32>
    %mul3A_36 = arith.mulf %div3A_34, %mul3A_35 : vector<1x128xf32>
    %broadcast_in_dim3A_37 = vector.shape_cast %gt3A_32 : vector<1x1xi1> to vector<1x1xi1>
    %broadcast_in_dim3A_38 = vector.broadcast %broadcast_in_dim3A_37 : vector<1x1xi1> to vector<1x128xi1>
    %select_n3A = arith.select %broadcast_in_dim3A_38, %mul3A_36, %div3A_19 : vector<1x128xi1>, vector<1x128xf32>
    %mul3A_39 = arith.mulf %get3A_1, %get3A_1 : vector<1000x128xf32>
    %reduce_sum3A_40 = arith.constant dense<0.000000e+00> : vector<1000xf32>
    %reduce_sum3A_41 = vector.multi_reduction <add>, %mul3A_39, %reduce_sum3A_40 [1] : vector<1000x128xf32> to vector<1000xf32>
    %broadcast_in_dim3A_42 = vector.shape_cast %reduce_sum3A_41 : vector<1000xf32> to vector<1000x1xf32>
    %sqrt3A_43 = math.sqrt %broadcast_in_dim3A_42 : vector<1000x1xf32>
    %max3A_44 = arith.constant 1.000000e-15 : f32
    %max3A_45 = vector.broadcast %max3A_44 : f32 to vector<1000x1xf32>
    %max3A_46 = arith.maximumf %sqrt3A_43, %max3A_45 : vector<1000x1xf32>
    %dot_general3A = arith.constant dense<0.000000e+00> : vector<1000x128xf32>
    %dot_general3A_47 = tpu.matmul %get3A_1, %get3A_4, %dot_general3A {dimension_numbers = #tpu.dot_dimension_numbers<[1], [1], [0], [0], [0, 0, 1, 0], [], []>, transpose_lhs_hint = false} : vector<1000x128xf32>, vector<128x128xf32>, vector<1000x128xf32> -> vector<1000x128xf32>
    %mul3A_48 = arith.mulf %dot_general3A_47, %dot_general3A_47 : vector<1000x128xf32>
    %reduce_sum3A_49 = arith.constant dense<0.000000e+00> : vector<1000xf32>
    %reduce_sum3A_50 = vector.multi_reduction <add>, %mul3A_48, %reduce_sum3A_49 [1] : vector<1000x128xf32> to vector<1000xf32>
    %broadcast_in_dim3A_51 = vector.shape_cast %reduce_sum3A_50 : vector<1000xf32> to vector<1000x1xf32>
    %sqrt3A_52 = math.sqrt %broadcast_in_dim3A_51 : vector<1000x1xf32>
    %max3A_53 = arith.constant 1.000000e-15 : f32
    %max3A_54 = vector.broadcast %max3A_53 : f32 to vector<1000x1xf32>
    %max3A_55 = arith.maximumf %sqrt3A_52, %max3A_54 : vector<1000x1xf32>
    %div3A_56 = arith.divf %max3A_55, %max3A_46 : vector<1000x1xf32>
    %jit3A = arith.constant -0.99999988 : f32
    %jit3A_57 = arith.constant 0.99999988 : f32
    %max3A_58 = vector.broadcast %jit3A : f32 to vector<1000x1xf32>
    %max3A_59 = arith.maximumf %max3A_58, %max3A_46 : vector<1000x1xf32>
    %min3A = vector.broadcast %jit3A_57 : f32 to vector<1000x1xf32>
    %min3A_60 = arith.minimumf %min3A, %max3A_59 : vector<1000x1xf32>
    %log1p3A = math.log1p %min3A_60 : vector<1000x1xf32>
    %neg3A = arith.constant 0.000000e+00 : f32
    %neg3A_61 = vector.broadcast %neg3A : f32 to vector<1000x1xf32>
    %neg3A_62 = arith.subf %neg3A_61, %min3A_60 : vector<1000x1xf32>
    %log1p3A_63 = math.log1p %neg3A_62 : vector<1000x1xf32>
    %sub3A = arith.subf %log1p3A, %log1p3A_63 : vector<1000x1xf32>
    %mul3A_64 = arith.constant 5.000000e-01 : f32
    %mul3A_65 = vector.broadcast %mul3A_64 : f32 to vector<1000x1xf32>
    %mul3A_66 = arith.mulf %mul3A_65, %sub3A : vector<1000x1xf32>
    %mul3A_67 = arith.mulf %div3A_56, %mul3A_66 : vector<1000x1xf32>
    %tanh3A_68 = math.tanh %mul3A_67 : vector<1000x1xf32>
    %mul3A_69 = vector.broadcast %tanh3A_68 : vector<1000x1xf32> to vector<1000x128xf32>
    %mul3A_70 = arith.mulf %mul3A_69, %dot_general3A_47 : vector<1000x128xf32>
    %div3A_71 = vector.broadcast %max3A_55 : vector<1000x1xf32> to vector<1000x128xf32>
    %div3A_72 = arith.divf %mul3A_70, %div3A_71 : vector<1000x128xf32>
    %eq3A = arith.constant 0.000000e+00 : f32
    %eq3A_73 = vector.broadcast %eq3A : f32 to vector<1000x128xf32>
    %eq3A_74 = arith.cmpf oeq, %dot_general3A_47, %eq3A_73 : vector<1000x128xf32>
    %reduce_and3A = arith.constant 1.000000e+00 : f32
    %reduce_and3A_75 = arith.constant 0.000000e+00 : f32
    %reduce_and3A_76 = vector.broadcast %reduce_and3A : f32 to vector<1000x128xf32>
    %reduce_and3A_77 = vector.broadcast %reduce_and3A_75 : f32 to vector<1000x128xf32>
    %reduce_and3A_78 = arith.select %eq3A_74, %reduce_and3A_76, %reduce_and3A_77 : vector<1000x128xi1>, vector<1000x128xf32>
    %reduce_and3A_79 = arith.constant dense<0x7F800000> : vector<1000xf32>
    %reduce_and3A_80 = vector.multi_reduction <minimumf>, %reduce_and3A_78, %reduce_and3A_79 [1] : vector<1000x128xf32> to vector<1000xf32>
    %reduce_and3A_81 = arith.constant 0.000000e+00 : f32
    %reduce_and3A_82 = vector.broadcast %reduce_and3A_81 : f32 to vector<1000xf32>
    %reduce_and3A_83 = arith.cmpf ogt, %reduce_and3A_80, %reduce_and3A_82 : vector<1000xf32>
    %broadcast_in_dim3A_84 = vector.shape_cast %reduce_and3A_83 : vector<1000xi1> to vector<1000x1xi1>
    %broadcast_in_dim3A_85 = arith.constant 0.000000e+00 : f32
    %broadcast_in_dim3A_86 = vector.broadcast %broadcast_in_dim3A_85 : f32 to vector<1000x128xf32>
    %broadcast_in_dim3A_87 = vector.shape_cast %broadcast_in_dim3A_84 : vector<1000x1xi1> to vector<1000x1xi1>
    %broadcast_in_dim3A_88 = vector.broadcast %broadcast_in_dim3A_87 : vector<1000x1xi1> to vector<1000x128xi1>
    %select_n3A_89 = arith.select %broadcast_in_dim3A_88, %broadcast_in_dim3A_86, %div3A_72 : vector<1000x128xi1>, vector<1000x128xf32>
    %mul3A_90 = arith.mulf %select_n3A_89, %select_n3A_89 : vector<1000x128xf32>
    %reduce_sum3A_91 = arith.constant dense<0.000000e+00> : vector<1000xf32>
    %reduce_sum3A_92 = vector.multi_reduction <add>, %mul3A_90, %reduce_sum3A_91 [1] : vector<1000x128xf32> to vector<1000xf32>
    %broadcast_in_dim3A_93 = vector.shape_cast %reduce_sum3A_92 : vector<1000xf32> to vector<1000x1xf32>
    %sqrt3A_94 = math.sqrt %broadcast_in_dim3A_93 : vector<1000x1xf32>
    %max3A_95 = arith.constant 1.000000e-15 : f32
    %max3A_96 = vector.broadcast %max3A_95 : f32 to vector<1000x1xf32>
    %max3A_97 = arith.maximumf %sqrt3A_94, %max3A_96 : vector<1000x1xf32>
    %sqrt3A_98 = arith.constant 1.000000e+00 : f32
    %sqrt3A_99 = math.sqrt %sqrt3A_98 : f32
    %div3A_100 = arith.constant 0.995999991 : f32
    %div3A_101 = arith.divf %div3A_100, %sqrt3A_99 : f32
    %gt3A_102 = vector.broadcast %div3A_101 : f32 to vector<1000x1xf32>
    %gt3A_103 = arith.cmpf ogt, %max3A_97, %gt3A_102 : vector<1000x1xf32>
    %div3A_104 = vector.broadcast %max3A_97 : vector<1000x1xf32> to vector<1000x128xf32>
    %div3A_105 = arith.divf %select_n3A_89, %div3A_104 : vector<1000x128xf32>
    %mul3A_106 = vector.broadcast %div3A_101 : f32 to vector<1000x128xf32>
    %mul3A_107 = arith.mulf %div3A_105, %mul3A_106 : vector<1000x128xf32>
    %broadcast_in_dim3A_108 = vector.shape_cast %gt3A_103 : vector<1000x1xi1> to vector<1000x1xi1>
    %broadcast_in_dim3A_109 = vector.broadcast %broadcast_in_dim3A_108 : vector<1000x1xi1> to vector<1000x128xi1>
    %select_n3A_110 = arith.select %broadcast_in_dim3A_109, %mul3A_107, %select_n3A_89 : vector<1000x128xi1>, vector<1000x128xf32>
    %mul3A_111 = arith.mulf %select_n3A_110, %select_n3A_110 : vector<1000x128xf32>
    %reduce_sum3A_112 = arith.constant dense<0.000000e+00> : vector<1000xf32>
    %reduce_sum3A_113 = vector.multi_reduction <add>, %mul3A_111, %reduce_sum3A_112 [1] : vector<1000x128xf32> to vector<1000xf32>
    %broadcast_in_dim3A_114 = vector.shape_cast %reduce_sum3A_113 : vector<1000xf32> to vector<1000x1xf32>
    %mul3A_115 = arith.mulf %select_n3A, %select_n3A : vector<1x128xf32>
    %reduce_sum3A_116 = arith.constant dense<0.000000e+00> : vector<1xf32>
    %reduce_sum3A_117 = vector.multi_reduction <add>, %mul3A_115, %reduce_sum3A_116 [1] : vector<1x128xf32> to vector<1xf32>
    %broadcast_in_dim3A_118 = vector.shape_cast %reduce_sum3A_117 : vector<1xf32> to vector<1x1xf32>
    %mul3A_119 = vector.broadcast %select_n3A : vector<1x128xf32> to vector<1000x128xf32>
    %mul3A_120 = arith.mulf %select_n3A_110, %mul3A_119 : vector<1000x128xf32>
    %reduce_sum3A_121 = arith.constant dense<0.000000e+00> : vector<1000xf32>
    %reduce_sum3A_122 = vector.multi_reduction <add>, %mul3A_120, %reduce_sum3A_121 [1] : vector<1000x128xf32> to vector<1000xf32>
    %broadcast_in_dim3A_123 = vector.shape_cast %reduce_sum3A_122 : vector<1000xf32> to vector<1000x1xf32>
    %mul3A_124 = arith.constant 2.000000e+00 : f32
    %mul3A_125 = vector.broadcast %mul3A_124 : f32 to vector<1000x1xf32>
    %mul3A_126 = arith.mulf %mul3A_125, %broadcast_in_dim3A_123 : vector<1000x1xf32>
    %add3A = arith.constant 1.000000e+00 : f32
    %add3A_127 = vector.broadcast %add3A : f32 to vector<1000x1xf32>
    %add3A_128 = arith.addf %add3A_127, %mul3A_126 : vector<1000x1xf32>
    %mul3A_129 = arith.constant 1.000000e+00 : f32
    %mul3A_130 = vector.broadcast %mul3A_129 : f32 to vector<1x1xf32>
    %mul3A_131 = arith.mulf %mul3A_130, %broadcast_in_dim3A_118 : vector<1x1xf32>
    %add3A_132 = vector.broadcast %mul3A_131 : vector<1x1xf32> to vector<1000x1xf32>
    %add3A_133 = arith.addf %add3A_128, %add3A_132 : vector<1000x1xf32>
    %mul3A_134 = vector.broadcast %add3A_133 : vector<1000x1xf32> to vector<1000x128xf32>
    %mul3A_135 = arith.mulf %mul3A_134, %select_n3A_110 : vector<1000x128xf32>
    %mul3A_136 = arith.constant 1.000000e+00 : f32
    %mul3A_137 = vector.broadcast %mul3A_136 : f32 to vector<1000x1xf32>
    %mul3A_138 = arith.mulf %mul3A_137, %broadcast_in_dim3A_114 : vector<1000x1xf32>
    %sub3A_139 = arith.constant 1.000000e+00 : f32
    %sub3A_140 = vector.broadcast %sub3A_139 : f32 to vector<1000x1xf32>
    %sub3A_141 = arith.subf %sub3A_140, %mul3A_138 : vector<1000x1xf32>
    %mul3A_142 = vector.broadcast %sub3A_141 : vector<1000x1xf32> to vector<1000x128xf32>
    %mul3A_143 = vector.broadcast %select_n3A : vector<1x128xf32> to vector<1000x128xf32>
    %mul3A_144 = arith.mulf %mul3A_142, %mul3A_143 : vector<1000x128xf32>
    %add3A_145 = arith.addf %mul3A_135, %mul3A_144 : vector<1000x128xf32>
    %mul3A_146 = arith.constant 2.000000e+00 : f32
    %mul3A_147 = vector.broadcast %mul3A_146 : f32 to vector<1000x1xf32>
    %mul3A_148 = arith.mulf %mul3A_147, %broadcast_in_dim3A_123 : vector<1000x1xf32>
    %add3A_149 = arith.constant 1.000000e+00 : f32
    %add3A_150 = vector.broadcast %add3A_149 : f32 to vector<1000x1xf32>
    %add3A_151 = arith.addf %add3A_150, %mul3A_148 : vector<1000x1xf32>
    %mul3A_152 = arith.constant 1.000000e+00 : f32
    %mul3A_153 = vector.broadcast %mul3A_152 : f32 to vector<1000x1xf32>
    %mul3A_154 = arith.mulf %mul3A_153, %broadcast_in_dim3A_114 : vector<1000x1xf32>
    %mul3A_155 = vector.broadcast %broadcast_in_dim3A_118 : vector<1x1xf32> to vector<1000x1xf32>
    %mul3A_156 = arith.mulf %mul3A_154, %mul3A_155 : vector<1000x1xf32>
    %add3A_157 = arith.addf %add3A_151, %mul3A_156 : vector<1000x1xf32>
    %max3A_158 = arith.constant 1.000000e-15 : f32
    %max3A_159 = vector.broadcast %max3A_158 : f32 to vector<1000x1xf32>
    %max3A_160 = arith.maximumf %add3A_157, %max3A_159 : vector<1000x1xf32>
    %div3A_161 = vector.broadcast %max3A_160 : vector<1000x1xf32> to vector<1000x128xf32>
    %div3A_162 = arith.divf %add3A_145, %div3A_161 : vector<1000x128xf32>
    %mul3A_163 = arith.mulf %div3A_162, %div3A_162 : vector<1000x128xf32>
    %reduce_sum3A_164 = arith.constant dense<0.000000e+00> : vector<1000xf32>
    %reduce_sum3A_165 = vector.multi_reduction <add>, %mul3A_163, %reduce_sum3A_164 [1] : vector<1000x128xf32> to vector<1000xf32>
    %broadcast_in_dim3A_166 = vector.shape_cast %reduce_sum3A_165 : vector<1000xf32> to vector<1000x1xf32>
    %sqrt3A_167 = math.sqrt %broadcast_in_dim3A_166 : vector<1000x1xf32>
    %max3A_168 = arith.constant 1.000000e-15 : f32
    %max3A_169 = vector.broadcast %max3A_168 : f32 to vector<1000x1xf32>
    %max3A_170 = arith.maximumf %sqrt3A_167, %max3A_169 : vector<1000x1xf32>
    %sqrt3A_171 = arith.constant 1.000000e+00 : f32
    %sqrt3A_172 = math.sqrt %sqrt3A_171 : f32
    %div3A_173 = arith.constant 0.995999991 : f32
    %div3A_174 = arith.divf %div3A_173, %sqrt3A_172 : f32
    %gt3A_175 = vector.broadcast %div3A_174 : f32 to vector<1000x1xf32>
    %gt3A_176 = arith.cmpf ogt, %max3A_170, %gt3A_175 : vector<1000x1xf32>
    %div3A_177 = vector.broadcast %max3A_170 : vector<1000x1xf32> to vector<1000x128xf32>
    %div3A_178 = arith.divf %div3A_162, %div3A_177 : vector<1000x128xf32>
    %mul3A_179 = vector.broadcast %div3A_174 : f32 to vector<1000x128xf32>
    %mul3A_180 = arith.mulf %div3A_178, %mul3A_179 : vector<1000x128xf32>
    %broadcast_in_dim3A_181 = vector.shape_cast %gt3A_176 : vector<1000x1xi1> to vector<1000x1xi1>
    %broadcast_in_dim3A_182 = vector.broadcast %broadcast_in_dim3A_181 : vector<1000x1xi1> to vector<1000x128xi1>
    %select_n3A_183 = arith.select %broadcast_in_dim3A_182, %mul3A_180, %div3A_162 : vector<1000x128xi1>, vector<1000x128xf32>
    %sqrt3A_184 = arith.constant 1.000000e+00 : f32
    %sqrt3A_185 = math.sqrt %sqrt3A_184 : f32
    %mul3A_186 = arith.mulf %select_n3A_183, %select_n3A_183 : vector<1000x128xf32>
    %reduce_sum3A_187 = arith.constant dense<0.000000e+00> : vector<1000xf32>
    %reduce_sum3A_188 = vector.multi_reduction <add>, %mul3A_186, %reduce_sum3A_187 [1] : vector<1000x128xf32> to vector<1000xf32>
    %broadcast_in_dim3A_189 = vector.shape_cast %reduce_sum3A_188 : vector<1000xf32> to vector<1000x1xf32>
    %sqrt3A_190 = math.sqrt %broadcast_in_dim3A_189 : vector<1000x1xf32>
    %max3A_191 = arith.constant 1.000000e-15 : f32
    %max3A_192 = vector.broadcast %max3A_191 : f32 to vector<1000x1xf32>
    %max3A_193 = arith.maximumf %sqrt3A_190, %max3A_192 : vector<1000x1xf32>
    %mul3A_194 = vector.broadcast %sqrt3A_185 : f32 to vector<1000x1xf32>
    %mul3A_195 = arith.mulf %mul3A_194, %max3A_193 : vector<1000x1xf32>
    %jit3A_196 = arith.constant -0.99999988 : f32
    %jit3A_197 = arith.constant 0.99999988 : f32
    %max3A_198 = vector.broadcast %jit3A_196 : f32 to vector<1000x1xf32>
    %max3A_199 = arith.maximumf %max3A_198, %mul3A_195 : vector<1000x1xf32>
    %min3A_200 = vector.broadcast %jit3A_197 : f32 to vector<1000x1xf32>
    %min3A_201 = arith.minimumf %min3A_200, %max3A_199 : vector<1000x1xf32>
    %log1p3A_202 = math.log1p %min3A_201 : vector<1000x1xf32>
    %neg3A_203 = arith.constant 0.000000e+00 : f32
    %neg3A_204 = vector.broadcast %neg3A_203 : f32 to vector<1000x1xf32>
    %neg3A_205 = arith.subf %neg3A_204, %min3A_201 : vector<1000x1xf32>
    %log1p3A_206 = math.log1p %neg3A_205 : vector<1000x1xf32>
    %sub3A_207 = arith.subf %log1p3A_202, %log1p3A_206 : vector<1000x1xf32>
    %mul3A_208 = arith.constant 5.000000e-01 : f32
    %mul3A_209 = vector.broadcast %mul3A_208 : f32 to vector<1000x1xf32>
    %mul3A_210 = arith.mulf %mul3A_209, %sub3A_207 : vector<1000x1xf32>
    %mul3A_211 = vector.broadcast %mul3A_210 : vector<1000x1xf32> to vector<1000x128xf32>
    %mul3A_212 = arith.mulf %mul3A_211, %select_n3A_183 : vector<1000x128xf32>
    %mul3A_213 = vector.broadcast %sqrt3A_185 : f32 to vector<1000x1xf32>
    %mul3A_214 = arith.mulf %mul3A_213, %max3A_193 : vector<1000x1xf32>
    %div3A_215 = vector.broadcast %mul3A_214 : vector<1000x1xf32> to vector<1000x128xf32>
    %div3A_216 = arith.divf %mul3A_212, %div3A_215 : vector<1000x128xf32>
    %swap3A = arith.constant 0 : index
    %swap3A_217 = arith.constant 0 : index
    %swap3A_218 = vector.load %arg5[%swap3A, %swap3A_217] : memref<1000x128xf32, #tpu.memory_space<vmem>>, vector<1000x128xf32>
    tpu.vector_store %arg5[%swap3A, %swap3A_217], %div3A_216 {strides = array<i32>} : memref<1000x128xf32, #tpu.memory_space<vmem>>, vector<1000x128xf32>,
    %eq3A_219 = arith.constant 0 : i32
    %eq3A_220 = arith.cmpi eq, %arg0, %eq3A_219 : i32
    %convert_element_type3A = arith.extui %eq3A_220 : i1 to i32
    %cond3A = arith.constant 0 : i32
    %cond3A_221 = arith.cmpi ne, %convert_element_type3A, %cond3A : i32
    scf.if %cond3A_221 {
      %get3A_222 = arith.constant 0 : index
      %get3A_223 = arith.constant 0 : index
      %get3A_224 = vector.load %arg4[%get3A_222, %get3A_223] : memref<2x320000xi32, #tpu.memory_space<vmem>>, vector<2x320000xi32>
      %slice3A = vector.extract_strided_slice %get3A_224 {offsets = [0, 0], sizes = [1, 320000], strides = [1, 1]} : vector<2x320000xi32> to vector<1x320000xi32>
      %squeeze3A = vector.shape_cast %slice3A : vector<1x320000xi32> to vector<320000xi32>
      %swap3A_225 = arith.constant 0 : index
      %swap3A_226 = vector.load %arg6[%swap3A_225] : memref<320000xi32, #tpu.memory_space<vmem>>, vector<320000xi32>
      tpu.vector_store %arg6[%swap3A_225], %squeeze3A {strides = array<i32>} : memref<320000xi32, #tpu.memory_space<vmem>>, vector<320000xi32>,
      %slice3A_227 = vector.extract_strided_slice %get3A_224 {offsets = [1, 0], sizes = [1, 320000], strides = [1, 1]} : vector<2x320000xi32> to vector<1x320000xi32>
      %squeeze3A_228 = vector.shape_cast %slice3A_227 : vector<1x320000xi32> to vector<320000xi32>
      %swap3A_229 = arith.constant 0 : index
      %swap3A_230 = vector.load %arg7[%swap3A_229] : memref<320000xi32, #tpu.memory_space<vmem>>, vector<320000xi32>
      tpu.vector_store %arg7[%swap3A_229], %squeeze3A_228 {strides = array<i32>} : memref<320000xi32, #tpu.memory_space<vmem>>, vector<320000xi32>,
    } else {
    }
    return
  }
  func.func @transform_0(%arg0: i32) -> (i32, i32) {
    %c0_i32 = arith.constant 0 : i32
    %c0_i32_0 = arith.constant 0 : i32
    return %arg0, %c0_i32 : i32, i32
  }
  func.func @transform_1(%arg0: i32) -> (i32, i32) {
    %c0_i32 = arith.constant 0 : i32
    %c0_i32_0 = arith.constant 0 : i32
    %c0_i32_1 = arith.constant 0 : i32
    return %c0_i32, %c0_i32_0 : i32, i32
  }
  func.func @transform_2(%arg0: i32) -> (i32, i32) {
    %c0_i32 = arith.constant 0 : i32
    %c0_i32_0 = arith.constant 0 : i32
    %c0_i32_1 = arith.constant 0 : i32
    return %c0_i32, %c0_i32_0 : i32, i32
  }
  func.func @transform_3(%arg0: i32) -> (i32, i32) {
    %c0_i32 = arith.constant 0 : i32
    %c0_i32_0 = arith.constant 0 : i32
    %c0_i32_1 = arith.constant 0 : i32
    return %c0_i32, %c0_i32_0 : i32, i32
  }
  func.func @transform_4(%arg0: i32) -> (i32, i32) {
    %c0_i32 = arith.constant 0 : i32
    %c0_i32_0 = arith.constant 0 : i32
    return %arg0, %c0_i32 : i32, i32
  }
  func.func @transform_5(%arg0: i32) -> i32 {
    %c0_i32 = arith.constant 0 : i32
    %c0_i32_0 = arith.constant 0 : i32
    return %c0_i32 : i32
  }
  func.func @transform_6(%arg0: i32) -> i32 {
    %c0_i32 = arith.constant 0 : i32
    %c0_i32_0 = arith.constant 0 : i32
    return %c0_i32 : i32
  }
}

module attributes {stable_mosaic.version = 14 : i64} {
  func.func @_stage3_body(%arg0: i32, %arg1: memref<2x1024x128xf32, #tpu.memory_space<vmem>>, %arg2: memref<2x8x128xf32, #tpu.memory_space<vmem>>, %arg3: memref<1024x128xf32, #tpu.memory_space<vmem>>, %arg4: memref<1xf32, #tpu.memory_space<smem>>, %arg5: memref<1024x128xf32, #tpu.memory_space<vmem>>) attributes {dimension_semantics = [#tpu.dimension_semantics<arbitrary>], iteration_bounds = array<i64: 10>, scalar_prefetch = 0 : i64, scratch_operands = 0 : i64, tpu.core_type = #tpu.core_type<tc>, window_params = [{transform_indices = @transform_0, window_bounds = array<i64: 2, 1024, 128>}, {transform_indices = @transform_1, window_bounds = array<i64: 2, 8, 128>}, {transform_indices = @transform_2, window_bounds = array<i64: 1024, 128>}, {transform_indices = @transform_3, window_bounds = array<i64: 1>}, {transform_indices = @transform_4, window_bounds = array<i64: 1024, 128>}]} {
    %get3A = arith.constant 0 : index
    %get3A_0 = arith.constant 0 : index
    %get3A_1 = arith.constant 0 : index
    %get3A_2 = vector.load %arg1[%get3A, %get3A_0, %get3A_1] : memref<2x1024x128xf32, #tpu.memory_space<vmem>>, vector<2x1024x128xf32>
    %slice3A = vector.extract_strided_slice %get3A_2 {offsets = [0, 0, 0], sizes = [1, 1024, 128], strides = [1, 1, 1]} : vector<2x1024x128xf32> to vector<1x1024x128xf32>
    %squeeze3A = vector.shape_cast %slice3A : vector<1x1024x128xf32> to vector<1024x128xf32>
    %slice3A_3 = vector.extract_strided_slice %get3A_2 {offsets = [1, 0, 0], sizes = [1, 1024, 128], strides = [1, 1, 1]} : vector<2x1024x128xf32> to vector<1x1024x128xf32>
    %squeeze3A_4 = vector.shape_cast %slice3A_3 : vector<1x1024x128xf32> to vector<1024x128xf32>
    %add3A = arith.addf %squeeze3A, %squeeze3A_4 : vector<1024x128xf32>
    %get3A_5 = arith.constant 0 : index
    %get3A_6 = arith.constant 0 : index
    %get3A_7 = arith.constant 0 : index
    %get3A_8 = vector.load %arg2[%get3A_5, %get3A_6, %get3A_7] : memref<2x8x128xf32, #tpu.memory_space<vmem>>, vector<2x8x128xf32>
    %slice3A_9 = vector.extract_strided_slice %get3A_8 {offsets = [0, 0, 0], sizes = [1, 8, 128], strides = [1, 1, 1]} : vector<2x8x128xf32> to vector<1x8x128xf32>
    %squeeze3A_10 = vector.shape_cast %slice3A_9 : vector<1x8x128xf32> to vector<8x128xf32>
    %slice3A_11 = vector.extract_strided_slice %get3A_8 {offsets = [1, 0, 0], sizes = [1, 8, 128], strides = [1, 1, 1]} : vector<2x8x128xf32> to vector<1x8x128xf32>
    %squeeze3A_12 = vector.shape_cast %slice3A_11 : vector<1x8x128xf32> to vector<8x128xf32>
    %add3A_13 = arith.addf %squeeze3A_10, %squeeze3A_12 : vector<8x128xf32>
    %iota3A = tpu.iota {dimensions = array<i32: 0>} : vector<1024x8xi32>
    %jit3A = arith.constant 128 : i32
    %div3A = vector.broadcast %jit3A : i32 to vector<1024x8xi32>
    %div3A_14 = arith.divsi %iota3A, %div3A : vector<1024x8xi32>
    %sign3A = arith.constant 0 : i32
    %sign3A_15 = vector.broadcast %sign3A : i32 to vector<1024x8xi32>
    %sign3A_16 = arith.cmpi sgt, %iota3A, %sign3A_15 : vector<1024x8xi32>
    %sign3A_17 = arith.extui %sign3A_16 : vector<1024x8xi1> to vector<1024x8xi32>
    %sign3A_18 = arith.constant 0 : i32
    %sign3A_19 = vector.broadcast %sign3A_18 : i32 to vector<1024x8xi32>
    %sign3A_20 = arith.cmpi slt, %iota3A, %sign3A_19 : vector<1024x8xi32>
    %sign3A_21 = arith.extui %sign3A_20 : vector<1024x8xi1> to vector<1024x8xi32>
    %sign3A_22 = arith.subi %sign3A_17, %sign3A_21 : vector<1024x8xi32>
    %sign3A_23 = arith.constant 0 : i32
    %sign3A_24 = arith.cmpi sgt, %jit3A, %sign3A_23 : i32
    %sign3A_25 = arith.extui %sign3A_24 : i1 to i32
    %sign3A_26 = arith.constant 0 : i32
    %sign3A_27 = arith.cmpi slt, %jit3A, %sign3A_26 : i32
    %sign3A_28 = arith.extui %sign3A_27 : i1 to i32
    %sign3A_29 = arith.subi %sign3A_25, %sign3A_28 : i32
    %ne3A = vector.broadcast %sign3A_29 : i32 to vector<1024x8xi32>
    %ne3A_30 = arith.cmpi ne, %sign3A_22, %ne3A : vector<1024x8xi32>
    %rem3A = vector.broadcast %jit3A : i32 to vector<1024x8xi32>
    %rem3A_31 = arith.remsi %iota3A, %rem3A : vector<1024x8xi32>
    %ne3A_32 = arith.constant 0 : i32
    %ne3A_33 = vector.broadcast %ne3A_32 : i32 to vector<1024x8xi32>
    %ne3A_34 = arith.cmpi ne, %rem3A_31, %ne3A_33 : vector<1024x8xi32>
    %and3A = arith.andi %ne3A_30, %ne3A_34 : vector<1024x8xi1>
    %sub3A = arith.constant 1 : i32
    %sub3A_35 = vector.broadcast %sub3A : i32 to vector<1024x8xi32>
    %sub3A_36 = arith.subi %div3A_14, %sub3A_35 : vector<1024x8xi32>
    %select_n3A = arith.select %and3A, %sub3A_36, %div3A_14 : vector<1024x8xi1>, vector<1024x8xi32>
    %iota3A_37 = tpu.iota {dimensions = array<i32: 1>} : vector<1024x8xi32>
    %eq3A = arith.cmpi eq, %select_n3A, %iota3A_37 : vector<1024x8xi32>
    %convert_element_type3A = arith.extui %eq3A : vector<1024x8xi1> to vector<1024x8xi32>
    %convert_element_type3A_38 = arith.sitofp %convert_element_type3A : vector<1024x8xi32> to vector<1024x8xf32>
    %dot_general3A = arith.constant dense<0.000000e+00> : vector<1024x128xf32>
    %dot_general3A_39 = tpu.matmul %convert_element_type3A_38, %add3A_13, %dot_general3A {dimension_numbers = #tpu.dot_dimension_numbers<[1], [0], [0], [1], [0, 0, 1, 1], [], []>, transpose_lhs_hint = false} : vector<1024x8xf32>, vector<8x128xf32>, vector<1024x128xf32> -> vector<1024x128xf32>
    %iota3A_40 = tpu.iota {dimensions = array<i32: 1>} : vector<1024x128xi32>
    %iota3A_41 = tpu.iota {dimensions = array<i32: 0>} : vector<1024x128xi32>
    %jit3A_42 = arith.constant 128 : i32
    %eq3A_43 = arith.constant 0 : i32
    %eq3A_44 = arith.cmpi eq, %jit3A_42, %eq3A_43 : i32
    %jit3A_45 = arith.constant 1 : i32
    %select_n3A_46 = arith.select %eq3A_44, %jit3A_45, %jit3A_42 : i32
    %rem3A_47 = vector.broadcast %select_n3A_46 : i32 to vector<1024x128xi32>
    %rem3A_48 = arith.remsi %iota3A_41, %rem3A_47 : vector<1024x128xi32>
    %ne3A_49 = arith.constant 0 : i32
    %ne3A_50 = vector.broadcast %ne3A_49 : i32 to vector<1024x128xi32>
    %ne3A_51 = arith.cmpi ne, %rem3A_48, %ne3A_50 : vector<1024x128xi32>
    %lt3A = arith.constant 0 : i32
    %lt3A_52 = vector.broadcast %lt3A : i32 to vector<1024x128xi32>
    %lt3A_53 = arith.cmpi slt, %rem3A_48, %lt3A_52 : vector<1024x128xi32>
    %lt3A_54 = arith.constant 0 : i32
    %lt3A_55 = arith.cmpi slt, %select_n3A_46, %lt3A_54 : i32
    %ne3A_56 = vector.broadcast %lt3A_55 : i1 to vector<1024x128xi1>
    %ne3A_57 = vector.broadcast %ne3A_56 : vector<1024x128xi1> to vector<1024x128xi1>
    %ne3A_58 = arith.xori %lt3A_53, %ne3A_57 : vector<1024x128xi1>
    %and3A_59 = arith.andi %ne3A_58, %ne3A_51 : vector<1024x128xi1>
    %add3A_60 = vector.broadcast %select_n3A_46 : i32 to vector<1024x128xi32>
    %add3A_61 = arith.addi %rem3A_48, %add3A_60 : vector<1024x128xi32>
    %select_n3A_62 = arith.select %and3A_59, %add3A_61, %rem3A_48 : vector<1024x128xi1>, vector<1024x128xi32>
    %eq3A_63 = arith.cmpi eq, %iota3A_40, %select_n3A_62 : vector<1024x128xi32>
    %jit3A_64 = arith.constant 0.000000e+00 : f32
    %broadcast_in_dim3A = vector.broadcast %jit3A_64 : f32 to vector<1024x128xf32>
    %select_n3A_65 = arith.select %eq3A_63, %dot_general3A_39, %broadcast_in_dim3A : vector<1024x128xi1>, vector<1024x128xf32>
    %reduce_sum3A = arith.constant dense<0.000000e+00> : vector<1024xf32>
    %reduce_sum3A_66 = vector.multi_reduction <add>, %select_n3A_65, %reduce_sum3A [1] : vector<1024x128xf32> to vector<1024xf32>
    %broadcast_in_dim3A_67 = vector.shape_cast %reduce_sum3A_66 : vector<1024xf32> to vector<1024x1xf32>
    %get3A_68 = arith.constant 0 : index
    %get3A_69 = arith.constant 0 : index
    %get3A_70 = vector.load %arg3[%get3A_68, %get3A_69] : memref<1024x128xf32, #tpu.memory_space<vmem>>, vector<1024x128xf32>
    %get3A_71 = arith.constant 0 : index
    %get3A_72 = memref.load %arg4[%get3A_71] : memref<1xf32, #tpu.memory_space<smem>>
    %max3A = arith.constant 1.000000e+00 : f32
    %max3A_73 = vector.broadcast %max3A : f32 to vector<1024x1xf32>
    %max3A_74 = arith.maximumf %broadcast_in_dim3A_67, %max3A_73 : vector<1024x1xf32>
    %div3A_75 = vector.broadcast %max3A_74 : vector<1024x1xf32> to vector<1024x128xf32>
    %div3A_76 = arith.divf %add3A, %div3A_75 : vector<1024x128xf32>
    %sqrt3A = arith.constant 1.000000e+00 : f32
    %sqrt3A_77 = math.sqrt %sqrt3A : f32
    %mul3A = arith.mulf %div3A_76, %div3A_76 : vector<1024x128xf32>
    %reduce_sum3A_78 = arith.constant dense<0.000000e+00> : vector<1024xf32>
    %reduce_sum3A_79 = vector.multi_reduction <add>, %mul3A, %reduce_sum3A_78 [1] : vector<1024x128xf32> to vector<1024xf32>
    %broadcast_in_dim3A_80 = vector.shape_cast %reduce_sum3A_79 : vector<1024xf32> to vector<1024x1xf32>
    %sqrt3A_81 = math.sqrt %broadcast_in_dim3A_80 : vector<1024x1xf32>
    %max3A_82 = arith.constant 1.000000e-15 : f32
    %max3A_83 = vector.broadcast %max3A_82 : f32 to vector<1024x1xf32>
    %max3A_84 = arith.maximumf %sqrt3A_81, %max3A_83 : vector<1024x1xf32>
    %mul3A_85 = vector.broadcast %sqrt3A_77 : f32 to vector<1024x1xf32>
    %mul3A_86 = arith.mulf %mul3A_85, %max3A_84 : vector<1024x1xf32>
    %tanh3A = math.tanh %mul3A_86 : vector<1024x1xf32>
    %mul3A_87 = vector.broadcast %tanh3A : vector<1024x1xf32> to vector<1024x128xf32>
    %mul3A_88 = arith.mulf %mul3A_87, %div3A_76 : vector<1024x128xf32>
    %mul3A_89 = vector.broadcast %sqrt3A_77 : f32 to vector<1024x1xf32>
    %mul3A_90 = arith.mulf %mul3A_89, %max3A_84 : vector<1024x1xf32>
    %div3A_91 = vector.broadcast %mul3A_90 : vector<1024x1xf32> to vector<1024x128xf32>
    %div3A_92 = arith.divf %mul3A_88, %div3A_91 : vector<1024x128xf32>
    %mul3A_93 = arith.mulf %div3A_92, %div3A_92 : vector<1024x128xf32>
    %reduce_sum3A_94 = arith.constant dense<0.000000e+00> : vector<1024xf32>
    %reduce_sum3A_95 = vector.multi_reduction <add>, %mul3A_93, %reduce_sum3A_94 [1] : vector<1024x128xf32> to vector<1024xf32>
    %broadcast_in_dim3A_96 = vector.shape_cast %reduce_sum3A_95 : vector<1024xf32> to vector<1024x1xf32>
    %sqrt3A_97 = math.sqrt %broadcast_in_dim3A_96 : vector<1024x1xf32>
    %max3A_98 = arith.constant 1.000000e-15 : f32
    %max3A_99 = vector.broadcast %max3A_98 : f32 to vector<1024x1xf32>
    %max3A_100 = arith.maximumf %sqrt3A_97, %max3A_99 : vector<1024x1xf32>
    %sqrt3A_101 = arith.constant 1.000000e+00 : f32
    %sqrt3A_102 = math.sqrt %sqrt3A_101 : f32
    %div3A_103 = arith.constant 0.995999991 : f32
    %div3A_104 = arith.divf %div3A_103, %sqrt3A_102 : f32
    %gt3A = vector.broadcast %div3A_104 : f32 to vector<1024x1xf32>
    %gt3A_105 = arith.cmpf ogt, %max3A_100, %gt3A : vector<1024x1xf32>
    %div3A_106 = vector.broadcast %max3A_100 : vector<1024x1xf32> to vector<1024x128xf32>
    %div3A_107 = arith.divf %div3A_92, %div3A_106 : vector<1024x128xf32>
    %mul3A_108 = vector.broadcast %div3A_104 : f32 to vector<1024x128xf32>
    %mul3A_109 = arith.mulf %div3A_107, %mul3A_108 : vector<1024x128xf32>
    %broadcast_in_dim3A_110 = vector.shape_cast %gt3A_105 : vector<1024x1xi1> to vector<1024x1xi1>
    %broadcast_in_dim3A_111 = vector.broadcast %broadcast_in_dim3A_110 : vector<1024x1xi1> to vector<1024x128xi1>
    %select_n3A_112 = arith.select %broadcast_in_dim3A_111, %mul3A_109, %div3A_92 : vector<1024x128xi1>, vector<1024x128xf32>
    %sqrt3A_113 = arith.constant 1.000000e+00 : f32
    %sqrt3A_114 = math.sqrt %sqrt3A_113 : f32
    %mul3A_115 = arith.mulf %select_n3A_112, %select_n3A_112 : vector<1024x128xf32>
    %reduce_sum3A_116 = arith.constant dense<0.000000e+00> : vector<1024xf32>
    %reduce_sum3A_117 = vector.multi_reduction <add>, %mul3A_115, %reduce_sum3A_116 [1] : vector<1024x128xf32> to vector<1024xf32>
    %broadcast_in_dim3A_118 = vector.shape_cast %reduce_sum3A_117 : vector<1024xf32> to vector<1024x1xf32>
    %sqrt3A_119 = math.sqrt %broadcast_in_dim3A_118 : vector<1024x1xf32>
    %max3A_120 = arith.constant 1.000000e-15 : f32
    %max3A_121 = vector.broadcast %max3A_120 : f32 to vector<1024x1xf32>
    %max3A_122 = arith.maximumf %sqrt3A_119, %max3A_121 : vector<1024x1xf32>
    %mul3A_123 = vector.broadcast %sqrt3A_114 : f32 to vector<1024x1xf32>
    %mul3A_124 = arith.mulf %mul3A_123, %max3A_122 : vector<1024x1xf32>
    %jit3A_125 = arith.constant -0.99999988 : f32
    %jit3A_126 = arith.constant 0.99999988 : f32
    %max3A_127 = vector.broadcast %jit3A_125 : f32 to vector<1024x1xf32>
    %max3A_128 = arith.maximumf %max3A_127, %mul3A_124 : vector<1024x1xf32>
    %min3A = vector.broadcast %jit3A_126 : f32 to vector<1024x1xf32>
    %min3A_129 = arith.minimumf %min3A, %max3A_128 : vector<1024x1xf32>
    %log1p3A = math.log1p %min3A_129 : vector<1024x1xf32>
    %neg3A = arith.constant 0.000000e+00 : f32
    %neg3A_130 = vector.broadcast %neg3A : f32 to vector<1024x1xf32>
    %neg3A_131 = arith.subf %neg3A_130, %min3A_129 : vector<1024x1xf32>
    %log1p3A_132 = math.log1p %neg3A_131 : vector<1024x1xf32>
    %sub3A_133 = arith.subf %log1p3A, %log1p3A_132 : vector<1024x1xf32>
    %mul3A_134 = arith.constant 5.000000e-01 : f32
    %mul3A_135 = vector.broadcast %mul3A_134 : f32 to vector<1024x1xf32>
    %mul3A_136 = arith.mulf %mul3A_135, %sub3A_133 : vector<1024x1xf32>
    %mul3A_137 = vector.broadcast %mul3A_136 : vector<1024x1xf32> to vector<1024x128xf32>
    %mul3A_138 = arith.mulf %mul3A_137, %select_n3A_112 : vector<1024x128xf32>
    %mul3A_139 = vector.broadcast %sqrt3A_114 : f32 to vector<1024x1xf32>
    %mul3A_140 = arith.mulf %mul3A_139, %max3A_122 : vector<1024x1xf32>
    %div3A_141 = vector.broadcast %mul3A_140 : vector<1024x1xf32> to vector<1024x128xf32>
    %div3A_142 = arith.divf %mul3A_138, %div3A_141 : vector<1024x128xf32>
    %max3A_143 = arith.constant 0.000000e+00 : f32
    %max3A_144 = vector.broadcast %max3A_143 : f32 to vector<1024x128xf32>
    %max3A_145 = arith.maximumf %div3A_142, %max3A_144 : vector<1024x128xf32>
    %sqrt3A_146 = arith.constant 1.000000e+00 : f32
    %sqrt3A_147 = math.sqrt %sqrt3A_146 : f32
    %mul3A_148 = arith.mulf %max3A_145, %max3A_145 : vector<1024x128xf32>
    %reduce_sum3A_149 = arith.constant dense<0.000000e+00> : vector<1024xf32>
    %reduce_sum3A_150 = vector.multi_reduction <add>, %mul3A_148, %reduce_sum3A_149 [1] : vector<1024x128xf32> to vector<1024xf32>
    %broadcast_in_dim3A_151 = vector.shape_cast %reduce_sum3A_150 : vector<1024xf32> to vector<1024x1xf32>
    %sqrt3A_152 = math.sqrt %broadcast_in_dim3A_151 : vector<1024x1xf32>
    %max3A_153 = arith.constant 1.000000e-15 : f32
    %max3A_154 = vector.broadcast %max3A_153 : f32 to vector<1024x1xf32>
    %max3A_155 = arith.maximumf %sqrt3A_152, %max3A_154 : vector<1024x1xf32>
    %mul3A_156 = vector.broadcast %sqrt3A_147 : f32 to vector<1024x1xf32>
    %mul3A_157 = arith.mulf %mul3A_156, %max3A_155 : vector<1024x1xf32>
    %tanh3A_158 = math.tanh %mul3A_157 : vector<1024x1xf32>
    %mul3A_159 = vector.broadcast %tanh3A_158 : vector<1024x1xf32> to vector<1024x128xf32>
    %mul3A_160 = arith.mulf %mul3A_159, %max3A_145 : vector<1024x128xf32>
    %mul3A_161 = vector.broadcast %sqrt3A_147 : f32 to vector<1024x1xf32>
    %mul3A_162 = arith.mulf %mul3A_161, %max3A_155 : vector<1024x1xf32>
    %div3A_163 = vector.broadcast %mul3A_162 : vector<1024x1xf32> to vector<1024x128xf32>
    %div3A_164 = arith.divf %mul3A_160, %div3A_163 : vector<1024x128xf32>
    %mul3A_165 = arith.mulf %div3A_164, %div3A_164 : vector<1024x128xf32>
    %reduce_sum3A_166 = arith.constant dense<0.000000e+00> : vector<1024xf32>
    %reduce_sum3A_167 = vector.multi_reduction <add>, %mul3A_165, %reduce_sum3A_166 [1] : vector<1024x128xf32> to vector<1024xf32>
    %broadcast_in_dim3A_168 = vector.shape_cast %reduce_sum3A_167 : vector<1024xf32> to vector<1024x1xf32>
    %sqrt3A_169 = math.sqrt %broadcast_in_dim3A_168 : vector<1024x1xf32>
    %max3A_170 = arith.constant 1.000000e-15 : f32
    %max3A_171 = vector.broadcast %max3A_170 : f32 to vector<1024x1xf32>
    %max3A_172 = arith.maximumf %sqrt3A_169, %max3A_171 : vector<1024x1xf32>
    %sqrt3A_173 = arith.constant 1.000000e+00 : f32
    %sqrt3A_174 = math.sqrt %sqrt3A_173 : f32
    %div3A_175 = arith.constant 0.995999991 : f32
    %div3A_176 = arith.divf %div3A_175, %sqrt3A_174 : f32
    %gt3A_177 = vector.broadcast %div3A_176 : f32 to vector<1024x1xf32>
    %gt3A_178 = arith.cmpf ogt, %max3A_172, %gt3A_177 : vector<1024x1xf32>
    %div3A_179 = vector.broadcast %max3A_172 : vector<1024x1xf32> to vector<1024x128xf32>
    %div3A_180 = arith.divf %div3A_164, %div3A_179 : vector<1024x128xf32>
    %mul3A_181 = vector.broadcast %div3A_176 : f32 to vector<1024x128xf32>
    %mul3A_182 = arith.mulf %div3A_180, %mul3A_181 : vector<1024x128xf32>
    %broadcast_in_dim3A_183 = vector.shape_cast %gt3A_178 : vector<1024x1xi1> to vector<1024x1xi1>
    %broadcast_in_dim3A_184 = vector.broadcast %broadcast_in_dim3A_183 : vector<1024x1xi1> to vector<1024x128xi1>
    %select_n3A_185 = arith.select %broadcast_in_dim3A_184, %mul3A_182, %div3A_164 : vector<1024x128xi1>, vector<1024x128xf32>
    %mul3A_186 = vector.broadcast %get3A_72 : f32 to vector<1024x128xf32>
    %mul3A_187 = arith.mulf %mul3A_186, %get3A_70 : vector<1024x128xf32>
    %mul3A_188 = arith.mulf %select_n3A_185, %select_n3A_185 : vector<1024x128xf32>
    %reduce_sum3A_189 = arith.constant dense<0.000000e+00> : vector<1024xf32>
    %reduce_sum3A_190 = vector.multi_reduction <add>, %mul3A_188, %reduce_sum3A_189 [1] : vector<1024x128xf32> to vector<1024xf32>
    %broadcast_in_dim3A_191 = vector.shape_cast %reduce_sum3A_190 : vector<1024xf32> to vector<1024x1xf32>
    %mul3A_192 = arith.mulf %mul3A_187, %mul3A_187 : vector<1024x128xf32>
    %reduce_sum3A_193 = arith.constant dense<0.000000e+00> : vector<1024xf32>
    %reduce_sum3A_194 = vector.multi_reduction <add>, %mul3A_192, %reduce_sum3A_193 [1] : vector<1024x128xf32> to vector<1024xf32>
    %broadcast_in_dim3A_195 = vector.shape_cast %reduce_sum3A_194 : vector<1024xf32> to vector<1024x1xf32>
    %mul3A_196 = arith.mulf %select_n3A_185, %mul3A_187 : vector<1024x128xf32>
    %reduce_sum3A_197 = arith.constant dense<0.000000e+00> : vector<1024xf32>
    %reduce_sum3A_198 = vector.multi_reduction <add>, %mul3A_196, %reduce_sum3A_197 [1] : vector<1024x128xf32> to vector<1024xf32>
    %broadcast_in_dim3A_199 = vector.shape_cast %reduce_sum3A_198 : vector<1024xf32> to vector<1024x1xf32>
    %mul3A_200 = arith.constant 2.000000e+00 : f32
    %mul3A_201 = vector.broadcast %mul3A_200 : f32 to vector<1024x1xf32>
    %mul3A_202 = arith.mulf %mul3A_201, %broadcast_in_dim3A_199 : vector<1024x1xf32>
    %add3A_203 = arith.constant 1.000000e+00 : f32
    %add3A_204 = vector.broadcast %add3A_203 : f32 to vector<1024x1xf32>
    %add3A_205 = arith.addf %add3A_204, %mul3A_202 : vector<1024x1xf32>
    %mul3A_206 = arith.constant 1.000000e+00 : f32
    %mul3A_207 = vector.broadcast %mul3A_206 : f32 to vector<1024x1xf32>
    %mul3A_208 = arith.mulf %mul3A_207, %broadcast_in_dim3A_195 : vector<1024x1xf32>
    %add3A_209 = arith.addf %add3A_205, %mul3A_208 : vector<1024x1xf32>
    %mul3A_210 = vector.broadcast %add3A_209 : vector<1024x1xf32> to vector<1024x128xf32>
    %mul3A_211 = arith.mulf %mul3A_210, %select_n3A_185 : vector<1024x128xf32>
    %mul3A_212 = arith.constant 1.000000e+00 : f32
    %mul3A_213 = vector.broadcast %mul3A_212 : f32 to vector<1024x1xf32>
    %mul3A_214 = arith.mulf %mul3A_213, %broadcast_in_dim3A_191 : vector<1024x1xf32>
    %sub3A_215 = arith.constant 1.000000e+00 : f32
    %sub3A_216 = vector.broadcast %sub3A_215 : f32 to vector<1024x1xf32>
    %sub3A_217 = arith.subf %sub3A_216, %mul3A_214 : vector<1024x1xf32>
    %mul3A_218 = vector.broadcast %sub3A_217 : vector<1024x1xf32> to vector<1024x128xf32>
    %mul3A_219 = arith.mulf %mul3A_218, %mul3A_187 : vector<1024x128xf32>
    %add3A_220 = arith.addf %mul3A_211, %mul3A_219 : vector<1024x128xf32>
    %mul3A_221 = arith.constant 2.000000e+00 : f32
    %mul3A_222 = vector.broadcast %mul3A_221 : f32 to vector<1024x1xf32>
    %mul3A_223 = arith.mulf %mul3A_222, %broadcast_in_dim3A_199 : vector<1024x1xf32>
    %add3A_224 = arith.constant 1.000000e+00 : f32
    %add3A_225 = vector.broadcast %add3A_224 : f32 to vector<1024x1xf32>
    %add3A_226 = arith.addf %add3A_225, %mul3A_223 : vector<1024x1xf32>
    %mul3A_227 = arith.constant 1.000000e+00 : f32
    %mul3A_228 = vector.broadcast %mul3A_227 : f32 to vector<1024x1xf32>
    %mul3A_229 = arith.mulf %mul3A_228, %broadcast_in_dim3A_191 : vector<1024x1xf32>
    %mul3A_230 = arith.mulf %mul3A_229, %broadcast_in_dim3A_195 : vector<1024x1xf32>
    %add3A_231 = arith.addf %add3A_226, %mul3A_230 : vector<1024x1xf32>
    %max3A_232 = arith.constant 1.000000e-15 : f32
    %max3A_233 = vector.broadcast %max3A_232 : f32 to vector<1024x1xf32>
    %max3A_234 = arith.maximumf %add3A_231, %max3A_233 : vector<1024x1xf32>
    %div3A_235 = vector.broadcast %max3A_234 : vector<1024x1xf32> to vector<1024x128xf32>
    %div3A_236 = arith.divf %add3A_220, %div3A_235 : vector<1024x128xf32>
    %swap3A = arith.constant 0 : index
    %swap3A_237 = arith.constant 0 : index
    %swap3A_238 = vector.load %arg5[%swap3A, %swap3A_237] : memref<1024x128xf32, #tpu.memory_space<vmem>>, vector<1024x128xf32>
    tpu.vector_store %arg5[%swap3A, %swap3A_237], %div3A_236 {strides = array<i32>} : memref<1024x128xf32, #tpu.memory_space<vmem>>, vector<1024x128xf32>,
    return
  }
  func.func @transform_0(%arg0: i32) -> (i32, i32, i32) {
    %c0_i32 = arith.constant 0 : i32
    %c0_i32_0 = arith.constant 0 : i32
    %c0_i32_1 = arith.constant 0 : i32
    return %c0_i32, %arg0, %c0_i32_0 : i32, i32, i32
  }
  func.func @transform_1(%arg0: i32) -> (i32, i32, i32) {
    %c0_i32 = arith.constant 0 : i32
    %c0_i32_0 = arith.constant 0 : i32
    %c0_i32_1 = arith.constant 0 : i32
    return %c0_i32, %arg0, %c0_i32_0 : i32, i32, i32
  }
  func.func @transform_2(%arg0: i32) -> (i32, i32) {
    %c0_i32 = arith.constant 0 : i32
    %c0_i32_0 = arith.constant 0 : i32
    return %arg0, %c0_i32 : i32, i32
  }
  func.func @transform_3(%arg0: i32) -> i32 {
    %c0_i32 = arith.constant 0 : i32
    %c0_i32_0 = arith.constant 0 : i32
    return %c0_i32 : i32
  }
  func.func @transform_4(%arg0: i32) -> (i32, i32) {
    %c0_i32 = arith.constant 0 : i32
    %c0_i32_0 = arith.constant 0 : i32
    return %arg0, %c0_i32 : i32, i32
  }
}

</mosaic_0001>

<sc_bundles>
// kernel: kernel.5.cloned.1.call-start
scs
__scs_entry_jumppad:
0x0: {  	(pc) =	sbr.rel $0x88, $3  }
0x1: {  	(tag) =	ssettag $0x0;
	lr =	simm.s32 $0x1  }
0x2: {  	[smem:$0x3F9B] =	sst lr;
	_ =	strace $0xD0000000  }
0x3: {  	_ = 	snop  }
0x4: {  	_ = 	snop  }
0x5: {  	_ = 	snop  }
0x6: {  	_ = 	snop  }
0x7: {  	_ = 	snop  }
__scs_overlays_trampoline_lowered:
0x8: {  	[smem:$0x3FAA] =	sst s0  }
0x9: {  	[smem:$0x3FAB] =	sst s1  }
0xa: {  	[smem:$0x3FAC] =	sst s2  }
0xb: {  	[smem:$0x3FAD] =	sst s3  }
0xc: {  	[smem:$0x3FAE] =	sst s4  }
0xd: {  	[smem:$0x3FAF] =	sst s5  }
0xe: {  	[smem:$0x3FB0] =	sst s6  }
0xf: {  	[smem:$0x3FB1] =	sst s7  }
0x10: {  	[smem:$0x3FB2] =	sst s8  }
0x11: {  	[smem:$0x3FB3] =	sst s9;
	s0 =	simm.s32 @!p0 $0x0  }
0x12: {  	s1 =	sld [smem:$0x3F99];
	s0 =	simm.s32 @p0 $0x1  }
0x13: {  	[smem:$0x3FB4] =	sst s0;
	s0 =	simm.s32 @!p1 $0x0  }
0x14: {  	s2 =	sld [smem:$0x3F98];
	s0 =	simm.s32 @p1 $0x1  }
0x15: {  	[smem:$0x3FB5] =	sst s0;
	s0 =	simm.s32 @!p2 $0x0  }
0x16: {  	s3 =	sld [smem:$0x3FDB];
	s0 =	simm.s32 @p2 $0x1  }
0x17: {  	s4 =	simm.s32 $0x1BF5;
	[smem:$0x3FB7] =	sst s0  }
0x18: {  	s0 =	sld [smem:$0x3F9A];
	_ =	swait.ge [sflag:s4], $0x0  }
0x19: {  	s7 =	sld [smem:$0x3F9B]  }
0x1a: {  	s8 =	sadd.s32 $0xFFFFE003, lr  }
0x1b: {  	s9 =	sadd.s32 $0xFFFFFEF7, lr;
	s5 =	simm.s32 $0xFFFFFFFF;
	p2 =	slt.u32 s8, $0xFFFFF086  }
0x1c: {  	p1 =	slt.u32 s9, $0xF7A;
	s5 =	simm.s32 @!p2 $0x0  }
0x1d: {  	s5 =	simm.s32 @p1 $0x1;
	p0 =	seq.s32 s7, s2  }
0x1e: {  	s7 =	smul.u32 @!p0 $0xF7A, s2;
	p2 =	seq.s32 @!p0 s5, $0x0  }
0x1f: {  	s9 =	smul.u32 $0xF7A, s1;
	s8 =	simm.s32 @!p0 $0x1BF5;
	p2 =	por !p2, p0  }
0x20: {  	[sflag:s8] =	ssyncset.s32 @!p0 $0xFFFFF086;
	s6 =	sadd.s32 @!p0 s3, s7;
	s7 =	simm.s32 @!p0 $0x108  }
0x21: {  	s3 =	sadd.s32 s3, s9;
	s6 =	sadd.s32 @!p0 $0x88, s6;
	s7 =	simm.s32 @p2 $0x1082  }
0x22: {  	[simem:s7], [sflag:s8] =	dma.local @!p0 [hbm:s6], $0xF7A  }
0x23: {  	s9 =	sor.u32 $0xD0000000, s2;
	s6 =	simm.s32 $0x108;
	_ =	swait.ge @!p0 [sflag:s8], $0x0  }
0x24: {  	s3 =	sadd.s32 $0x88, s3;
	s6 =	simm.s32 @!p1 $0x1082;
	[sflag:s4] =	ssyncset.s32 $0xFFFFF086  }
0x25: {  	[simem:s6], [sflag:s4] =	dma.local [hbm:s3], $0xF7A  }
0x26: {  	[smem:$0x3F9B] =	sst s1;
	(tag) =	ssettag s2;
	_ =	strace s9  }
0x27: {  	s1 =	sld [smem:$0x3FAB]  }
0x28: {  	s2 =	sld [smem:$0x3FAC]  }
0x29: {  	s4 =	sld [smem:$0x3FAE]  }
0x2a: {  	p0 =	seq.s32 s5, $0x0;
	s5 =	sld [smem:$0x3FAF]  }
0x2b: {  	s6 =	sld [smem:$0x3FB0]  }
0x2c: {  	s7 =	sld [smem:$0x3FB1]  }
0x2d: {  	s3 =	simm.s32 $0x108;
	s8 =	sld [smem:$0x3FB2]  }
0x2e: {  	s3 =	simm.s32 @!p0 $0x1082;
	s9 =	sld [smem:$0x3FB3]  }
0x2f: {  	lr =	sadd.s32 s0, s3;
	s0 =	sld [smem:$0x3FAA]  }
0x30: {  	s3 =	sld [smem:$0x3FAD]  }
0x31: {  	[smem:$0x3FB6] =	sst s10  }
0x32: {  	s10 =	sld [smem:$0x3FB4];
	_ =	sdelay $0x3  }
0x33: {  	p0 =	seq.s32 s10, $0x1;
	s10 =	sld [smem:$0x3FB6];
	_ =	sdelay $0x3  }
0x34: {  	[smem:$0x3FB6] =	sst s10  }
0x35: {  	s10 =	sld [smem:$0x3FB5];
	_ =	sdelay $0x3  }
0x36: {  	p1 =	seq.s32 s10, $0x1;
	s10 =	sld [smem:$0x3FB6];
	_ =	sdelay $0x3  }
0x37: {  	[smem:$0x3FB6] =	sst s10  }
0x38: {  	s10 =	sld [smem:$0x3FB7]  }
0x39: {  	_ = 	snop;
	(pc) =	sbr.ind lr, $3  }
0x3a: {  	_ = 	snop  }
0x3b: {  	_ = 	snop  }
0x3c: {  	p2 =	seq.s32 s10, $0x1;
	s10 =	sld [smem:$0x3FB6]  }
0x3d: {  	_ =	shalt  }
0x3e: {  	_ =	shalt  }
0x3f: {  	_ =	shalt  }
0x40: {  	_ =	shalt  }
0x41: {  	_ =	shalt  }
0x42: {  	_ =	shalt  }
0x43: {  	_ =	shalt  }
0x44: {  	_ =	shalt  }
0x45: {  	_ =	shalt  }
0x46: {  	_ =	shalt  }
0x47: {  	_ =	shalt  }
0x48: {  	_ =	shalt  }
0x49: {  	_ =	shalt  }
0x4a: {  	_ =	shalt  }
0x4b: {  	_ =	shalt  }
0x4c: {  	_ =	shalt  }
0x4d: {  	_ =	shalt  }
0x4e: {  	_ =	shalt  }
0x4f: {  	_ =	shalt  }
0x50: {  	_ =	shalt  }
0x51: {  	_ =	shalt  }
0x52: {  	_ =	shalt  }
0x53: {  	_ =	shalt  }
0x54: {  	_ =	shalt  }
0x55: {  	_ =	shalt  }
0x56: {  	_ =	shalt  }
0x57: {  	_ =	shalt  }
0x58: {  	_ =	shalt  }
0x59: {  	_ =	shalt  }
0x5a: {  	_ =	shalt  }
0x5b: {  	_ =	shalt  }
0x5c: {  	_ =	shalt  }
0x5d: {  	_ =	shalt  }
0x5e: {  	_ =	shalt  }
0x5f: {  	_ =	shalt  }
0x60: {  	_ =	shalt  }
0x61: {  	_ =	shalt  }
0x62: {  	_ =	shalt  }
0x63: {  	_ =	shalt  }
0x64: {  	_ =	shalt  }
0x65: {  	_ =	shalt  }
0x66: {  	_ =	shalt  }
0x67: {  	_ =	shalt  }
0x68: {  	_ =	shalt  }
0x69: {  	_ =	shalt  }
0x6a: {  	_ =	shalt  }
0x6b: {  	_ =	shalt  }
0x6c: {  	_ =	shalt  }
0x6d: {  	_ =	shalt  }
0x6e: {  	_ =	shalt  }
0x6f: {  	_ =	shalt  }
0x70: {  	_ =	shalt  }
0x71: {  	_ =	shalt  }
0x72: {  	_ =	shalt  }
0x73: {  	_ =	shalt  }
0x74: {  	_ =	shalt  }
0x75: {  	_ =	shalt  }
0x76: {  	_ =	shalt  }
0x77: {  	_ =	shalt  }
0x78: {  	_ =	shalt  }
0x79: {  	_ =	shalt  }
0x7a: {  	_ =	shalt  }
0x7b: {  	_ =	shalt  }
0x7c: {  	_ =	shalt  }
0x7d: {  	_ =	shalt  }
0x7e: {  	_ =	shalt  }
0x7f: {  	_ =	shalt  }
0x80: {  	_ =	shalt  }
0x81: {  	_ =	shalt  }
0x82: {  	_ =	shalt  }
0x83: {  	_ =	shalt  }
0x84: {  	_ =	shalt  }
0x85: {  	_ =	shalt  }
0x86: {  	_ =	shalt  }
0x87: {  	_ =	shalt  }
.Lfunc_end0:
.L_simem_size_0:
called_computation_lowered:
.L_overlay_start_0:
0x88: {  	s2 =	sld [smem:$0x3FD9]  }
0x89: {  	s3 =	sld [smem:$0x3FFE];
	_ =	sdelay $0x1  }
0x8a: {  	s1 =	srdreg.scid  }
0x8b: {  	s0 =	sand.u32 $0x1, s1  }
0x8c: {  	s14 =	sshll.u32 s0, $0xA;
	s2 =	sadd.s32 s3, s2  }
0x8d: {  	s2 =	sadd.s32 s2, s14  }
0x8e: {  	[smem:$0x3FC2] =	sst s2  }
0x8f: {  	_ = 	snop  }
0x90: {  	s2 =	sld [smem:$0x3FD0];
	_ =	sdelay $0x2  }
0x91: {  	s15 =	simm.s32 $0xA;
	s4 =	simm.s32 $0x10  }
0x92: {  	[smem:s4], [sflag:s15] =	dma.local [hbm:s2], $0x1  }
0x93: {  	_ =	swait.eq [sflag:s15], $0x1  }
0x94: {  	s16 =	sld [smem:$0x10];
	[sflag:s15] =	ssyncset.done $0x0  }
0x95: {  	s17 =	sld [smem:$0x11];
	[sflag:s15] =	ssyncadd.s32 $0xFFFFFFFF  }
0x96: {  	s18 =	sld [smem:$0x12];
	(tm) =	ssettm $0x1  }
0x97: {  	s5 =	sld [smem:$0x3FFB];
	_ =	sdelay $0x3  }
0x98: {  	_ =	strace s5  }
0x99: {  	s5 =	sld [smem:$0x3FFC];
	_ =	sdelay $0x3  }
0x9a: {  	_ =	strace s5  }
0x9b: {  	s5 =	sld [smem:$0x3FFD];
	_ =	sdelay $0x3  }
0x9c: {  	_ =	strace s5  }
0x9d: {  	_ =	strace $0x8FFFFFFF  }
0x9e: {  	s19 =	sld [smem:$0x3FDB];
	_ =	sdelay $0x1  }
0x9f: {  	s6 =	simm.s32 $_scs_section_size  }
0xa0: {  	s7 =	simm.s32 $_size__tile_overlayer_lowered;
	s8 =	simm.s32 $_tile_overlayer_lowered  }
0xa1: {  	s22 =	simm.s32 $0x1BFF;
	s21 =	sshll.u32 s8, $0x1;
	s5 =	sadd.s32 s6, s19  }
0xa2: {  	s9 =	simm.s32 $0x0;
	s20 =	sshll.u32 s7, $0x1;
	s7 =	sadd.s32 s21, s5  }
0xa3: {  	[timem:s9], [sflag:s22] =	dma.local [hbm:s7], s20  }
0xa4: {  	_ =	swait.ge [sflag:s22], s20  }
0xa5: {  	s6 =	ssub.s32 $0x0, s20;
	[sflag:s22] =	ssyncset.done $0x0  }
0xa6: {  	[sflag:s22] =	ssyncadd.s32 s6;
	_ =	sdelay $0x1  }
0xa7: {  	s23 =	simm.s32 $0x1B8B  }
0xa8: {  	_ =	swait.ge [sflag:s23], $0x1  }
0xa9: {  	[sflag:s23] =	ssyncset.done $0x0  }
0xaa: {  	s25 =	simm.s32 $0x1B8E;
	s24 =	sld [smem:$0x3FFE];
	[sflag:s23] =	ssyncadd.s32 $0xFFFFFFFF  }
0xab: {  	s26 =	simm.s32 $execute0_lowered;
	[smem:$0x3FD2] =	sst s25  }
0xac: {  	s7 =	sshll.u32 s26, $0x1;
	_ =	strace $0x80000046;
	[dreg:$0x1] =	wrdreg $0xFFFFFFFF  }
0xad: {  	s28 =	simm.s32 $_size_execute0_lowered;
	s5 =	sadd.s32 s5, s7;
	[dreg:$0x0] =	wrdreg $0x0  }
0xae: {  	s7 =	sshll.u32 s28, $0x1;
	[dreg:$0x2] =	wrdreg s5  }
0xaf: {  	[dreg:$0x3] =	wrdreg s7  }
0xb0: {  	[dreg:$0x4] =	wrdreg $0xC0  }
0xb1: {  	_ =	task [dreg:s9], $0x5FFFF  }
0xb2: {  	[dreg:$0x1] =	wrdreg $0xFFFFFFFF  }
0xb3: {  	[dreg:$0x0] =	wrdreg $0x60  }
0xb4: {  	[dreg:$0x2] =	wrdreg s16  }
0xb5: {  	[dreg:$0x3] =	wrdreg s18  }
0xb6: {  	[dreg:$0x4] =	wrdreg s17  }
0xb7: {  	[dreg:$0x5] =	wrdreg s24  }
0xb8: {  	[dreg:$0x6] =	wrdreg $0x8C800  }
0xb9: {  	[dreg:$0x7] =	wrdreg $0x1CC800  }
0xba: {  	[dreg:$0x8] =	wrdreg $0x9  }
0xbb: {  	_ =	task.clear_ibuf [dreg:s9], $0x9FFFF;
	_ =	strace $0x90000046  }
0xbc: {  	s29 =	simm.s32 $0x9;
	_ =	strace $0x80000048  }
0xbd: {  	_ =	swait.ge [sflag:s29], $0x1  }
0xbe: {  	[sflag:s29] =	ssyncadd.s32 $0xFFFFFFFF  }
0xbf: {  	_ =	strace $0x90000048  }
0xc0: {  	_ =	sfence  }
0xc1: {  	s30 =	sld [smem:$0x0];
	_ =	sdelay $0x2  }
0xc2: {  	s31 =	sshll.u32 s1, $0xD;
	s1 =	sshrl.u32 s1, $0x2  }
0xc3: {  	s3 =	sand.u32 $0x4000, s31;
	s1 =	sadd.s32 s1, s30  }
0xc4: {  	s0 =	sor.u32 s3, s0;
	s1 =	sshll.u32 s1, $0x11  }
0xc5: {  	s0 =	sor.u32 s1, s0  }
0xc6: {  	s0 =	sadd.s32 $0x8F2B, s0  }
0xc7: {  	[sflag:s0] =	ssyncadd.remote.s32 $0x1  }
0xc8: {  	_ =	sfence.sel $0xFFFF  }
0xc9: {  	[dreg:$0x0] =	wrdreg $0xFFFFFFFF;
	(pc) =	sbr.abs _section_cstart, $3  }
0xca: {  	[dreg:$0x1] =	wrdreg $0xFFFFFFFF  }
0xcb: {  	_ =	task.clear_ibuf [dreg:s9], $0x2FFFF;
	_ =	strace $0x9FFFFFFF  }
0xcc: {  	(tm) =	ssettm $0x7FFFFFFF  }
0xcd: {  	_ =	shalt  }
tec
execute0_lowered:
.L_overlay_start_1:
0x0: {  	(tag) =	ssettag $0x1  }
0x1: {  	s0 =	srdreg.scid  }
0x2: {  	s12 =	stileid.u32;
	s1 =	rddreg [dreg:$0x1]  }
0x3: {  	s2 =	rddreg [dreg:$0x2];
	s5 =	smul.u32 $0x14000, s12  }
0x4: {  	s6 =	rddreg [dreg:$0x3];
	s0 =	sand.u32 $0x1, s0;
	s4 =	smul.u32 $0x280, s12  }
0x5: {  	s8 =	simm.s32 $0x0;
	s29 =	rddreg [dreg:$0x0];
	s3 =	smul.u32 $0x140000, s0  }
0x6: {  	[smem:$0x7FF] =	sst s8;
	s7 =	smul.u32 $0x2800, s0;
	s11 =	sshll.u32 s0, $0x4  }
0x7: {  	s16 =	ssub.s32 $0x2, s0;
	s0 =	smul.u32 $0x27100, s0;
	s14 =	sor.u32 s12, s11  }
0x8: {  	s17 =	sshrl.u32 s16, $0x1;
	s3 =	sadd.s32 s5, s3;
	s9 =	smul.u32 $0x2710, s14  }
0x9: {  	s13 =	sadd.s32 s4, s7;
	s7 =	ssub.s32 s16, s17;
	s14 =	smul.u32 $0x2710, s12  }
0xa: {  	s3 =	sshrl.u32 s3, $0x3;
	s15 =	sshrl.u32 s13, $0x3;
	s8 =	sshrl.u32 s9, $0x3  }
0xb: {  	s5 =	sadd.s32 s3, s6;
	s10 =	sadd.s32 $0x28, s9;
	s18 =	sadd.s32 s1, s8  }
0xc: {  	s19 =	sshrl.u32 s10, $0x3;
	s20 =	sadd.s32 s2, s8;
	[dreg:$0x7] =	wrdreg s18  }
0xd: {  	s22 =	sadd.s32 $0x78, s9;
	[dreg:$0x8] =	wrdreg s20;
	s21 =	sadd.s32 s1, s19  }
0xe: {  	s23 =	sadd.s32 $0xA, s8;
	s3 =	sadd.s32 s2, s19;
	[dreg:$0x9] =	wrdreg s21  }
0xf: {  	s10 =	sshrl.u32 s22, $0x3;
	s11 =	sadd.s32 s1, s23;
	[dreg:$0xa] =	wrdreg s3  }
0x10: {  	s6 =	sadd.s32 s15, s6;
	s24 =	sadd.s32 s1, s10;
	[dreg:$0xb] =	wrdreg s11  }
0x11: {  	s26 =	sadd.s32 $0x14, s8;
	s25 =	sadd.s32 s2, s10;
	[dreg:$0xd] =	wrdreg s24  }
0x12: {  	s15 =	sadd.s32 $0x1E, s8;
	s31 =	sadd.s32 s1, s26;
	[dreg:$0xe] =	wrdreg s25  }
0x13: {  	s30 =	sadd.s32 $0xC8, s9;
	s17 =	sadd.s32 s1, s15;
	[dreg:$0xf] =	wrdreg s31  }
0x14: {  	s10 =	sshrl.u32 s30, $0x3;
	s3 =	sadd.s32 s2, s23;
	[dreg:$0x13] =	wrdreg s17  }
0x15: {  	s16 =	sadd.s32 $0x118, s9;
	s13 =	sadd.s32 s1, s10;
	[dreg:$0xc] =	wrdreg s3  }
0x16: {  	s18 =	sshrl.u32 s16, $0x3;
	s10 =	sadd.s32 s2, s10;
	[dreg:$0x11] =	wrdreg s13  }
0x17: {  	s8 =	sadd.s32 $0x28, s8;
	s19 =	sadd.s32 s1, s18;
	[dreg:$0x12] =	wrdreg s10  }
0x18: {  	s0 =	sadd.s32 s14, s0;
	s21 =	sadd.s32 s1, s8;
	[dreg:$0x15] =	wrdreg s19  }
0x19: {  	s22 =	sadd.s32 $0x230, s0;
	s8 =	sadd.s32 s2, s8;
	[dreg:$0x17] =	wrdreg s21  }
0x1a: {  	s20 =	sadd.s32 $0x168, s9;
	s3 =	sadd.s32 s2, s26;
	[dreg:$0x18] =	wrdreg s8  }
0x1b: {  	s24 =	sadd.s32 $0x208, s0;
	s10 =	sadd.s32 s2, s15;
	[dreg:$0x10] =	wrdreg s3  }
0x1c: {  	s8 =	sshrl.u32 s22, $0x3;
	[dreg:$0x14] =	wrdreg s10;
	s3 =	sadd.s32 s2, s18  }
0x1d: {  	s31 =	sadd.s32 $0x1E0, s0;
	s26 =	sadd.s32 s8, s2;
	[dreg:$0x16] =	wrdreg s3  }
0x1e: {  	s25 =	sshrl.u32 s24, $0x3;
	s8 =	sadd.s32 s8, s1;
	[dreg:$0x1b] =	wrdreg s26  }
0x1f: {  	s30 =	sadd.s32 s25, s2;
	s10 =	sadd.s32 $0x1B8, s0;
	[dreg:$0x1c] =	wrdreg s8  }
0x20: {  	s0 =	sadd.s32 $0x190, s0;
	s3 =	sshrl.u32 s20, $0x3;
	[dreg:$0x1d] =	wrdreg s30  }
0x21: {  	s14 =	sshrl.u32 s0, $0x3;
	s0 =	rddreg [dreg:$0x4];
	s23 =	sadd.s32 s1, s3  }
0x22: {  	s8 =	sshrl.u32 s31, $0x3;
	s3 =	sadd.s32 s2, s3;
	[dreg:$0x19] =	wrdreg s23  }
0x23: {  	s11 =	sadd.s32 s8, s2;
	[dreg:$0x1a] =	wrdreg s3  }
0x24: {  	s16 =	sadd.s32 $0x80, s4;
	s3 =	sadd.s32 s25, s1;
	[dreg:$0x1f] =	wrdreg s11  }
0x25: {  	s13 =	sshrl.u32 s10, $0x3;
	[dreg:$0x1e] =	wrdreg s3;
	s3 =	sadd.s32 s8, s1  }
0x26: {  	s17 =	sshll.u32 s16, $0x7;
	s8 =	sadd.s32 s13, s2;
	[smem:$0x7DD] =	sst s3  }
0x27: {  	s15 =	smul.u32 $0x50000, s12;
	s2 =	sadd.s32 s14, s2;
	[smem:$0x7DE] =	sst s8  }
0x28: {  	s22 =	sadd.s32 $0x180, s4;
	s20 =	sadd.s32 $0x100, s4;
	[smem:$0x7E0] =	sst s2  }
0x29: {  	s18 =	sadd.s32 s17, s0;
	s3 =	sadd.s32 s13, s1;
	s2 =	rddreg [dreg:$0x5]  }
0x2a: {  	s21 =	sshll.u32 s20, $0x7;
	s1 =	sadd.s32 s14, s1;
	[smem:$0x7DF] =	sst s3  }
0x2b: {  	s23 =	sadd.s32 $0x200, s4;
	s24 =	sadd.s32 s21, s0;
	[smem:$0x7E1] =	sst s1  }
0x2c: {  	s25 =	sshll.u32 s22, $0x7;
	_ =	strace $0x80000047;
	[smem:$0x7E2] =	sst s18  }
0x2d: {  	s26 =	sshll.u32 s23, $0x7;
	s30 =	sadd.s32 s25, s0;
	[smem:$0x7E3] =	sst s24  }
0x2e: {  	s31 =	sadd.s32 s26, s0;
	[smem:$0x7E4] =	sst s30  }
0x2f: {  	s8 =	sshrl.u32 s15, $0x2;
	s1 =	sadd.s32 s16, s2;
	[smem:$0x7E5] =	sst s31  }
0x30: {  	s28 =	sadd.s32 s4, s2;
	s4 =	sadd.s32 s20, s2;
	[smem:$0x7E6] =	sst s1  }
0x31: {  	s19 =	sadd.s32 s8, s0;
	s8 =	sadd.s32 s22, s2;
	[smem:$0x7E7] =	sst s4  }
0x32: {  	s9 =	sadd.s32 s23, s2;
	[smem:$0x7E8] =	sst s8  }
0x33: {  	s10 =	sadd.s32 $0x2800, s5;
	[smem:$0x7E9] =	sst s9  }
0x34: {  	s11 =	sadd.s32 $0x52800, s6;
	[smem:$0x7EA] =	sst s10  }
0x35: {  	s12 =	smax.u32 s7, $0x1;
	[smem:$0x7EB] =	sst s11  }
0x36: {  	[smem:$0x7EC] =	sst s12  }
0x37: {  	[smem:$0x7FC] =	sst s19  }
0x38: {  	s13 =	sadd.s32 $0x1000, s19;
	[smem:$0x7FD] =	sst s28  }
0x39: {  	s14 =	sadd.s32 $0x2000, s19;
	[smem:$0x7ED] =	sst s13  }
0x3a: {  	s15 =	sadd.s32 $0x3000, s19;
	[smem:$0x7EE] =	sst s14  }
0x3b: {  	s16 =	sadd.s32 $0x5000, s19;
	[smem:$0x7EF] =	sst s15  }
0x3c: {  	s17 =	sadd.s32 $0x6000, s19;
	[smem:$0x7F0] =	sst s16  }
0x3d: {  	s18 =	sadd.s32 $0x7000, s19;
	[smem:$0x7F1] =	sst s17  }
0x3e: {  	s20 =	sadd.s32 $0x9000, s19;
	[smem:$0x7F2] =	sst s18  }
0x3f: {  	s21 =	sadd.s32 $0xA000, s19;
	[smem:$0x7F3] =	sst s20  }
0x40: {  	s7 =	simm.s32 $0x6;
	s22 =	sadd.s32 $0xB000, s19;
	[smem:$0x7F4] =	sst s21  }
0x41: {  	s6 =	simm.s32 $0x28;
	s23 =	sadd.s32 $0xD000, s19;
	[smem:$0x7F5] =	sst s22  }
0x42: {  	s3 =	simm.s32 $0x0;
	s24 =	sadd.s32 $0xE000, s19;
	[smem:$0x7F6] =	sst s23  }
0x43: {  	s25 =	sadd.s32 $0xF000, s19;
	s26 =	sadd.s32 $0x11000, s19;
	[smem:$0x7F7] =	sst s24  }
0x44: {  	s30 =	sadd.s32 $0x12000, s19;
	s31 =	sadd.s32 $0x13000, s19;
	[smem:$0x7F8] =	sst s25  }
0x45: {  	s8 =	simm.s32 $0x1800;
	s12 =	simm.s32 $0x2C00;
	[smem:$0x7F9] =	sst s26  }
.Ltmp0:
0x46: {  	s11 =	simm.s32 $0x5400;
	[smem:$0x7FA] =	sst s30;
	(pc) =	sbr.rel .LBB2_1-.Ltmp0, $4  }
0x47: {  	s4 =	simm.s32 $0x2;
	s10 =	simm.s32 $0x7C00;
	[smem:$0x7FB] =	sst s31  }
0x48: {  	s17 =	simm.s32 $0x1;
	s18 =	simm.s32 $0x18;
	s20 =	simm.s32 $0x10  }
0x49: {  	s15 =	simm.s32 $0x4000;
	s13 =	simm.s32 $0x3;
	s16 =	simm.s32 $0x4  }
0x4a: {  	v0 =	vimm.f32 $0.0e+00;
	v1 =	vimm.f32 $1.000000000e+00;
	s21 =	simm.s32 $0x5;
	s22 =	simm.s32 $0xA;
	s23 =	simm.s32 $0xB  }
.LBB2_8:
0x4b: {  	s1 =	simm.s32 $0x7  }
0x4c: {  	_ =	swait.ge [sflag:s1], $0x1400  }
0x4d: {  	[sflag:s1] =	ssyncset.done $0x0  }
0x4e: {  	[sflag:s1] =	ssyncadd.s32 $0xFFFFEC00  }
0x4f: {  	_ =	swait.ge [sflag:s1], $0x28  }
0x50: {  	[sflag:s1] =	ssyncset.done $0x0  }
0x51: {  	s14 =	simm.s32 $0x8;
	[sflag:s1] =	ssyncadd.s32 $0xFFFFFFD8  }
0x52: {  	_ =	swait.ge [sflag:s14], $0x1400  }
0x53: {  	[sflag:s14] =	ssyncset.done $0x0  }
0x54: {  	[sflag:s14] =	ssyncadd.s32 $0xFFFFEC00  }
0x55: {  	_ =	swait.ge [sflag:s14], $0x28  }
0x56: {  	[sflag:s14] =	ssyncset.done $0x0  }
0x57: {  	s19 =	simm.s32 $0x9;
	[sflag:s14] =	ssyncadd.s32 $0xFFFFFFD8  }
0x58: {  	_ =	swait.ge [sflag:s19], $0x1400  }
0x59: {  	[sflag:s19] =	ssyncset.done $0x0  }
0x5a: {  	[sflag:s19] =	ssyncadd.s32 $0xFFFFEC00  }
0x5b: {  	_ =	swait.ge [sflag:s19], $0x28  }
0x5c: {  	[sflag:s19] =	ssyncset.done $0x0  }
0x5d: {  	[sflag:s19] =	ssyncadd.s32 $0xFFFFFFD8  }
0x5e: {  	_ =	swait.ge [sflag:s22], $0x1400  }
0x5f: {  	[sflag:s22] =	ssyncset.done $0x0  }
0x60: {  	[sflag:s22] =	ssyncadd.s32 $0xFFFFEC00  }
0x61: {  	_ =	swait.ge [sflag:s22], $0x28  }
0x62: {  	[sflag:s22] =	ssyncset.done $0x0  }
0x63: {  	[sflag:s22] =	ssyncadd.s32 $0xFFFFFFD8  }
0x64: {  	_ =	swait.ge [sflag:s23], $0x1400  }
0x65: {  	[sflag:s23] =	ssyncset.done $0x0  }
0x66: {  	[sflag:s23] =	ssyncadd.s32 $0xFFFFEC00  }
0x67: {  	_ =	swait.ge [sflag:s23], $0x28  }
0x68: {  	[sflag:s23] =	ssyncset.done $0x0  }
0x69: {  	[sflag:s23] =	ssyncadd.s32 $0xFFFFFFD8  }
0x6a: {  	[bflag:$0x0] =	sbarrier.arrive $0xFFFF  }
0x6b: {  	s19 =	sld [smem:$0x7FC]  }
0x6c: {  	s24 =	stileid.u32;
	s5 =	sld [smem:$0x7EA]  }
0x6d: {  	s1 =	sshll.u32 s24, $0x6  }
0x6e: {  	s9 =	simm.s32 $0xC;
	s1 =	sor.u32 $0x1C0C, s1;
	s3 =	sshrl.u32 s19, $0x3  }
0x6f: {  	[hbm:s5], [sflag:s1] =	dma.local [spmem:s3], $0x2800  }
0x70: {  	_ =	swait.ge [sflag:s9], $0x2800  }
0x71: {  	s28 =	sld [smem:$0x7FD]  }
0x72: {  	s26 =	sld [smem:$0x7EB]  }
0x73: {  	[sflag:s9] =	ssyncset.done $0x0  }
0x74: {  	[sflag:s9] =	ssyncadd.s32 $0xFFFFD800;
	s25 =	sshrl.u32 s28, $0x3  }
0x75: {  	[hbm:s26], [sflag:s1] =	dma.local [spmem:s25], $0x50  }
0x76: {  	_ =	swait.ge [sflag:s9], $0x50  }
0x77: {  	s30 =	sld [smem:$0x7DC]  }
0x78: {  	s31 =	sld [smem:$0x7EC];
	_ =	sdelay $0x1  }
0x79: {  	s3 =	sadd.s32 $0x1, s30  }
0x7a: {  	p0 =	sne.s32 s3, s31  }
.Ltmp1:
0x7b: {  	_ = 	snop;
	(pc) =	sbr.rel @!p0 .LBB2_9-.Ltmp1, $3  }
0x7c: {  	_ =	sdelay $0x1  }
0x7d: {  	[sflag:s9] =	ssyncset.done $0x0  }
0x7e: {  	[sflag:s9] =	ssyncadd.s32 $0xFFFFFFB0  }
.LBB2_1:
0x7f: {  	s31 =	simm.s32 $0x0  }
0x80: {  	s1 =	sand.u32 $0x3E00, s31  }
0x81: {  	[smem:$0x7DC] =	sst s3;
	s24 =	sand.u32 $0x70, s31;
	s25 =	sshrl.u32 s1, $0x2  }
0x82: {  	s1 =	simm.s32 $0x40;
	s25 =	sor.u32 s24, s25;
	s24 =	simm.s32 $0x0  }
.LBB2_2:
0x83: {  	p0 =	sne.s32 s1, $0x3FC0  }
0x84: {  	[tilespmem:s25+$0x7C80] =	vst v0;
	s24 =	sadd.s32 $0x10, s24;
	s25 =	smov.u32 s1;
	s1 =	sadd.s32 $0x40, s1  }
.Ltmp2:
0x85: {  	(pc) =	sbr.rel @p0 .LBB2_2-.Ltmp2, $4  }
0x86: {  	_ = 	snop  }
0x87: {  	s25 =	sand.u32 $0x3E00, s25  }
0x88: {  	s26 =	sand.u32 $0x70, s24;
	s25 =	sshrl.u32 s25, $0x2  }
0x89: {  	s25 =	sor.u32 s26, s25  }
0x8a: {  	[tilespmem:s25+$0x7C80] =	vst v0  }
0x8b: {  	[tilespmem:$0x7C00] =	vst v1  }
0x8c: {  	[tilespmem:$0x7C10] =	vst v1  }
0x8d: {  	s3 =	simm.s32 $0x7C80;
	s1 =	sld [smem:$0x7ED];
	[tilespmem:$0x7C18] =	vst v1  }
0x8e: {  	[spmem:s19] =	stream.linear.scatter [tilespmem:s3], [sflag:$0x2], $0x1000, $0x38;
	[tilespmem:$0x1CF00] =	vst v63  }
0x8f: {  	s26 =	sld [smem:$0x7EE]  }
0x90: {  	[spmem:s1] =	stream.linear.scatter [tilespmem:s3], [sflag:$0x2], $0x1000, $0x38;
	[tilespmem:$0x1CF00] =	vst v63  }
0x91: {  	s30 =	sld [smem:$0x7EF]  }
0x92: {  	[spmem:s26] =	stream.linear.scatter [tilespmem:s3], [sflag:$0x2], $0x1000, $0x38;
	[tilespmem:$0x1CF00] =	vst v63  }
0x93: {  	s31 =	sld [smem:$0x7E2]  }
0x94: {  	[spmem:s30] =	stream.linear.scatter [tilespmem:s3], [sflag:$0x2], $0x1000, $0x38;
	[tilespmem:$0x1CF00] =	vst v63  }
0x95: {  	s5 =	sld [smem:$0x7F0]  }
0x96: {  	[spmem:s31] =	stream.linear.scatter [tilespmem:s3], [sflag:$0x2], $0x1000, $0x38;
	[tilespmem:$0x1CF00] =	vst v63  }
0x97: {  	s9 =	sld [smem:$0x7F1]  }
0x98: {  	[spmem:s5] =	stream.linear.scatter [tilespmem:s3], [sflag:$0x2], $0x1000, $0x38;
	[tilespmem:$0x1CF00] =	vst v63  }
0x99: {  	s14 =	sld [smem:$0x7F2]  }
0x9a: {  	[spmem:s9] =	stream.linear.scatter [tilespmem:s3], [sflag:$0x2], $0x1000, $0x38;
	[tilespmem:$0x1CF00] =	vst v63  }
0x9b: {  	s19 =	sld [smem:$0x7E3]  }
0x9c: {  	[spmem:s14] =	stream.linear.scatter [tilespmem:s3], [sflag:$0x2], $0x1000, $0x38;
	[tilespmem:$0x1CF00] =	vst v63  }
0x9d: {  	s24 =	sld [smem:$0x7F3]  }
0x9e: {  	[spmem:s19] =	stream.linear.scatter [tilespmem:s3], [sflag:$0x2], $0x1000, $0x38;
	[tilespmem:$0x1CF00] =	vst v63  }
0x9f: {  	s25 =	sld [smem:$0x7F4]  }
0xa0: {  	[spmem:s24] =	stream.linear.scatter [tilespmem:s3], [sflag:$0x2], $0x1000, $0x38;
	[tilespmem:$0x1CF00] =	vst v63  }
0xa1: {  	s26 =	sld [smem:$0x7F5]  }
0xa2: {  	[spmem:s25] =	stream.linear.scatter [tilespmem:s3], [sflag:$0x2], $0x1000, $0x38;
	[tilespmem:$0x1CF00] =	vst v63  }
0xa3: {  	s30 =	sld [smem:$0x7E4]  }
0xa4: {  	[spmem:s26] =	stream.linear.scatter [tilespmem:s3], [sflag:$0x2], $0x1000, $0x38;
	[tilespmem:$0x1CF00] =	vst v63  }
0xa5: {  	s31 =	sld [smem:$0x7F6]  }
0xa6: {  	[spmem:s30] =	stream.linear.scatter [tilespmem:s3], [sflag:$0x2], $0x1000, $0x38;
	[tilespmem:$0x1CF00] =	vst v63  }
0xa7: {  	s5 =	sld [smem:$0x7F7]  }
0xa8: {  	[spmem:s31] =	stream.linear.scatter [tilespmem:s3], [sflag:$0x2], $0x1000, $0x38;
	[tilespmem:$0x1CF00] =	vst v63  }
0xa9: {  	s9 =	sld [smem:$0x7F8]  }
0xaa: {  	[spmem:s5] =	stream.linear.scatter [tilespmem:s3], [sflag:$0x2], $0x1000, $0x38;
	[tilespmem:$0x1CF00] =	vst v63  }
0xab: {  	s14 =	sld [smem:$0x7E5]  }
0xac: {  	[spmem:s9] =	stream.linear.scatter [tilespmem:s3], [sflag:$0x2], $0x1000, $0x38;
	[tilespmem:$0x1CF00] =	vst v63  }
0xad: {  	s19 =	sld [smem:$0x7F9]  }
0xae: {  	[spmem:s14] =	stream.linear.scatter [tilespmem:s3], [sflag:$0x2], $0x1000, $0x38;
	[tilespmem:$0x1CF00] =	vst v63  }
0xaf: {  	s24 =	sld [smem:$0x7FA]  }
0xb0: {  	[spmem:s19] =	stream.linear.scatter [tilespmem:s3], [sflag:$0x2], $0x1000, $0x38;
	[tilespmem:$0x1CF00] =	vst v63  }
0xb1: {  	s25 =	sld [smem:$0x7FB]  }
0xb2: {  	[spmem:s24] =	stream.linear.scatter [tilespmem:s3], [sflag:$0x2], $0x1000, $0x38;
	[tilespmem:$0x1CF00] =	vst v63  }
0xb3: {  	_ = 	snop  }
0xb4: {  	[spmem:s25] =	stream.linear.scatter [tilespmem:s3], [sflag:$0x2], $0x1000, $0x38;
	[tilespmem:$0x1CF00] =	vst v63  }
0xb5: {  	s26 =	sld [smem:$0x7E6]  }
0xb6: {  	[spmem:s28] =	stream.linear.scatter [tilespmem:s3], [sflag:$0x2], $0x80, $0x38;
	[tilespmem:$0x1CF00] =	vst v63  }
0xb7: {  	s28 =	sld [smem:$0x7E7]  }
0xb8: {  	[spmem:s26] =	stream.linear.scatter [tilespmem:s3], [sflag:$0x2], $0x80, $0x38;
	[tilespmem:$0x1CF00] =	vst v63  }
0xb9: {  	s30 =	sld [smem:$0x7E8]  }
0xba: {  	[spmem:s28] =	stream.linear.scatter [tilespmem:s3], [sflag:$0x2], $0x80, $0x38;
	[tilespmem:$0x1CF00] =	vst v63  }
0xbb: {  	s31 =	sld [smem:$0x7E9]  }
0xbc: {  	[spmem:s30] =	stream.linear.scatter [tilespmem:s3], [sflag:$0x2], $0x80, $0x38;
	[tilespmem:$0x1CF00] =	vst v63  }
0xbd: {  	_ = 	snop  }
0xbe: {  	[spmem:s31] =	stream.linear.scatter [tilespmem:s3], [sflag:$0x2], $0x80, $0x38;
	[tilespmem:$0x1CF00] =	vst v63  }
0xbf: {  	s5 =	rddreg [dreg:$0x7];
	s24 =	simm.s32 $0x0  }
0xc0: {  	[tilespmem:s24], [sflag:$0x1] =	stream.linear.gather [hbm4b:s5+s24], $0x28, $0x38;
	[tilespmem:$0x1CF00] =	vst v63  }
0xc1: {  	s9 =	rddreg [dreg:$0x8];
	s14 =	simm.s32 $0xC00  }
0xc2: {  	[tilespmem:s14], [sflag:$0x1] =	stream.linear.gather [hbm4b:s9+s24], $0x28, $0x38;
	[tilespmem:$0x1CF00] =	vst v63  }
0xc3: {  	s19 =	rddreg [dreg:$0x9];
	s25 =	simm.s32 $0x80  }
0xc4: {  	[tilespmem:s25], [sflag:$0x1] =	stream.linear.gather [hbm4b:s19+s24], $0x28, $0x38;
	[tilespmem:$0x1CF00] =	vst v63  }
0xc5: {  	s26 =	rddreg [dreg:$0xa];
	s28 =	simm.s32 $0xC80  }
0xc6: {  	[tilespmem:s28], [sflag:$0x1] =	stream.linear.gather [hbm4b:s26+s24], $0x28, $0x38;
	[tilespmem:$0x1CF00] =	vst v63  }
0xc7: {  	s30 =	rddreg [dreg:$0xb];
	s31 =	simm.s32 $0x100  }
0xc8: {  	[tilespmem:s31], [sflag:$0x1] =	stream.linear.gather [hbm4b:s30+s24], $0x28, $0x38;
	[tilespmem:$0x1CF00] =	vst v63  }
0xc9: {  	s3 =	rddreg [dreg:$0xc];
	s5 =	simm.s32 $0xD00  }
0xca: {  	[tilespmem:s5], [sflag:$0x1] =	stream.linear.gather [hbm4b:s3+s24], $0x28, $0x38;
	[tilespmem:$0x1CF00] =	vst v63  }
0xcb: {  	s9 =	rddreg [dreg:$0xd];
	s14 =	simm.s32 $0x180  }
0xcc: {  	[tilespmem:s14], [sflag:$0x1] =	stream.linear.gather [hbm4b:s9+s24], $0x28, $0x38;
	[tilespmem:$0x1CF00] =	vst v63  }
0xcd: {  	s19 =	rddreg [dreg:$0xe];
	s25 =	simm.s32 $0xD80  }
0xce: {  	[tilespmem:s25], [sflag:$0x1] =	stream.linear.gather [hbm4b:s19+s24], $0x28, $0x38;
	[tilespmem:$0x1CF00] =	vst v63  }
0xcf: {  	s26 =	rddreg [dreg:$0xf];
	s28 =	simm.s32 $0x200  }
0xd0: {  	[tilespmem:s28], [sflag:$0x1] =	stream.linear.gather [hbm4b:s26+s24], $0x28, $0x38;
	[tilespmem:$0x1CF00] =	vst v63  }
0xd1: {  	s30 =	rddreg [dreg:$0x10];
	s31 =	simm.s32 $0xE00  }
0xd2: {  	[tilespmem:s31], [sflag:$0x1] =	stream.linear.gather [hbm4b:s30+s24], $0x28, $0x38;
	[tilespmem:$0x1CF00] =	vst v63  }
0xd3: {  	s3 =	rddreg [dreg:$0x11];
	s5 =	simm.s32 $0x400  }
0xd4: {  	[tilespmem:s5], [sflag:$0x1] =	stream.linear.gather [hbm4b:s3+s24], $0x28, $0x38;
	[tilespmem:$0x1CF00] =	vst v63  }
0xd5: {  	s9 =	rddreg [dreg:$0x12];
	s14 =	simm.s32 $0x1000  }
0xd6: {  	[tilespmem:s14], [sflag:$0x1] =	stream.linear.gather [hbm4b:s9+s24], $0x28, $0x38;
	[tilespmem:$0x1CF00] =	vst v63  }
0xd7: {  	s19 =	rddreg [dreg:$0x13];
	s25 =	simm.s32 $0x480  }
0xd8: {  	[tilespmem:s25], [sflag:$0x1] =	stream.linear.gather [hbm4b:s19+s24], $0x28, $0x38;
	[tilespmem:$0x1CF00] =	vst v63  }
0xd9: {  	s26 =	rddreg [dreg:$0x14];
	s28 =	simm.s32 $0x1080  }
0xda: {  	[tilespmem:s28], [sflag:$0x1] =	stream.linear.gather [hbm4b:s26+s24], $0x28, $0x38;
	[tilespmem:$0x1CF00] =	vst v63  }
0xdb: {  	s30 =	rddreg [dreg:$0x15];
	s31 =	simm.s32 $0x500  }
0xdc: {  	[tilespmem:s31], [sflag:$0x1] =	stream.linear.gather [hbm4b:s30+s24], $0x28, $0x38;
	[tilespmem:$0x1CF00] =	vst v63  }
0xdd: {  	s3 =	rddreg [dreg:$0x16];
	s5 =	simm.s32 $0x1100  }
0xde: {  	[tilespmem:s5], [sflag:$0x1] =	stream.linear.gather [hbm4b:s3+s24], $0x28, $0x38;
	[tilespmem:$0x1CF00] =	vst v63  }
0xdf: {  	s9 =	rddreg [dreg:$0x17];
	s14 =	simm.s32 $0x580  }
0xe0: {  	[tilespmem:s14], [sflag:$0x1] =	stream.linear.gather [hbm4b:s9+s24], $0x28, $0x38;
	[tilespmem:$0x1CF00] =	vst v63  }
0xe1: {  	s19 =	rddreg [dreg:$0x18];
	s25 =	simm.s32 $0x1180  }
0xe2: {  	[tilespmem:s25], [sflag:$0x1] =	stream.linear.gather [hbm4b:s19+s24], $0x28, $0x38;
	[tilespmem:$0x1CF00] =	vst v63  }
0xe3: {  	s26 =	rddreg [dreg:$0x19];
	s28 =	simm.s32 $0x600  }
0xe4: {  	[tilespmem:s28], [sflag:$0x1] =	stream.linear.gather [hbm4b:s26+s24], $0x28, $0x38;
	[tilespmem:$0x1CF00] =	vst v63  }
0xe5: {  	s30 =	rddreg [dreg:$0x1a];
	s31 =	simm.s32 $0x1200;
	s25 =	simm.s32 $0x2  }
0xe6: {  	[tilespmem:s31], [sflag:$0x1] =	stream.linear.gather [hbm4b:s30+s24], $0x28, $0x38;
	[tilespmem:$0x1CF00] =	vst v63  }
0xe7: {  	_ =	swait.ge [sflag:s25], $0x1000  }
0xe8: {  	[sflag:s25] =	ssyncset.done $0x0  }
0xe9: {  	[sflag:s25] =	ssyncadd.s32 $0xFFFFF000  }
0xea: {  	_ =	swait.ge [sflag:s25], $0x1000  }
0xeb: {  	[sflag:s25] =	ssyncset.done $0x0  }
0xec: {  	[sflag:s25] =	ssyncadd.s32 $0xFFFFF000  }
0xed: {  	_ =	swait.ge [sflag:s25], $0x1000  }
0xee: {  	[sflag:s25] =	ssyncset.done $0x0  }
0xef: {  	[sflag:s25] =	ssyncadd.s32 $0xFFFFF000  }
0xf0: {  	_ =	swait.ge [sflag:s25], $0x1000  }
0xf1: {  	[sflag:s25] =	ssyncset.done $0x0  }
0xf2: {  	[sflag:s25] =	ssyncadd.s32 $0xFFFFF000  }
0xf3: {  	_ =	swait.ge [sflag:s25], $0x1000  }
0xf4: {  	[sflag:s25] =	ssyncset.done $0x0  }
0xf5: {  	[sflag:s25] =	ssyncadd.s32 $0xFFFFF000  }
0xf6: {  	_ =	swait.ge [sflag:s25], $0x1000  }
0xf7: {  	[sflag:s25] =	ssyncset.done $0x0  }
0xf8: {  	[sflag:s25] =	ssyncadd.s32 $0xFFFFF000  }
0xf9: {  	_ =	swait.ge [sflag:s25], $0x1000  }
0xfa: {  	[sflag:s25] =	ssyncset.done $0x0  }
0xfb: {  	[sflag:s25] =	ssyncadd.s32 $0xFFFFF000  }
0xfc: {  	_ =	swait.ge [sflag:s25], $0x1000  }
0xfd: {  	[sflag:s25] =	ssyncset.done $0x0  }
0xfe: {  	[sflag:s25] =	ssyncadd.s32 $0xFFFFF000  }
0xff: {  	_ =	swait.ge [sflag:s25], $0x1000  }
0x100: {  	[sflag:s25] =	ssyncset.done $0x0  }
0x101: {  	[sflag:s25] =	ssyncadd.s32 $0xFFFFF000  }
0x102: {  	_ =	swait.ge [sflag:s25], $0x1000  }
0x103: {  	[sflag:s25] =	ssyncset.done $0x0  }
0x104: {  	[sflag:s25] =	ssyncadd.s32 $0xFFFFF000  }
0x105: {  	_ =	swait.ge [sflag:s25], $0x1000  }
0x106: {  	[sflag:s25] =	ssyncset.done $0x0  }
0x107: {  	[sflag:s25] =	ssyncadd.s32 $0xFFFFF000  }
0x108: {  	_ =	swait.ge [sflag:s25], $0x1000  }
0x109: {  	[sflag:s25] =	ssyncset.done $0x0  }
0x10a: {  	[sflag:s25] =	ssyncadd.s32 $0xFFFFF000  }
0x10b: {  	_ =	swait.ge [sflag:s25], $0x1000  }
0x10c: {  	[sflag:s25] =	ssyncset.done $0x0  }
0x10d: {  	[sflag:s25] =	ssyncadd.s32 $0xFFFFF000  }
0x10e: {  	_ =	swait.ge [sflag:s25], $0x1000  }
0x10f: {  	[sflag:s25] =	ssyncset.done $0x0  }
0x110: {  	[sflag:s25] =	ssyncadd.s32 $0xFFFFF000  }
0x111: {  	_ =	swait.ge [sflag:s25], $0x1000  }
0x112: {  	[sflag:s25] =	ssyncset.done $0x0  }
0x113: {  	[sflag:s25] =	ssyncadd.s32 $0xFFFFF000  }
0x114: {  	_ =	swait.ge [sflag:s25], $0x1000  }
0x115: {  	[sflag:s25] =	ssyncset.done $0x0  }
0x116: {  	[sflag:s25] =	ssyncadd.s32 $0xFFFFF000  }
0x117: {  	_ =	swait.ge [sflag:s25], $0x1000  }
0x118: {  	[sflag:s25] =	ssyncset.done $0x0  }
0x119: {  	[sflag:s25] =	ssyncadd.s32 $0xFFFFF000  }
0x11a: {  	_ =	swait.ge [sflag:s25], $0x1000  }
0x11b: {  	[sflag:s25] =	ssyncset.done $0x0  }
0x11c: {  	[sflag:s25] =	ssyncadd.s32 $0xFFFFF000  }
0x11d: {  	_ =	swait.ge [sflag:s25], $0x1000  }
0x11e: {  	[sflag:s25] =	ssyncset.done $0x0  }
0x11f: {  	[sflag:s25] =	ssyncadd.s32 $0xFFFFF000  }
0x120: {  	_ =	swait.ge [sflag:s25], $0x1000  }
0x121: {  	[sflag:s25] =	ssyncset.done $0x0  }
0x122: {  	[sflag:s25] =	ssyncadd.s32 $0xFFFFF000  }
0x123: {  	_ =	swait.ge [sflag:s25], $0x80  }
0x124: {  	[sflag:s25] =	ssyncset.done $0x0  }
0x125: {  	[sflag:s25] =	ssyncadd.s32 $0xFFFFFF80  }
0x126: {  	_ =	swait.ge [sflag:s25], $0x80  }
0x127: {  	[sflag:s25] =	ssyncset.done $0x0  }
0x128: {  	[sflag:s25] =	ssyncadd.s32 $0xFFFFFF80  }
0x129: {  	_ =	swait.ge [sflag:s25], $0x80  }
0x12a: {  	[sflag:s25] =	ssyncset.done $0x0  }
0x12b: {  	[sflag:s25] =	ssyncadd.s32 $0xFFFFFF80  }
0x12c: {  	_ =	swait.ge [sflag:s25], $0x80  }
0x12d: {  	[sflag:s25] =	ssyncset.done $0x0  }
0x12e: {  	[sflag:s25] =	ssyncadd.s32 $0xFFFFFF80  }
.Ltmp3:
0x12f: {  	_ =	swait.ge [sflag:s25], $0x80;
	(pc) =	sbr.rel .LBB2_4-.Ltmp3, $3  }
0x130: {  	[sflag:s25] =	ssyncset.done $0x0  }
0x131: {  	[sflag:s25] =	ssyncadd.s32 $0xFFFFFF80  }
0x132: {  	[bflag:$0x0] =	sbarrier.arrive $0xFFFF;
	_ =	sdelay $0x1  }
.LBB2_6:
0x133: {  	s26 =	smul.u32 $0xAB, s1;
	_ =	sdelay $0x1  }
0x134: {  	s3 =	simm.s32 $0x7;
	s26 =	sshrl.u32 s26, $0x9  }
0x135: {  	_ =	swait.ge [sflag:s3], $0x1400;
	s26 =	sand.u32 $0x7F, s26  }
0x136: {  	[sflag:s3] =	ssyncset.done $0x0;
	s26 =	smul.u32 $0x3, s26  }
0x137: {  	[sflag:s3] =	ssyncadd.s32 $0xFFFFEC00  }
0x138: {  	_ =	swait.ge [sflag:s3], $0x28;
	s26 =	ssub.s32 s1, s26  }
0x139: {  	[sflag:s3] =	ssyncset.done $0x0;
	s26 =	sand.u32 $0xFF, s26  }
0x13a: {  	[sflag:s3] =	ssyncadd.s32 $0xFFFFFFD8;
	s26 =	sshll.u32 s26, $0xA  }
0x13b: {  	[tilespmem:s8], [sflag:$0x2] =	stream.indirect.gather [hbm4b:s29+s18], $0x80, s26, s18, $0xb8;
	[tilespmem:$0x1CF00] =	vst v63  }
0x13c: {  	s9 =	simm.s32 $0x8;
	s28 =	sor.u32 $0x18, s26;
	s8 =	simm.s32 $0x2400  }
0x13d: {  	[tilespmem:s8], [sflag:$0x2] =	stream.indirect.gather [hbm4b:s29+s20], $0x80, s28, s20, $0xb8;
	[tilespmem:$0x1CF00] =	vst v63  }
0x13e: {  	_ =	swait.ge [sflag:s9], $0x1400  }
0x13f: {  	[sflag:s9] =	ssyncset.done $0x0  }
0x140: {  	[sflag:s9] =	ssyncadd.s32 $0xFFFFEC00  }
0x141: {  	_ =	swait.ge [sflag:s9], $0x28  }
0x142: {  	[sflag:s9] =	ssyncset.done $0x0  }
0x143: {  	s28 =	sor.u32 $0x80, s26;
	[sflag:s9] =	ssyncadd.s32 $0xFFFFFFD8  }
0x144: {  	[tilespmem:s12], [sflag:$0x3] =	stream.indirect.gather [hbm4b:s29+s18], $0x80, s28, s18, $0xb8;
	[tilespmem:$0x1CF00] =	vst v63  }
0x145: {  	s14 =	simm.s32 $0x9;
	s30 =	sor.u32 $0x98, s26;
	s12 =	simm.s32 $0x3800  }
0x146: {  	[tilespmem:s12], [sflag:$0x3] =	stream.indirect.gather [hbm4b:s29+s20], $0x80, s30, s20, $0xb8;
	[tilespmem:$0x1CF00] =	vst v63  }
0x147: {  	_ =	swait.ge [sflag:s14], $0x1400  }
0x148: {  	[sflag:s14] =	ssyncset.done $0x0  }
0x149: {  	[sflag:s14] =	ssyncadd.s32 $0xFFFFEC00  }
0x14a: {  	_ =	swait.ge [sflag:s14], $0x28  }
0x14b: {  	[sflag:s14] =	ssyncset.done $0x0  }
0x14c: {  	s30 =	sor.u32 $0x100, s26;
	[sflag:s14] =	ssyncadd.s32 $0xFFFFFFD8  }
0x14d: {  	[tilespmem:s15], [sflag:$0x4] =	stream.indirect.gather [hbm4b:s29+s18], $0x80, s30, s18, $0xb8;
	[tilespmem:$0x1CF00] =	vst v63  }
0x14e: {  	s31 =	sor.u32 $0x118, s26;
	s15 =	simm.s32 $0x4C00  }
0x14f: {  	[tilespmem:s15], [sflag:$0x4] =	stream.indirect.gather [hbm4b:s29+s20], $0x80, s31, s20, $0xb8;
	[tilespmem:$0x1CF00] =	vst v63  }
0x150: {  	_ =	swait.ge [sflag:s22], $0x1400  }
0x151: {  	[sflag:s22] =	ssyncset.done $0x0  }
0x152: {  	[sflag:s22] =	ssyncadd.s32 $0xFFFFEC00  }
0x153: {  	_ =	swait.ge [sflag:s22], $0x28  }
0x154: {  	[sflag:s22] =	ssyncset.done $0x0  }
0x155: {  	s31 =	sor.u32 $0x180, s26;
	[sflag:s22] =	ssyncadd.s32 $0xFFFFFFD8  }
0x156: {  	[tilespmem:s11], [sflag:$0x5] =	stream.indirect.gather [hbm4b:s29+s18], $0x80, s31, s18, $0xb8;
	[tilespmem:$0x1CF00] =	vst v63  }
0x157: {  	s5 =	simm.s32 $0x6000;
	s19 =	sor.u32 $0x198, s26  }
0x158: {  	[tilespmem:s5], [sflag:$0x5] =	stream.indirect.gather [hbm4b:s29+s20], $0x80, s19, s20, $0xb8;
	[tilespmem:$0x1CF00] =	vst v63  }
0x159: {  	_ =	swait.ge [sflag:s23], $0x1400  }
0x15a: {  	[sflag:s23] =	ssyncset.done $0x0  }
0x15b: {  	[sflag:s23] =	ssyncadd.s32 $0xFFFFEC00  }
0x15c: {  	_ =	swait.ge [sflag:s23], $0x28  }
0x15d: {  	s12 =	simm.s32 $0x1800;
	s14 =	simm.s32 $0x5400;
	[sflag:s23] =	ssyncset.done $0x0  }
0x15e: {  	s15 =	simm.s32 $0x2C00;
	s11 =	simm.s32 $0x4000;
	[sflag:s23] =	ssyncadd.s32 $0xFFFFFFD8  }
.LBB2_7:
0x15f: {  	p0 =	sgt.u32 s1, $0x2F  }
0x160: {  	s1 =	sor.u32 $0x200, s26;
	s9 =	simm.s32 $0x6800;
	s3 =	smul.u32 @!p0 $0xAB, s25  }
0x161: {  	[tilespmem:s9], [sflag:$0x6] =	stream.indirect.gather [hbm4b:s29+s18], $0x80, s1, s18, $0xb8;
	[tilespmem:$0x1CF00] =	vst v63  }
0x162: {  	s19 =	sadd.s32 $0x218, s26;
	s5 =	simm.s32 $0x7400;
	s3 =	sshrl.u32 @!p0 s3, $0x9  }
0x163: {  	[tilespmem:s5], [sflag:$0x6] =	stream.indirect.gather [hbm4b:s29+s20], $0x80, s19, s20, $0xb8;
	[tilespmem:$0x1CF00] =	vst v63  }
0x164: {  	s3 =	sand.u32 @!p0 $0x7F, s3  }
0x165: {  	s3 =	smul.u32 @!p0 $0x3, s3  }
0x166: {  	s5 =	sld [smem:$0x7E1]  }
0x167: {  	s3 =	ssub.s32 @!p0 s25, s3  }
0x168: {  	s8 =	sld [smem:$0x7E0];
	s3 =	sand.u32 @!p0 $0xFF, s3  }
0x169: {  	s19 =	sadd.s32 @!p0 s24, s5;
	s5 =	simm.s32 @!p0 $0x0;
	s3 =	sshll.u32 @!p0 s3, $0xA  }
0x16a: {  	[tilespmem:s3], [sflag:$0x1] =	stream.linear.gather @!p0 [hbm4b:s19+s5], $0x28, $0x38;
	[tilespmem:$0x1CF00] =	vst v63  }
0x16b: {  	s8 =	sadd.s32 @!p0 s24, s8;
	s19 =	sadd.s32 @!p0 $0xC00, s3  }
0x16c: {  	[tilespmem:s19], [sflag:$0x1] =	stream.linear.gather @!p0 [hbm4b:s8+s5], $0x28, $0x38;
	[tilespmem:$0x1CF00] =	vst v63  }
0x16d: {  	s19 =	sld [smem:$0x7DF];
	_ =	sdelay $0x2  }
0x16e: {  	s8 =	sor.u32 @!p0 $0x80, s3;
	s19 =	sadd.s32 @!p0 s24, s19  }
0x16f: {  	[tilespmem:s8], [sflag:$0x1] =	stream.linear.gather @!p0 [hbm4b:s19+s5], $0x28, $0x38;
	[tilespmem:$0x1CF00] =	vst v63  }
0x170: {  	s19 =	sld [smem:$0x7DE];
	_ =	sdelay $0x2  }
0x171: {  	s8 =	sadd.s32 @!p0 $0xC80, s3;
	s19 =	sadd.s32 @!p0 s24, s19  }
0x172: {  	[tilespmem:s8], [sflag:$0x1] =	stream.linear.gather @!p0 [hbm4b:s19+s5], $0x28, $0x38;
	[tilespmem:$0x1CF00] =	vst v63  }
0x173: {  	s19 =	sld [smem:$0x7DD];
	_ =	sdelay $0x2  }
0x174: {  	s8 =	sor.u32 @!p0 $0x100, s3;
	s19 =	sadd.s32 @!p0 s24, s19  }
0x175: {  	[tilespmem:s8], [sflag:$0x1] =	stream.linear.gather @!p0 [hbm4b:s19+s5], $0x28, $0x38;
	[tilespmem:$0x1CF00] =	vst v63  }
0x176: {  	s19 =	rddreg [dreg:$0x1f]  }
0x177: {  	s8 =	sadd.s32 @!p0 $0xD00, s3;
	s19 =	sadd.s32 @!p0 s24, s19  }
0x178: {  	[tilespmem:s8], [sflag:$0x1] =	stream.linear.gather @!p0 [hbm4b:s19+s5], $0x28, $0x38;
	[tilespmem:$0x1CF00] =	vst v63  }
0x179: {  	s19 =	rddreg [dreg:$0x1e]  }
0x17a: {  	s8 =	sor.u32 @!p0 $0x180, s3;
	s19 =	sadd.s32 @!p0 s24, s19  }
0x17b: {  	[tilespmem:s8], [sflag:$0x1] =	stream.linear.gather @!p0 [hbm4b:s19+s5], $0x28, $0x38;
	[tilespmem:$0x1CF00] =	vst v63  }
0x17c: {  	s19 =	rddreg [dreg:$0x1d]  }
0x17d: {  	s8 =	sadd.s32 @!p0 $0xD80, s3;
	s19 =	sadd.s32 @!p0 s24, s19  }
0x17e: {  	[tilespmem:s8], [sflag:$0x1] =	stream.linear.gather @!p0 [hbm4b:s19+s5], $0x28, $0x38;
	[tilespmem:$0x1CF00] =	vst v63  }
0x17f: {  	s19 =	rddreg [dreg:$0x1c]  }
0x180: {  	s8 =	sor.u32 @!p0 $0x200, s3;
	s19 =	sadd.s32 @!p0 s24, s19  }
0x181: {  	[tilespmem:s8], [sflag:$0x1] =	stream.linear.gather @!p0 [hbm4b:s19+s5], $0x28, $0x38;
	[tilespmem:$0x1CF00] =	vst v63  }
0x182: {  	s8 =	rddreg [dreg:$0x1b]  }
0x183: {  	s3 =	sadd.s32 @!p0 $0xE00, s3;
	s8 =	sadd.s32 @!p0 s24, s8  }
0x184: {  	[tilespmem:s3], [sflag:$0x1] =	stream.linear.gather @!p0 [hbm4b:s8+s5], $0x28, $0x38;
	[tilespmem:$0x1CF00] =	vst v63  }
0x185: {  	_ =	swait.ge [sflag:s4], $0xC00  }
0x186: {  	[sflag:s4] =	ssyncset.done $0x0  }
0x187: {  	[sflag:s4] =	ssyncadd.s32 $0xFFFFF400  }
0x188: {  	_ =	swait.ge [sflag:s4], $0x800  }
0x189: {  	[sflag:s4] =	ssyncset.done $0x0  }
0x18a: {  	s26 =	sadd.s32 $0xC00, s26;
	[sflag:s4] =	ssyncadd.s32 $0xFFFFF800  }
0x18b: {  	[spmem:s0] =	stream.indirect.scatter.add.f32 [tilespmem:s12], [sflag:$0x7], $0x80, s26, s6, $0xb8;
	[tilespmem:$0x1CF00] =	vst v63  }
0x18c: {  	_ = 	snop  }
0x18d: {  	[spmem:s2] =	stream.indirect.scatter.add.f32 [tilespmem:s10], [sflag:$0x7], $0x1, s26, s6, $0xb8;
	[tilespmem:$0x1CF00] =	vst v63  }
0x18e: {  	_ =	swait.ge [sflag:s13], $0xC00  }
0x18f: {  	[sflag:s13] =	ssyncset.done $0x0  }
0x190: {  	[sflag:s13] =	ssyncadd.s32 $0xFFFFF400  }
0x191: {  	_ =	swait.ge [sflag:s13], $0x800  }
0x192: {  	[sflag:s13] =	ssyncset.done $0x0  }
0x193: {  	s28 =	sadd.s32 $0xC00, s28;
	[sflag:s13] =	ssyncadd.s32 $0xFFFFF800  }
0x194: {  	[spmem:s0] =	stream.indirect.scatter.add.f32 [tilespmem:s15], [sflag:$0x8], $0x80, s28, s6, $0xb8;
	[tilespmem:$0x1CF00] =	vst v63  }
0x195: {  	_ = 	snop  }
0x196: {  	[spmem:s2] =	stream.indirect.scatter.add.f32 [tilespmem:s10], [sflag:$0x8], $0x1, s28, s6, $0xb8;
	[tilespmem:$0x1CF00] =	vst v63  }
0x197: {  	_ =	swait.ge [sflag:s16], $0xC00  }
0x198: {  	[sflag:s16] =	ssyncset.done $0x0  }
0x199: {  	[sflag:s16] =	ssyncadd.s32 $0xFFFFF400  }
0x19a: {  	_ =	swait.ge [sflag:s16], $0x800  }
0x19b: {  	[sflag:s16] =	ssyncset.done $0x0  }
0x19c: {  	s30 =	sadd.s32 $0xC00, s30;
	[sflag:s16] =	ssyncadd.s32 $0xFFFFF800  }
0x19d: {  	[spmem:s0] =	stream.indirect.scatter.add.f32 [tilespmem:s11], [sflag:$0x9], $0x80, s30, s6, $0xb8;
	[tilespmem:$0x1CF00] =	vst v63  }
0x19e: {  	_ = 	snop  }
0x19f: {  	[spmem:s2] =	stream.indirect.scatter.add.f32 [tilespmem:s10], [sflag:$0x9], $0x1, s30, s6, $0xb8;
	[tilespmem:$0x1CF00] =	vst v63  }
0x1a0: {  	_ =	swait.ge [sflag:s21], $0xC00  }
0x1a1: {  	[sflag:s21] =	ssyncset.done $0x0  }
0x1a2: {  	[sflag:s21] =	ssyncadd.s32 $0xFFFFF400  }
0x1a3: {  	_ =	swait.ge [sflag:s21], $0x800  }
0x1a4: {  	[sflag:s21] =	ssyncset.done $0x0  }
0x1a5: {  	s31 =	sadd.s32 $0xC00, s31;
	[sflag:s21] =	ssyncadd.s32 $0xFFFFF800  }
0x1a6: {  	[spmem:s0] =	stream.indirect.scatter.add.f32 [tilespmem:s14], [sflag:$0xA], $0x80, s31, s6, $0xb8;
	[tilespmem:$0x1CF00] =	vst v63  }
0x1a7: {  	_ = 	snop  }
0x1a8: {  	[spmem:s2] =	stream.indirect.scatter.add.f32 [tilespmem:s10], [sflag:$0xA], $0x1, s31, s6, $0xb8;
	[tilespmem:$0x1CF00] =	vst v63  }
0x1a9: {  	_ =	swait.ge [sflag:s7], $0xC00  }
0x1aa: {  	[sflag:s7] =	ssyncset.done $0x0  }
0x1ab: {  	s24 =	sadd.s32 $0x19, s24;
	[sflag:s7] =	ssyncadd.s32 $0xFFFFF400  }
0x1ac: {  	p0 =	sne.s32 s24, $0x4E2;
	_ =	swait.ge [sflag:s7], $0x800  }
.Ltmp4:
0x1ad: {  	s1 =	sadd.s32 $0xC00, s1;
	[sflag:s7] =	ssyncset.done $0x0;
	(pc) =	sbr.rel @!p0 .LBB2_8-.Ltmp4, $4  }
0x1ae: {  	s25 =	sadd.s32 $0x1, s25;
	s8 =	simm.s32 $0x1800;
	[sflag:s7] =	ssyncadd.s32 $0xFFFFF800  }
0x1af: {  	[spmem:s0] =	stream.indirect.scatter.add.f32 [tilespmem:s9], [sflag:$0xB], $0x80, s1, s6, $0xb8;
	[tilespmem:$0x1CF00] =	vst v63  }
0x1b0: {  	s12 =	simm.s32 $0x2C00;
	s15 =	simm.s32 $0x4000;
	s11 =	simm.s32 $0x5400  }
0x1b1: {  	[spmem:s2] =	stream.indirect.scatter.add.f32 [tilespmem:s10], [sflag:$0xB], $0x1, s1, s6, $0xb8;
	[tilespmem:$0x1CF00] =	vst v63  }
.LBB2_4:
0x1b2: {  	_ =	swait.ge [sflag:s17], $0x28  }
0x1b3: {  	[sflag:s17] =	ssyncset.done $0x0  }
0x1b4: {  	[sflag:s17] =	ssyncadd.s32 $0xFFFFFFD8  }
0x1b5: {  	_ =	swait.ge [sflag:s17], $0x28  }
0x1b6: {  	[sflag:s17] =	ssyncset.done $0x0  }
0x1b7: {  	[sflag:s17] =	ssyncadd.s32 $0xFFFFFFD8  }
0x1b8: {  	_ =	swait.ge [sflag:s17], $0x28  }
0x1b9: {  	[sflag:s17] =	ssyncset.done $0x0  }
0x1ba: {  	[sflag:s17] =	ssyncadd.s32 $0xFFFFFFD8  }
0x1bb: {  	_ =	swait.ge [sflag:s17], $0x28  }
0x1bc: {  	[sflag:s17] =	ssyncset.done $0x0  }
0x1bd: {  	[sflag:s17] =	ssyncadd.s32 $0xFFFFFFD8  }
0x1be: {  	_ =	swait.ge [sflag:s17], $0x28  }
0x1bf: {  	[sflag:s17] =	ssyncset.done $0x0  }
0x1c0: {  	[sflag:s17] =	ssyncadd.s32 $0xFFFFFFD8  }
0x1c1: {  	_ =	swait.ge [sflag:s17], $0x28  }
0x1c2: {  	[sflag:s17] =	ssyncset.done $0x0  }
0x1c3: {  	[sflag:s17] =	ssyncadd.s32 $0xFFFFFFD8  }
0x1c4: {  	_ =	swait.ge [sflag:s17], $0x28  }
0x1c5: {  	[sflag:s17] =	ssyncset.done $0x0  }
0x1c6: {  	[sflag:s17] =	ssyncadd.s32 $0xFFFFFFD8  }
0x1c7: {  	_ =	swait.ge [sflag:s17], $0x28  }
0x1c8: {  	[sflag:s17] =	ssyncset.done $0x0  }
0x1c9: {  	[sflag:s17] =	ssyncadd.s32 $0xFFFFFFD8  }
0x1ca: {  	p0 =	sne.s32 s24, $0x0;
	_ =	swait.ge [sflag:s17], $0x28  }
.Ltmp5:
0x1cb: {  	[sflag:s17] =	ssyncset.done $0x0;
	(pc) =	sbr.rel @p0 .LBB2_6-.Ltmp5, $4  }
0x1cc: {  	[sflag:s17] =	ssyncadd.s32 $0xFFFFFFD8  }
0x1cd: {  	_ =	swait.ge [sflag:s17], $0x28  }
0x1ce: {  	[sflag:s17] =	ssyncset.done $0x0  }
0x1cf: {  	s1 =	sadd.s32 $0xFFFFFFFE, s25;
	[sflag:s17] =	ssyncadd.s32 $0xFFFFFFD8  }
0x1d0: {  	s26 =	simm.s32 $0x0  }
0x1d1: {  	[tilespmem:s8], [sflag:$0x2] =	stream.indirect.gather [hbm4b:s29+s18], $0x80, s26, s18, $0xb8;
	[tilespmem:$0x1CF00] =	vst v63  }
0x1d2: {  	s3 =	simm.s32 $0x2400  }
0x1d3: {  	[tilespmem:s3], [sflag:$0x2] =	stream.indirect.gather [hbm4b:s29+s20], $0x80, s18, s20, $0xb8;
	[tilespmem:$0x1CF00] =	vst v63  }
0x1d4: {  	s28 =	simm.s32 $0x80  }
0x1d5: {  	[tilespmem:s12], [sflag:$0x3] =	stream.indirect.gather [hbm4b:s29+s18], $0x80, s28, s18, $0xb8;
	[tilespmem:$0x1CF00] =	vst v63  }
0x1d6: {  	s9 =	simm.s32 $0x98;
	s5 =	simm.s32 $0x3800  }
0x1d7: {  	[tilespmem:s5], [sflag:$0x3] =	stream.indirect.gather [hbm4b:s29+s20], $0x80, s9, s20, $0xb8;
	[tilespmem:$0x1CF00] =	vst v63  }
0x1d8: {  	s30 =	simm.s32 $0x100  }
0x1d9: {  	[tilespmem:s15], [sflag:$0x4] =	stream.indirect.gather [hbm4b:s29+s18], $0x80, s30, s18, $0xb8;
	[tilespmem:$0x1CF00] =	vst v63  }
0x1da: {  	s14 =	simm.s32 $0x4C00;
	s12 =	simm.s32 $0x118  }
0x1db: {  	[tilespmem:s14], [sflag:$0x4] =	stream.indirect.gather [hbm4b:s29+s20], $0x80, s12, s20, $0xb8;
	[tilespmem:$0x1CF00] =	vst v63  }
.Ltmp6:
0x1dc: {  	s31 =	simm.s32 $0x180;
	(pc) =	sbr.rel .LBB2_7-.Ltmp6, $4  }
0x1dd: {  	[tilespmem:s11], [sflag:$0x5] =	stream.indirect.gather [hbm4b:s29+s18], $0x80, s31, s18, $0xb8;
	[tilespmem:$0x1CF00] =	vst v63  }
0x1de: {  	s19 =	simm.s32 $0x6000;
	s15 =	simm.s32 $0x198;
	s14 =	simm.s32 $0x5400  }
0x1df: {  	[tilespmem:s19], [sflag:$0x5] =	stream.indirect.gather [hbm4b:s29+s20], $0x80, s15, s20, $0xb8;
	[tilespmem:$0x1CF00] =	vst v63  }
0x1e0: {  	s12 =	simm.s32 $0x1800;
	s11 =	simm.s32 $0x4000;
	s15 =	simm.s32 $0x2C00  }
.LBB2_9:
0x1e1: {  	_ =	sfence.sel $0x180000  }
0x1e2: {  	[bflag:$0x0] =	sbarrier.arrive $0xFFFF  }
0x1e3: {  	_ =	strace $0x90000047  }
0x1e4: {  	s0 =	stileid.u32;
	[bflag:$0x2] =	sbarrier.arrive $0xFFFF  }
0x1e5: {  	p0 =	sne.s32 s0, $0x0;
	s0 =	rddreg [dreg:$0x6]  }
0x1e6: {  	s0 =	sadd.s32 @!p0 $0x100000, s0  }
0x1e7: {  	[sflag:s0] =	ssyncadd.tile.s32 @!p0 $0x1;
	_ =	shalt  }
.Lfunc_end2:
_tile_overlayer_lowered:
.L_overlay_start_2:
0x1e8: {  	(tag) =	ssettag $0x2  }
0x1e9: {  	s0 =	rddreg [dreg:$0x0];
	s2 =	stileid.u32  }
0x1ea: {  	s1 =	rddreg [dreg:$0x1];
	p0 =	sne.s32 s2, $0x0  }
0x1eb: {  	s3 =	rddreg [dreg:$0x2];
	[bflag:$0x3] =	sbarrier.arrive $0xFFFF;
	s2 =	simm.s32 @!p0 $0x1C0C  }
0x1ec: {  	[timem:s3], [sflag:s2] =	dma.local @!p0 [hbm:s0], s1  }
0x1ed: {  	s0 =	simm.s32 @!p0 $0xC  }
0x1ee: {  	_ =	swait.ge @!p0 [sflag:s0], s1  }
0x1ef: {  	s1 =	ssub.s32 @!p0 $0x0, s1;
	[sflag:s0] =	ssyncset.done @!p0 $0x0  }
0x1f0: {  	[sflag:s0] =	ssyncadd.s32 @!p0 s1  }
0x1f1: {  	[bflag:$0x3] =	sbarrier.arrive $0xFFFF  }
0x1f2: {  	_ =	shalt  }

</sc_bundles>
